<compile_context>
chip_gen: v7x
topology: tpu7x:2x2x1
jax: 0.10.2.dev20260603
libtpu: 0.0.44.dev20260713+nightly
codegen_flags: <defaults>
</compile_context>

<pallas_src>
import functools

import jax
import jax.numpy as jnp
from jax import lax
from jax.experimental import pallas as pl
from jax.experimental.pallas import tpu as pltpu
from jax.experimental.pallas import tpu_sc as plsc

N = 20000
C = 20
MAXD = 300
K = 512
MK = 384
BLK = 2000
SCORE_THR = 0.05
NMS_THR = 0.5
TH0 = 0x3D4CCCCD
HI0 = 0x3F800000

def _cumsum_lanes(x):
    n = x.shape[-1]
    k = 1
    while k < n:
        shifted = jnp.concatenate(
            [jnp.zeros(x.shape[:-1] + (k,), x.dtype), x[..., : n - k]], axis=-1)
        x = x + shifted
        k *= 2
    return x


def _bf16_split3(v):
    h = v.astype(jnp.bfloat16).astype(jnp.float32)
    r = v - h
    m = r.astype(jnp.bfloat16).astype(jnp.float32)
    return h, m, r - m


def _split_cols(p):
    h, m, l = _bf16_split3(p)
    return jnp.concatenate([h, m, l], axis=1)


def _ac_body(bits_ref, hi_ref, wm_ref,
             thi_ref, twm_ref, rem_ref, neq_ref):
    bits = bits_ref[0, :, :]
    hi = hi_ref[0, :, :]
    wm = wm_ref[0, :, :]
    iota_n = jax.lax.broadcasted_iota(jnp.int32, (C, N), 1)
    cand = bits > TH0
    restricted = cand & ((bits < hi) | ((bits == hi) & (iota_n >= wm)))
    ri = restricted.astype(jnp.int32)
    cntr = jnp.sum(ri, axis=1, keepdims=True)

    def bs_body(_, lohi):
        lo, hicur = lohi
        mid = (lo + hicur) // 2
        fmid = jnp.sum((restricted & (bits > mid)).astype(jnp.int32),
                       axis=1, keepdims=True)
        take = fmid < K
        return jnp.where(take, lo, mid + 1), jnp.where(take, mid, hicur)

    lo0 = jnp.full((C, 1), TH0, jnp.int32)
    hi0 = jnp.full((C, 1), HI0, jnp.int32)
    _, tbits = jax.lax.fori_loop(0, 30, bs_body, (lo0, hi0))

    small = cntr <= K
    tbits = jnp.where(small, TH0, tbits)
    mask_hi = restricted & (bits > tbits)
    n_hi = jnp.sum(mask_hi.astype(jnp.int32), axis=1, keepdims=True)
    n_hi = jnp.where(small, cntr, n_hi)
    n_eq_take = jnp.where(small, 0, K - n_hi)

    mask_eq = restricted & (bits == tbits)
    eq_rank = _cumsum_lanes(mask_eq.astype(jnp.int32)) - mask_eq.astype(jnp.int32)
    eq_take = mask_eq & (eq_rank < n_eq_take)
    chunk = mask_hi | eq_take
    n_chunk = n_hi + n_eq_take
    next_wm = jnp.max(jnp.where(eq_take, iota_n, -1), axis=1, keepdims=True) + 1

    thi_ref[0, :, :] = tbits
    twm_ref[0, :, :] = next_wm
    rem_ref[0, :, :] = cntr - n_chunk

    neq_ref[0, :, :] = n_eq_take



_NC = 2
_NS = 16
_NW = _NC * _NS
_KPAD = K + 32


@functools.lru_cache(maxsize=None)
def _make_sc_compact(BC):
    mesh = plsc.VectorSubcoreMesh(core_axis_name="c", subcore_axis_name="s",
                                  num_cores=_NC)
    f32 = jnp.float32
    i32 = jnp.int32

    @functools.partial(
        pl.kernel, mesh=mesh,
        compiler_params=pltpu.CompilerParams(needs_layout_passes=False,
                                             use_tc_tiling_on_sc=False),
        out_type=[jax.ShapeDtypeStruct((BC, K), f32),
                  jax.ShapeDtypeStruct((BC, K, 16), f32),
                  jax.ShapeDtypeStruct((BC, 16), i32)],
        scratch_types=[pltpu.VMEM((N,), f32),
                       pltpu.VMEM((_KPAD,), i32),
                       pltpu.VMEM((K,), i32),
                       pltpu.VMEM((K,), f32),
                       pltpu.VMEM((K, 16), f32),
                       pltpu.VMEM((64,), i32),
                       pltpu.SemaphoreType.DMA],
    )
    def sc_compact(scores_hbm, pay_hbm, par_hbm,
                   cidx_out, pay_out, ncnt_out,
                   sc_v, ci_v, giv, cif_v, pg_v, pv, sem):
        wid = lax.axis_index("s") * _NC + lax.axis_index("c")
        iota16 = lax.broadcasted_iota(i32, (16,), 0)
        zero16 = jnp.zeros((16,), i32)
        th016 = jnp.full((16,), TH0, i32)

        def process(t):
            pltpu.sync_copy(scores_hbm.at[t], sc_v)
            pltpu.sync_copy(par_hbm.at[t], pv)
            tb = pv[pl.ds(0, 16)]
            hi = pv[pl.ds(16, 16)]
            wm = pv[pl.ds(32, 16)]
            ne = pv[pl.ds(48, 16)]

            def initb(i, _):
                ci_v[pl.ds(i * 16, 16)] = zero16
                return 0
            lax.fori_loop(0, _KPAD // 16, initb, 0)

            def p1(i, cnt):
                v = plsc.bitcast(sc_v[pl.ds(i * 16, 16)], i32)
                gidx = iota16 + i * 16
                m = (v > tb) & ((v < hi) | ((v == hi) & (gidx >= wm)))
                plsc.store_compressed(ci_v.at[pl.ds(cnt, 16)], gidx, mask=m)
                return cnt + jnp.sum(m.astype(i32))
            cnt1 = lax.fori_loop(0, N // 16, p1, jnp.int32(0))

            def p2(i, cnt):
                v = plsc.bitcast(sc_v[pl.ds(i * 16, 16)], i32)
                gidx = iota16 + i * 16
                me = ((v > th016) & (v == tb)
                      & ((v < hi) | ((v == hi) & (gidx >= wm))))
                pre = plsc.cumsum(me.astype(i32))
                take = me & ((cnt - cnt1 + pre) <= ne)
                plsc.store_compressed(ci_v.at[pl.ds(cnt, 16)], gidx, mask=take)
                return cnt + jnp.sum(take.astype(i32))
            cnt2 = lax.fori_loop(0, N // 16, p2, cnt1)

            def g1(j, _):
                iv = ci_v[pl.ds(j * 16, 16)]
                cif_v[pl.ds(j * 16, 16)] = iv.astype(f32)
                giv[pl.ds(j * 16, 16)] = iv
                return 0
            lax.fori_loop(0, K // 16, g1, 0)

            pltpu.async_copy(pay_hbm.at[t].at[giv], pg_v, sem).wait()
            pltpu.sync_copy(cif_v, cidx_out.at[t])
            pltpu.sync_copy(pg_v, pay_out.at[t])
            ncv = jnp.full((16,), cnt2, i32)
            ci_v[pl.ds(0, 16)] = ncv
            pltpu.sync_copy(ci_v.at[pl.ds(0, 16)], ncnt_out.at[t])

        process(wid)

        @pl.when(wid + _NW < BC)
        def _second():
            process(wid + _NW)

    return sc_compact


def _t_body(cidx_ref, csc_ref, cx1_ref, cy1_ref, cx2_ref, cy2_ref, rem_ref,
            kidx_ref, ksc_ref, kx1_ref, ky1_ref, kx2_ref, ky2_ref, kcnt_ref,
            oidx_ref, osc_ref, ox1_ref, oy1_ref, ox2_ref, oy2_ref,
            ocnt_ref, done_ref,
            s_s, p_s):
    neg_inf = jnp.float32(-jnp.inf)
    iota300 = jax.lax.broadcasted_iota(jnp.int32, (MAXD, 1), 0).astype(jnp.float32)

    def cls_body(c, _):
        r = pl.ds(c, 1)
        sc = csc_ref[0, r, :]
        idxf = cidx_ref[0, r, :]
        x1 = cx1_ref[0, r, :]; y1 = cy1_ref[0, r, :]
        x2 = cx2_ref[0, r, :]; y2 = cy2_ref[0, r, :]
        area = jnp.maximum(x2 - x1, 0.0) * jnp.maximum(y2 - y1, 0.0)
        scT = jnp.reshape(sc, (K, 1))
        idxT = jnp.reshape(idxf, (K, 1))
        x1T = jnp.reshape(x1, (K, 1)); y1T = jnp.reshape(y1, (K, 1))
        x2T = jnp.reshape(x2, (K, 1)); y2T = jnp.reshape(y2, (K, 1))
        areaT = jnp.reshape(area, (K, 1))

        kx1 = kx1_ref[0, r, :]; ky1 = ky1_ref[0, r, :]
        kx2 = kx2_ref[0, r, :]; ky2 = ky2_ref[0, r, :]
        karea = jnp.maximum(kx2 - kx1, 0.0) * jnp.maximum(ky2 - ky1, 0.0)
        xx1 = jnp.maximum(kx1, x1T); yy1 = jnp.maximum(ky1, y1T)
        xx2 = jnp.minimum(kx2, x2T); yy2 = jnp.minimum(ky2, y2T)
        w = jnp.maximum(xx2 - xx1, 0.0); h = jnp.maximum(yy2 - yy1, 0.0)
        inter = w * h
        iouk = inter / (karea + areaT - inter + 1e-9)
        supk = jnp.sum((iouk > NMS_THR).astype(jnp.float32), axis=1,
                       keepdims=True)
        alive0 = jnp.reshape(
            jnp.where((scT != neg_inf) & (supk == 0.0), 1.0, 0.0), (1, K))

        prec = (scT > sc) | ((scT == sc) & (idxT < idxf))
        xx1c = jnp.maximum(x1T, x1); yy1c = jnp.maximum(y1T, y1)
        xx2c = jnp.minimum(x2T, x2); yy2c = jnp.minimum(y2T, y2)
        wc = jnp.maximum(xx2c - xx1c, 0.0); hc = jnp.maximum(yy2c - yy1c, 0.0)
        interc = wc * hc
        iouc = interc / (areaT + area - interc + 1e-9)
        s_s[:, :] = jnp.where(prec & (iouc > NMS_THR), 1.0, 0.0)
        p_s[:, :] = jnp.where(prec, 1.0, 0.0)

        def fp_cond(carry):
            _, changed = carry
            return changed

        def fp_body(carry):
            kv, _ = carry
            sup = jnp.dot(kv, s_s[:, :], preferred_element_type=jnp.float32)
            knew = alive0 * jnp.where(sup == 0.0, 1.0, 0.0)
            return knew, jnp.any(knew != kv)

        kfin, _ = jax.lax.while_loop(fp_cond, fp_body, (alive0, True))

        rank = jnp.dot(kfin, p_s[:, :], preferred_element_type=jnp.float32)
        kc = kcnt_ref[0, r, :].astype(jnp.float32)
        f = kfin * jnp.where(rank + kc < MAXD, 1.0, 0.0)
        n_new = jnp.sum(f)
        tslot = rank + kc
        oneh = jnp.where((tslot == iota300) & (f != 0.0), 1.0, 0.0)
        scT_f = jnp.where(scT == neg_inf, 0.0, scT)
        payload = jnp.concatenate([idxT, scT_f, x1T, y1T, x2T, y2T], axis=1)
        newv18 = jnp.dot(oneh, _split_cols(payload),
                         preferred_element_type=jnp.float32)
        newv = newv18[:, 0:6] + newv18[:, 6:12] + newv18[:, 12:18]
        wmask = jnp.sum(oneh, axis=1, keepdims=True) > 0.0

        def upd(out_ref, in_ref, col):
            old = in_ref[0, r, :]
            new = jnp.reshape(newv[:, col:col + 1], (1, MAXD))
            wrow = jnp.reshape(wmask, (1, MAXD))
            out_ref[0, r, :] = jnp.where(wrow, new, old)

        upd(oidx_ref, kidx_ref, 0)
        upd(osc_ref, ksc_ref, 1)
        upd(ox1_ref, kx1_ref, 2)
        upd(oy1_ref, ky1_ref, 3)
        upd(ox2_ref, kx2_ref, 4)
        upd(oy2_ref, ky2_ref, 5)
        kcn = kcnt_ref[0, r, :] + n_new.astype(jnp.int32)
        ocnt_ref[0, r, :] = kcn
        rem = rem_ref[0, r, :]
        done_ref[0, r, :] = ((kcn >= MAXD) | (rem == 0)).astype(jnp.int32)
        return 0

    jax.lax.fori_loop(0, C, cls_body, 0)


def _m_body(kidx_ref, ksc_ref, ksb_ref, kx1_ref, ky1_ref, kx2_ref, ky2_ref,
            ob_ref, os_ref, ol_ref,
            pos_s, sel_s, tp_s, acc_s):
    i32 = jnp.int32
    f32 = jnp.float32
    sbits = ksb_ref[0, :, :]
    kidxf = kidx_ref[0, :, :]
    ciota = jax.lax.broadcasted_iota(i32, (C, MAXD), 0).astype(f32)
    tp_s[:, :] = ciota * jnp.float32(N) + kidxf
    valid = sbits > TH0

    nv = jnp.sum(valid.astype(i32)).reshape(1, 1)

    def bs_body(_, lohi):
        lo, hicur = lohi
        mid = (lo + hicur) // 2
        fmid = jnp.sum((sbits > mid).astype(i32)).reshape(1, 1)
        take = fmid < MAXD
        return jnp.where(take, lo, mid + 1), jnp.where(take, mid, hicur)

    lo0 = jnp.full((1, 1), TH0, i32)
    hi0 = jnp.full((1, 1), HI0, i32)
    _, tbits = jax.lax.fori_loop(0, 30, bs_body, (lo0, hi0))
    small = nv <= MAXD
    tbits = jnp.where(small, TH0, tbits)
    mask_hi = sbits > tbits
    n_hi = jnp.sum(mask_hi.astype(i32)).reshape(1, 1)
    n_hi = jnp.where(small, nv, n_hi)
    n_eq = jnp.where(small, 0, MAXD - n_hi)
    mask_eq = valid & (sbits == tbits)

    def cmprefix(m):
        le = _cumsum_lanes(m)
        row_tot = le[:, MAXD - 1:MAXD]
        ro = row_tot
        kk = 1
        while kk < C:
            sh = jnp.concatenate(
                [jnp.zeros((kk, 1), i32), ro[: C - kk, :]], axis=0)
            ro = ro + sh
            kk *= 2
        return le - m + (ro - row_tot)

    eqrank = cmprefix(mask_eq.astype(i32))
    sel = mask_hi | (mask_eq & (eqrank < n_eq))
    seli = sel.astype(i32)
    pos_s[:, :] = cmprefix(seli)
    sel_s[:, :] = seli
    acc_s[:, :] = jnp.zeros((MK, 21), f32)

    iota_mk = jax.lax.broadcasted_iota(i32, (MK, 1), 0)
    ones_col = jnp.ones((MAXD, 1), f32)

    def cls_body(c, _):
        r = pl.ds(c, 1)
        posc = pos_s[r, :]
        selc = sel_s[r, :] != 0
        oneh = ((posc == iota_mk) & selc).astype(f32)
        scrow = ksc_ref[0, r, :]
        scrow = jnp.where(scrow == jnp.float32(-jnp.inf), 0.0, scrow)
        payload = jnp.concatenate(
            [jnp.reshape(scrow, (MAXD, 1)),
             jnp.reshape(kx1_ref[0, r, :], (MAXD, 1)),
             jnp.reshape(ky1_ref[0, r, :], (MAXD, 1)),
             jnp.reshape(kx2_ref[0, r, :], (MAXD, 1)),
             jnp.reshape(ky2_ref[0, r, :], (MAXD, 1)),
             jnp.reshape(tp_s[r, :], (MAXD, 1)),
             ones_col], axis=1)
        acc_s[:, :] = acc_s[:, :] + jnp.dot(
            oneh, _split_cols(payload), preferred_element_type=f32)
        return 0

    jax.lax.fori_loop(0, C, cls_body, 0)

    acc21 = acc_s[:, :]
    acc = acc21[:, 0:7] + acc21[:, 7:14] + acc21[:, 14:21]
    csT = acc[:, 0:1]
    ctpT = acc[:, 5:6]
    cvaT = acc[:, 6:7] > 0.5
    cs = jnp.reshape(csT, (1, MK))
    ctp = jnp.reshape(ctpT, (1, MK))
    cva = jnp.reshape(cvaT, (1, MK))
    prec = (csT > cs) | ((csT == cs) & (ctpT < ctp))
    pf = jnp.where(prec & cvaT, 1.0, 0.0)
    rank = jnp.sum(pf, axis=0, keepdims=True)
    iota300 = jax.lax.broadcasted_iota(i32, (MAXD, 1), 0).astype(f32)
    oneh2 = jnp.where((rank == iota300) & cva, 1.0, 0.0)
    outs21 = jnp.dot(oneh2, acc21, preferred_element_type=f32)
    outs = outs21[:, 0:7] + outs21[:, 7:14] + outs21[:, 14:21]
    wm = jnp.sum(oneh2, axis=1, keepdims=True) > 0.0

    os_ref[0, :, :] = jnp.reshape(jnp.where(wm, outs[:, 0:1], -1.0), (1, MAXD))
    lab = outs[:, 5:6].astype(i32) // N
    ol_ref[0, :, :] = jnp.reshape(jnp.where(wm, lab, -1), (1, MAXD))
    ob_ref[0, :, 0:1] = jnp.where(wm, outs[:, 1:2], -1.0)
    ob_ref[0, :, 1:2] = jnp.where(wm, outs[:, 2:3], -1.0)
    ob_ref[0, :, 2:3] = jnp.where(wm, outs[:, 3:4], -1.0)
    ob_ref[0, :, 3:4] = jnp.where(wm, outs[:, 4:5], -1.0)


def kernel(boxes, classification):
    B = boxes.shape[0]
    scores_t = classification.transpose(0, 2, 1)
    bits_t = jax.lax.bitcast_convert_type(scores_t, jnp.int32)

    def bspec(shape):
        return pl.BlockSpec((1,) + shape,
                            lambda b: (b,) + (0,) * len(shape))

    f32 = jnp.float32
    i32 = jnp.int32

    ac = pl.pallas_call(
        _ac_body,
        grid=(B,),
        in_specs=[bspec((C, N)), bspec((C, 1)), bspec((C, 1))],
        out_specs=[bspec((C, 1))] * 4,
        out_shape=[jax.ShapeDtypeStruct((B, C, 1), i32)] * 4,
    )

    BC = B * C
    sc_compact = _make_sc_compact(BC)
    scores_flat = scores_t.reshape(BC, N)
    pay = jnp.concatenate(
        [scores_t[..., None],
         jnp.broadcast_to(boxes[:, None, :, :], (B, C, N, 4)),
         jnp.zeros((B, C, N, 11), f32)], axis=-1).reshape(BC, N, 16)

    tk = pl.pallas_call(
        _t_body,
        grid=(B,),
        in_specs=[bspec((C, K))] * 6 + [bspec((C, 1))]
        + [bspec((C, MAXD))] * 6 + [bspec((C, 1))],
        out_specs=[bspec((C, MAXD))] * 6 + [bspec((C, 1))] * 2,
        out_shape=[jax.ShapeDtypeStruct((B, C, MAXD), f32)] * 6
        + [jax.ShapeDtypeStruct((B, C, 1), i32)] * 2,
        scratch_shapes=[pltpu.VMEM((K, K), f32), pltpu.VMEM((K, K), f32)],
    )

    mg = pl.pallas_call(
        _m_body,
        grid=(B,),
        in_specs=[bspec((C, MAXD))] * 7,
        out_specs=[bspec((MAXD, 4)), bspec((1, MAXD)), bspec((1, MAXD))],
        out_shape=[jax.ShapeDtypeStruct((B, MAXD, 4), f32),
                   jax.ShapeDtypeStruct((B, 1, MAXD), f32),
                   jax.ShapeDtypeStruct((B, 1, MAXD), i32)],
        scratch_shapes=[pltpu.VMEM((C, MAXD), i32), pltpu.VMEM((C, MAXD), i32),
                        pltpu.VMEM((C, MAXD), f32), pltpu.VMEM((MK, 21), f32)],
    )

    neg_inf = jnp.float32(-jnp.inf)
    hi = jnp.full((B, C, 1), HI0, i32)
    wm = jnp.zeros((B, C, 1), i32)
    done = jnp.zeros((B, C, 1), i32)
    kplane = jnp.zeros((B, C, MAXD), f32)
    kept0 = (kplane, jnp.full((B, C, MAXD), neg_inf, f32),
             kplane, kplane, kplane, kplane)
    kcnt = jnp.zeros((B, C, 1), i32)

    def cond(st):
        return jnp.any(st[2] == 0)

    def body(st):
        hi, wm, done, kept, kcnt = st
        thi, twm, rem, neq = ac(bits_t, hi, wm)
        par = jnp.repeat(
            jnp.stack([thi.reshape(BC), hi.reshape(BC),
                       wm.reshape(BC), neq.reshape(BC)], axis=1), 16, axis=1)
        par = jnp.pad(par, ((0, 48 - BC), (0, 0)))
        cidxf, payg, ncnt = sc_compact(scores_flat, pay, par)
        cidx = cidxf.reshape(B, C, K)
        valid = jnp.arange(K)[None, :] < ncnt[:, 0:1]
        csc = jnp.where(valid, payg[..., 0],
                        jnp.float32(-jnp.inf)).reshape(B, C, K)
        cb = payg.reshape(B, C, K, 16)
        cx1 = cb[..., 1]; cy1 = cb[..., 2]; cx2 = cb[..., 3]; cy2 = cb[..., 4]
        outs = tk(cidx, csc, cx1, cy1, cx2, cy2, rem,
                  kept[0], kept[1], kept[2], kept[3], kept[4], kept[5], kcnt)
        nkept = tuple(outs[0:6])
        nkcnt, ndone = outs[6], outs[7]
        return (thi, twm, ndone, nkept, nkcnt)

    hi, wm, done, kept, kcnt = jax.lax.while_loop(
        cond, body, (hi, wm, done, kept0, kcnt))

    ksb = jax.lax.bitcast_convert_type(kept[1], i32)
    ob, osc, ol = mg(kept[0], kept[1], ksb, kept[2], kept[3], kept[4], kept[5])
    return ob, osc.reshape(B, MAXD), ol.reshape(B, MAXD)

# --- scband reference (transcript-rebuilt; emitter-appended) ---
"""Pipeline reference for scband-filter-42331197670043 (READ-ONLY COPY).

The authoritative reference and input builder live on the scoring server;
editing this copy changes nothing except your own understanding.
"""

import jax, jax.numpy as jnp
import numpy as np

NMS = True
CLASS_SPECIFIC = True
NMS_THR = 0.5
SCORE_THR = 0.05
MAX_DET = 300


def _nms_np(bxs, scs, max_out, iou_thr):
    x1 = bxs[:, 0]; y1 = bxs[:, 1]; x2 = bxs[:, 2]; y2 = bxs[:, 3]
    areas = np.maximum(x2 - x1, 0.0) * np.maximum(y2 - y1, 0.0)
    order = np.argsort(-scs, kind='stable')
    keep = []
    while order.size > 0 and len(keep) < max_out:
        i = order[0]
        keep.append(i)
        rest = order[1:]
        xx1 = np.maximum(x1[i], x1[rest]); yy1 = np.maximum(y1[i], y1[rest])
        xx2 = np.minimum(x2[i], x2[rest]); yy2 = np.minimum(y2[i], y2[rest])
        w = np.maximum(xx2 - xx1, 0.0); h = np.maximum(yy2 - yy1, 0.0)
        inter = w * h
        iou = inter / (areas[i] + areas[rest] - inter + 1e-9)
        order = rest[iou <= iou_thr]
    return np.asarray(keep, dtype=np.int64)


def _select_indices(boxes_np, cls_np):
    if CLASS_SPECIFIC:
        all_i = []; all_l = []
        for c in range(cls_np.shape[1]):
            scores = cls_np[:, c]
            cand = np.where(scores > SCORE_THR)[0]
            if NMS and cand.size > 0:
                keep = _nms_np(boxes_np[cand], scores[cand], MAX_DET, NMS_THR)
                cand = cand[keep]
            all_i.append(cand)
            all_l.append(np.full(cand.shape, c, np.int64))
        anchor = np.concatenate(all_i); labels = np.concatenate(all_l)
    else:
        scores = cls_np.max(axis=1)
        labels_all = cls_np.argmax(axis=1)
        cand = np.where(scores > SCORE_THR)[0]
        if NMS and cand.size > 0:
            keep = _nms_np(boxes_np[cand], scores[cand], MAX_DET, NMS_THR)
            cand = cand[keep]
        anchor = cand; labels = labels_all[cand].astype(np.int64)
    sel_scores = cls_np[anchor, labels]
    k = min(MAX_DET, sel_scores.shape[0])
    top = np.argsort(-sel_scores, kind='stable')[:k]
    return anchor[top], labels[top], k


def _nms_fixed(boxes, scores):
    N = boxes.shape[0]
    x1 = boxes[:, 0]; y1 = boxes[:, 1]; x2 = boxes[:, 2]; y2 = boxes[:, 3]
    areas = jnp.maximum(x2 - x1, 0.0) * jnp.maximum(y2 - y1, 0.0)
    idx = jnp.arange(N)

    def body(i, state):
        remaining, kept = state
        masked = jnp.where(remaining, scores, -jnp.inf)
        best = jnp.argmax(masked)
        has = jnp.any(remaining)
        kept = kept.at[i].set(jnp.where(has, best.astype(jnp.int32), jnp.int32(-1)))
        xx1 = jnp.maximum(x1[best], x1); yy1 = jnp.maximum(y1[best], y1)
        xx2 = jnp.minimum(x2[best], x2); yy2 = jnp.minimum(y2[best], y2)
        w = jnp.maximum(xx2 - xx1, 0.0); h = jnp.maximum(yy2 - yy1, 0.0)
        inter = w * h
        iou = inter / (areas[best] + areas - inter + 1e-9)
        sup = (iou > NMS_THR) | (idx == best)
        remaining = remaining & ~(sup & has)
        return remaining, kept

    kept0 = jnp.full((MAX_DET,), -1, jnp.int32)
    _, kept = jax.lax.fori_loop(0, MAX_DET, body, (scores > SCORE_THR, kept0))
    return kept


def setup_inputs(seed: int = 0):
    key = jax.random.key(seed)
    k1, k2 = jax.random.split(key)
    raw = jax.random.uniform(k1, (2, 20000, 4), dtype=jnp.float32)
    x1 = raw[..., 0] * 512.0
    y1 = raw[..., 1] * 512.0
    x2 = x1 + raw[..., 2] * 64.0 + 1.0
    y2 = y1 + raw[..., 3] * 64.0 + 1.0
    boxes = jnp.stack([x1, y1, x2, y2], axis=-1)
    classification = jax.random.uniform(k2, (2, 20000, 20), dtype=jnp.float32)
    return {"boxes": boxes, "classification": classification}


def reference(boxes, classification):
    B = boxes.shape[0]
    C = classification.shape[2]
    ob = []; os_ = []; ol = []
    for b in range(B):
        boxes_b = boxes[b]
        cls_b = classification[b]
        kept = jax.vmap(_nms_fixed, in_axes=(None, 1))(boxes_b, cls_b)
        labels2d = jnp.broadcast_to(
            jnp.arange(C, dtype=jnp.int32)[:, None], kept.shape)
        anchors = kept.reshape(-1)
        labels = labels2d.reshape(-1)
        valid = anchors >= 0
        safe_a = jnp.where(valid, anchors, 0)
        sel = cls_b[safe_a, labels]
        sort_key = jnp.where(valid, sel, -jnp.inf)
        order = jnp.argsort(-sort_key)
        top = order[:MAX_DET]
        va = valid[top]
        a = jnp.where(va, anchors[top], 0)
        l = labels[top]
        bb = jnp.where(va[:, None], boxes_b[a], -1.0)
        ss = jnp.where(va, cls_b[a, l], -1.0)
        ll = jnp.where(va, l, jnp.int32(-1))
        ob.append(bb); os_.append(ss); ol.append(ll)
    return jnp.stack(ob), jnp.stack(os_), jnp.stack(ol)

if __name__ == "__main__":
    import jax
    _d = setup_inputs()
    print(jax.jit(kernel)(*tuple(_d.values())))

</pallas_src>

<mosaic_0001>
#map = affine_map<(d0, d1) -> (0, 0)>
#map1 = affine_map<(d0, d1) -> (0, 0, 0)>
module attributes {stable_mosaic.version = 14 : i64} {
  func.func @sc_compact(%arg0: i32, %arg1: i32, %arg2: memref<40x20000xf32, #tpu.memory_space<hbm>>, %arg3: memref<40x20000x16xf32, #tpu.memory_space<hbm>>, %arg4: memref<48x64xi32, #tpu.memory_space<hbm>>, %arg5: memref<40x512xf32, #tpu.memory_space<hbm>>, %arg6: memref<40x512x16xf32, #tpu.memory_space<hbm>>, %arg7: memref<40x16xi32, #tpu.memory_space<hbm>>, %arg8: memref<20000xf32, #tpu.memory_space<vmem>>, %arg9: memref<544xi32, #tpu.memory_space<vmem>>, %arg10: memref<512xi32, #tpu.memory_space<vmem>>, %arg11: memref<512xf32, #tpu.memory_space<vmem>>, %arg12: memref<512x16xf32, #tpu.memory_space<vmem>>, %arg13: memref<64xi32, #tpu.memory_space<vmem>>, %arg14: memref<!tpu.dma_semaphore, #tpu.memory_space<semaphore_mem>>) attributes {dimension_semantics = [#tpu.dimension_semantics<core_parallel>, #tpu.dimension_semantics<subcore_parallel>], iteration_bounds = array<i64: 2, 16>, scalar_prefetch = 0 : i64, scratch_operands = 7 : i64, tpu.core_type = #tpu.core_type<sc_vector_subcore>, window_params = [{transform_indices = #map}, {transform_indices = #map1}, {transform_indices = #map}, {transform_indices = #map}, {transform_indices = #map1}, {transform_indices = #map}]} {
    %mul3A = arith.constant 2 : i32
    %mul3A_0 = arith.muli %arg1, %mul3A : i32
    %add3A = arith.addi %mul3A_0, %arg0 : i32
    %iota3A = tpu.iota {dimensions = array<i32: 0>} : vector<16xi32>
    %broadcast_in_dim3A = arith.constant 0 : i32
    %broadcast_in_dim3A_1 = vector.broadcast %broadcast_in_dim3A : i32 to vector<16xi32>
    %broadcast_in_dim3A_2 = arith.constant 1028443341 : i32
    %broadcast_in_dim3A_3 = vector.broadcast %broadcast_in_dim3A_2 : i32 to vector<16xi32>
    "tpu.region"() ({
      %run_scoped3A = tpu.sem_alloc : memref<!tpu.dma_semaphore, #tpu.memory_space<semaphore_mem>>
      %dma_start3A_55 = arith.constant 0 : i32
      %dma_start3A_56 = tpu.memref_slice %arg2[%add3A, %dma_start3A_55] : memref<40x20000xf32, #tpu.memory_space<hbm>> -> memref<1x20000xf32, #tpu.memory_space<hbm>>
      %dma_start3A_57 = tpu.memref_squeeze %dma_start3A_56 : memref<1x20000xf32, #tpu.memory_space<hbm>> -> memref<20000xf32, #tpu.memory_space<hbm>>
      %dma_start3A_58 = arith.constant 0 : i32
      %dma_start3A_59 = tpu.memref_slice %arg2[%add3A, %dma_start3A_58] : memref<40x20000xf32, #tpu.memory_space<hbm>> -> memref<1x20000xf32, #tpu.memory_space<hbm>>
      %dma_start3A_60 = tpu.memref_squeeze %dma_start3A_59 : memref<1x20000xf32, #tpu.memory_space<hbm>> -> memref<20000xf32, #tpu.memory_space<hbm>>
      tpu.enqueue_dma source(%dma_start3A_60 : memref<20000xf32, #tpu.memory_space<hbm>>) target(%arg8 : memref<20000xf32, #tpu.memory_space<vmem>>) target_semaphore(%run_scoped3A : memref<!tpu.dma_semaphore, #tpu.memory_space<semaphore_mem>>)
      %dma_wait3A_61 = arith.constant 0 : i32
      %dma_wait3A_62 = tpu.memref_slice %arg2[%add3A, %dma_wait3A_61] : memref<40x20000xf32, #tpu.memory_space<hbm>> -> memref<1x20000xf32, #tpu.memory_space<hbm>>
      %dma_wait3A_63 = tpu.memref_squeeze %dma_wait3A_62 : memref<1x20000xf32, #tpu.memory_space<hbm>> -> memref<20000xf32, #tpu.memory_space<hbm>>
      %dma_wait3A_64 = arith.constant 0 : i32
      %dma_wait3A_65 = tpu.memref_slice %arg2[%add3A, %dma_wait3A_64] : memref<40x20000xf32, #tpu.memory_space<hbm>> -> memref<1x20000xf32, #tpu.memory_space<hbm>>
      %dma_wait3A_66 = tpu.memref_squeeze %dma_wait3A_65 : memref<1x20000xf32, #tpu.memory_space<hbm>> -> memref<20000xf32, #tpu.memory_space<hbm>>
      tpu.wait_dma2 semaphore(%run_scoped3A : memref<!tpu.dma_semaphore, #tpu.memory_space<semaphore_mem>>) src(%dma_wait3A_66 : memref<20000xf32, #tpu.memory_space<hbm>>) dst(%arg8 : memref<20000xf32, #tpu.memory_space<vmem>>)
      tpu.yield
    }) : () -> ()
    "tpu.region"() ({
      %run_scoped3A = tpu.sem_alloc : memref<!tpu.dma_semaphore, #tpu.memory_space<semaphore_mem>>
      %dma_start3A_55 = arith.constant 0 : i32
      %dma_start3A_56 = tpu.memref_slice %arg4[%add3A, %dma_start3A_55] : memref<48x64xi32, #tpu.memory_space<hbm>> -> memref<1x64xi32, #tpu.memory_space<hbm>>
      %dma_start3A_57 = tpu.memref_squeeze %dma_start3A_56 : memref<1x64xi32, #tpu.memory_space<hbm>> -> memref<64xi32, #tpu.memory_space<hbm>>
      %dma_start3A_58 = arith.constant 0 : i32
      %dma_start3A_59 = tpu.memref_slice %arg4[%add3A, %dma_start3A_58] : memref<48x64xi32, #tpu.memory_space<hbm>> -> memref<1x64xi32, #tpu.memory_space<hbm>>
      %dma_start3A_60 = tpu.memref_squeeze %dma_start3A_59 : memref<1x64xi32, #tpu.memory_space<hbm>> -> memref<64xi32, #tpu.memory_space<hbm>>
      tpu.enqueue_dma source(%dma_start3A_60 : memref<64xi32, #tpu.memory_space<hbm>>) target(%arg13 : memref<64xi32, #tpu.memory_space<vmem>>) target_semaphore(%run_scoped3A : memref<!tpu.dma_semaphore, #tpu.memory_space<semaphore_mem>>)
      %dma_wait3A_61 = arith.constant 0 : i32
      %dma_wait3A_62 = tpu.memref_slice %arg4[%add3A, %dma_wait3A_61] : memref<48x64xi32, #tpu.memory_space<hbm>> -> memref<1x64xi32, #tpu.memory_space<hbm>>
      %dma_wait3A_63 = tpu.memref_squeeze %dma_wait3A_62 : memref<1x64xi32, #tpu.memory_space<hbm>> -> memref<64xi32, #tpu.memory_space<hbm>>
      %dma_wait3A_64 = arith.constant 0 : i32
      %dma_wait3A_65 = tpu.memref_slice %arg4[%add3A, %dma_wait3A_64] : memref<48x64xi32, #tpu.memory_space<hbm>> -> memref<1x64xi32, #tpu.memory_space<hbm>>
      %dma_wait3A_66 = tpu.memref_squeeze %dma_wait3A_65 : memref<1x64xi32, #tpu.memory_space<hbm>> -> memref<64xi32, #tpu.memory_space<hbm>>
      tpu.wait_dma2 semaphore(%run_scoped3A : memref<!tpu.dma_semaphore, #tpu.memory_space<semaphore_mem>>) src(%dma_wait3A_66 : memref<64xi32, #tpu.memory_space<hbm>>) dst(%arg13 : memref<64xi32, #tpu.memory_space<vmem>>)
      tpu.yield
    }) : () -> ()
    %get3A = arith.constant 0 : index
    %get3A_4 = tpu.vector_load %arg13[%get3A] {strides = array<i32>} : memref<64xi32, #tpu.memory_space<vmem>>, vector<16xi32>,
    %get3A_5 = arith.constant 16 : index
    %get3A_6 = tpu.vector_load %arg13[%get3A_5] {strides = array<i32>} : memref<64xi32, #tpu.memory_space<vmem>>, vector<16xi32>,
    %get3A_7 = arith.constant 32 : index
    %get3A_8 = tpu.vector_load %arg13[%get3A_7] {strides = array<i32>} : memref<64xi32, #tpu.memory_space<vmem>>, vector<16xi32>,
    %get3A_9 = arith.constant 48 : index
    %get3A_10 = tpu.vector_load %arg13[%get3A_9] {strides = array<i32>} : memref<64xi32, #tpu.memory_space<vmem>>, vector<16xi32>,
    %scan3A = arith.constant 0 : i32
    %scan3A_11 = arith.constant 0 : i32
    %scan3A_12 = arith.constant 34 : i32
    %scan3A_13 = arith.addi %scan3A_11, %scan3A_12 : i32
    %scan3A_14 = arith.constant 1 : i32
    %scan3A_15 = scf.for %scan3A_55 = %scan3A_11 to %scan3A_13 step %scan3A_14 iter_args(%scan3A_56 = %scan3A) -> (i32)  : i32 {
      %mul3A_57 = arith.constant 16 : i32
      %mul3A_58 = arith.muli %scan3A_55, %mul3A_57 : i32
      %swap3A_59 = arith.index_cast %mul3A_58 : i32 to index
      %swap3A_60 = tpu.vector_load %arg9[%swap3A_59] {strides = array<i32>} : memref<544xi32, #tpu.memory_space<vmem>>, vector<16xi32>,
      tpu.vector_store %arg9[%swap3A_59], %broadcast_in_dim3A_1 {strides = array<i32>} : memref<544xi32, #tpu.memory_space<vmem>>, vector<16xi32>,
      %scan3A_61 = arith.constant 0 : i32
      scf.yield %scan3A_61 : i32
    }
    %scan3A_16 = arith.constant 34 : i32
    %scan3A_17 = arith.constant 0 : i32
    %scan3A_18 = arith.constant 0 : i32
    %scan3A_19 = arith.constant 1250 : i32
    %scan3A_20 = arith.addi %scan3A_18, %scan3A_19 : i32
    %scan3A_21 = arith.constant 1 : i32
    %scan3A_22 = scf.for %scan3A_55 = %scan3A_18 to %scan3A_20 step %scan3A_21 iter_args(%scan3A_56 = %scan3A_17) -> (i32)  : i32 {
      %mul3A_57 = arith.constant 16 : i32
      %mul3A_58 = arith.muli %scan3A_55, %mul3A_57 : i32
      %get3A_59 = arith.index_cast %mul3A_58 : i32 to index
      %get3A_60 = tpu.vector_load %arg8[%get3A_59] {strides = array<i32>} : memref<20000xf32, #tpu.memory_space<vmem>>, vector<16xf32>,
      %bitcast3A = vector.bitcast %get3A_60 : vector<16xf32> to vector<16xi32>
      %mul3A_61 = arith.constant 16 : i32
      %mul3A_62 = arith.muli %scan3A_55, %mul3A_61 : i32
      %add3A_63 = vector.broadcast %mul3A_62 : i32 to vector<16xi32>
      %add3A_64 = arith.addi %iota3A, %add3A_63 : vector<16xi32>
      %gt3A = arith.cmpi sgt, %bitcast3A, %get3A_4 : vector<16xi32>
      %lt3A_65 = arith.cmpi slt, %bitcast3A, %get3A_6 : vector<16xi32>
      %eq3A = arith.cmpi eq, %bitcast3A, %get3A_6 : vector<16xi32>
      %ge3A = arith.cmpi sge, %add3A_64, %get3A_8 : vector<16xi32>
      %and3A = arith.andi %eq3A, %ge3A : vector<16xi1>
      %or3A = arith.ori %lt3A_65, %and3A : vector<16xi1>
      %and3A_66 = arith.andi %gt3A, %or3A : vector<16xi1>
      %swap3A_67 = arith.index_cast %scan3A_56 : i32 to index
      %swap3A_68 = tpu.vector_load %arg9[%swap3A_67] masked %and3A_66 {strides = array<i32>} : memref<544xi32, #tpu.memory_space<vmem>>, vector<16xi32>, vector<16xi1>
      tpu.vector_store %arg9[%swap3A_67], %add3A_64 masked %and3A_66 {strides = array<i32>} : memref<544xi32, #tpu.memory_space<vmem>>, vector<16xi32>, vector<16xi1>
      %convert_element_type3A_69 = arith.extui %and3A_66 : vector<16xi1> to vector<16xi32>
      %reduce_sum3A = arith.constant true
      %reduce_sum3A_70 = vector.broadcast %reduce_sum3A : i1 to vector<16xi1>
      %reduce_sum3A_71 = tpu.scan <sum>, %convert_element_type3A_69 masked %reduce_sum3A_70 : vector<16xi32>, vector<16xi1> -> vector<16xi32>
      %reduce_sum3A_72 = vector.extract %reduce_sum3A_71[15] : i32 from vector<16xi32>
      %add3A_73 = arith.addi %scan3A_56, %reduce_sum3A_72 : i32
      scf.yield %add3A_73 : i32
    }
    %scan3A_23 = arith.constant 1250 : i32
    %scan3A_24 = arith.constant 0 : i32
    %scan3A_25 = arith.constant 1250 : i32
    %scan3A_26 = arith.addi %scan3A_24, %scan3A_25 : i32
    %scan3A_27 = arith.constant 1 : i32
    %scan3A_28 = scf.for %scan3A_55 = %scan3A_24 to %scan3A_26 step %scan3A_27 iter_args(%scan3A_56 = %scan3A_22) -> (i32)  : i32 {
      %mul3A_57 = arith.constant 16 : i32
      %mul3A_58 = arith.muli %scan3A_55, %mul3A_57 : i32
      %get3A_59 = arith.index_cast %mul3A_58 : i32 to index
      %get3A_60 = tpu.vector_load %arg8[%get3A_59] {strides = array<i32>} : memref<20000xf32, #tpu.memory_space<vmem>>, vector<16xf32>,
      %bitcast3A = vector.bitcast %get3A_60 : vector<16xf32> to vector<16xi32>
      %mul3A_61 = arith.constant 16 : i32
      %mul3A_62 = arith.muli %scan3A_55, %mul3A_61 : i32
      %add3A_63 = vector.broadcast %mul3A_62 : i32 to vector<16xi32>
      %add3A_64 = arith.addi %iota3A, %add3A_63 : vector<16xi32>
      %gt3A = arith.cmpi sgt, %bitcast3A, %broadcast_in_dim3A_3 : vector<16xi32>
      %eq3A = arith.cmpi eq, %bitcast3A, %get3A_4 : vector<16xi32>
      %and3A = arith.andi %gt3A, %eq3A : vector<16xi1>
      %lt3A_65 = arith.cmpi slt, %bitcast3A, %get3A_6 : vector<16xi32>
      %eq3A_66 = arith.cmpi eq, %bitcast3A, %get3A_6 : vector<16xi32>
      %ge3A = arith.cmpi sge, %add3A_64, %get3A_8 : vector<16xi32>
      %and3A_67 = arith.andi %eq3A_66, %ge3A : vector<16xi1>
      %or3A = arith.ori %lt3A_65, %and3A_67 : vector<16xi1>
      %and3A_68 = arith.andi %and3A, %or3A : vector<16xi1>
      %convert_element_type3A_69 = arith.extui %and3A_68 : vector<16xi1> to vector<16xi32>
      %broadcast_in_dim3A_70 = arith.constant true
      %broadcast_in_dim3A_71 = vector.broadcast %broadcast_in_dim3A_70 : i1 to vector<16xi1>
      %masked_cumsum3A = tpu.scan <sum>, %convert_element_type3A_69 masked %broadcast_in_dim3A_71 : vector<16xi32>, vector<16xi1> -> vector<16xi32>
      %sub3A = arith.subi %scan3A_56, %scan3A_22 : i32
      %add3A_72 = vector.broadcast %sub3A : i32 to vector<16xi32>
      %add3A_73 = arith.addi %add3A_72, %masked_cumsum3A : vector<16xi32>
      %le3A = arith.cmpi sle, %add3A_73, %get3A_10 : vector<16xi32>
      %and3A_74 = arith.andi %and3A_68, %le3A : vector<16xi1>
      %swap3A_75 = arith.index_cast %scan3A_56 : i32 to index
      %swap3A_76 = tpu.vector_load %arg9[%swap3A_75] masked %and3A_74 {strides = array<i32>} : memref<544xi32, #tpu.memory_space<vmem>>, vector<16xi32>, vector<16xi1>
      tpu.vector_store %arg9[%swap3A_75], %add3A_64 masked %and3A_74 {strides = array<i32>} : memref<544xi32, #tpu.memory_space<vmem>>, vector<16xi32>, vector<16xi1>
      %convert_element_type3A_77 = arith.extui %and3A_74 : vector<16xi1> to vector<16xi32>
      %reduce_sum3A = arith.constant true
      %reduce_sum3A_78 = vector.broadcast %reduce_sum3A : i1 to vector<16xi1>
      %reduce_sum3A_79 = tpu.scan <sum>, %convert_element_type3A_77 masked %reduce_sum3A_78 : vector<16xi32>, vector<16xi1> -> vector<16xi32>
      %reduce_sum3A_80 = vector.extract %reduce_sum3A_79[15] : i32 from vector<16xi32>
      %add3A_81 = arith.addi %scan3A_56, %reduce_sum3A_80 : i32
      scf.yield %add3A_81 : i32
    }
    %scan3A_29 = arith.constant 1250 : i32
    %scan3A_30 = arith.constant 0 : i32
    %scan3A_31 = arith.constant 0 : i32
    %scan3A_32 = arith.constant 32 : i32
    %scan3A_33 = arith.addi %scan3A_31, %scan3A_32 : i32
    %scan3A_34 = arith.constant 1 : i32
    %scan3A_35 = scf.for %scan3A_55 = %scan3A_31 to %scan3A_33 step %scan3A_34 iter_args(%scan3A_56 = %scan3A_30) -> (i32)  : i32 {
      %mul3A_57 = arith.constant 16 : i32
      %mul3A_58 = arith.muli %scan3A_55, %mul3A_57 : i32
      %get3A_59 = arith.index_cast %mul3A_58 : i32 to index
      %get3A_60 = tpu.vector_load %arg9[%get3A_59] {strides = array<i32>} : memref<544xi32, #tpu.memory_space<vmem>>, vector<16xi32>,
      %convert_element_type3A_61 = arith.sitofp %get3A_60 : vector<16xi32> to vector<16xf32>
      %mul3A_62 = arith.constant 16 : i32
      %mul3A_63 = arith.muli %scan3A_55, %mul3A_62 : i32
      %swap3A_64 = arith.index_cast %mul3A_63 : i32 to index
      %swap3A_65 = tpu.vector_load %arg11[%swap3A_64] {strides = array<i32>} : memref<512xf32, #tpu.memory_space<vmem>>, vector<16xf32>,
      tpu.vector_store %arg11[%swap3A_64], %convert_element_type3A_61 {strides = array<i32>} : memref<512xf32, #tpu.memory_space<vmem>>, vector<16xf32>,
      %mul3A_66 = arith.constant 16 : i32
      %mul3A_67 = arith.muli %scan3A_55, %mul3A_66 : i32
      %swap3A_68 = arith.index_cast %mul3A_67 : i32 to index
      %swap3A_69 = tpu.vector_load %arg10[%swap3A_68] {strides = array<i32>} : memref<512xi32, #tpu.memory_space<vmem>>, vector<16xi32>,
      tpu.vector_store %arg10[%swap3A_68], %get3A_60 {strides = array<i32>} : memref<512xi32, #tpu.memory_space<vmem>>, vector<16xi32>,
      %scan3A_70 = arith.constant 0 : i32
      scf.yield %scan3A_70 : i32
    }
    %scan3A_36 = arith.constant 32 : i32
    %dma_start3A = arith.constant 0 : i32
    %dma_start3A_37 = arith.constant 0 : i32
    %dma_start3A_38 = tpu.memref_slice %arg3[%add3A, %dma_start3A, %dma_start3A_37] : memref<40x20000x16xf32, #tpu.memory_space<hbm>> -> memref<1x20000x16xf32, #tpu.memory_space<hbm>>
    %dma_start3A_39 = tpu.memref_squeeze %dma_start3A_38 : memref<1x20000x16xf32, #tpu.memory_space<hbm>> -> memref<20000x16xf32, #tpu.memory_space<hbm>>
    %dma_start3A_40 = arith.constant 0 : i32
    %dma_start3A_41 = arith.constant 0 : i32
    %dma_start3A_42 = tpu.memref_slice %dma_start3A_39[%dma_start3A_40, %dma_start3A_41] : memref<20000x16xf32, #tpu.memory_space<hbm>> -> memref<20000x16xf32, #tpu.memory_space<hbm>>
    tpu.enqueue_indirect_dma source(%dma_start3A_42 : memref<20000x16xf32, #tpu.memory_space<hbm>>) target(%arg12 : memref<512x16xf32, #tpu.memory_space<vmem>>) offsets(%arg10 : memref<512xi32, #tpu.memory_space<vmem>>) semaphore(%arg14 : memref<!tpu.dma_semaphore, #tpu.memory_space<semaphore_mem>>)
    %dma_wait3A = arith.constant 0 : i32
    %dma_wait3A_43 = arith.constant 0 : i32
    %dma_wait3A_44 = tpu.memref_slice %arg3[%add3A, %dma_wait3A, %dma_wait3A_43] : memref<40x20000x16xf32, #tpu.memory_space<hbm>> -> memref<1x20000x16xf32, #tpu.memory_space<hbm>>
    %dma_wait3A_45 = tpu.memref_squeeze %dma_wait3A_44 : memref<1x20000x16xf32, #tpu.memory_space<hbm>> -> memref<20000x16xf32, #tpu.memory_space<hbm>>
    %dma_wait3A_46 = arith.constant 0 : i32
    %dma_wait3A_47 = arith.constant 0 : i32
    %dma_wait3A_48 = tpu.memref_slice %dma_wait3A_45[%dma_wait3A_46, %dma_wait3A_47] : memref<20000x16xf32, #tpu.memory_space<hbm>> -> memref<20000x16xf32, #tpu.memory_space<hbm>>
    tpu.wait_indirect_dma semaphore(%arg14 : memref<!tpu.dma_semaphore, #tpu.memory_space<semaphore_mem>>) src(%dma_wait3A_48 : memref<20000x16xf32, #tpu.memory_space<hbm>>) dst(%arg12 : memref<512x16xf32, #tpu.memory_space<vmem>>)
    "tpu.region"() ({
      %run_scoped3A = tpu.sem_alloc : memref<!tpu.dma_semaphore, #tpu.memory_space<semaphore_mem>>
      %dma_start3A_55 = arith.constant 0 : i32
      %dma_start3A_56 = tpu.memref_slice %arg5[%add3A, %dma_start3A_55] : memref<40x512xf32, #tpu.memory_space<hbm>> -> memref<1x512xf32, #tpu.memory_space<hbm>>
      %dma_start3A_57 = tpu.memref_squeeze %dma_start3A_56 : memref<1x512xf32, #tpu.memory_space<hbm>> -> memref<512xf32, #tpu.memory_space<hbm>>
      %dma_start3A_58 = arith.constant 0 : i32
      %dma_start3A_59 = tpu.memref_slice %arg5[%add3A, %dma_start3A_58] : memref<40x512xf32, #tpu.memory_space<hbm>> -> memref<1x512xf32, #tpu.memory_space<hbm>>
      %dma_start3A_60 = tpu.memref_squeeze %dma_start3A_59 : memref<1x512xf32, #tpu.memory_space<hbm>> -> memref<512xf32, #tpu.memory_space<hbm>>
      tpu.enqueue_dma source(%arg11 : memref<512xf32, #tpu.memory_space<vmem>>) target(%dma_start3A_60 : memref<512xf32, #tpu.memory_space<hbm>>) target_semaphore(%run_scoped3A : memref<!tpu.dma_semaphore, #tpu.memory_space<semaphore_mem>>)
      %dma_wait3A_61 = arith.constant 0 : i32
      %dma_wait3A_62 = tpu.memref_slice %arg5[%add3A, %dma_wait3A_61] : memref<40x512xf32, #tpu.memory_space<hbm>> -> memref<1x512xf32, #tpu.memory_space<hbm>>
      %dma_wait3A_63 = tpu.memref_squeeze %dma_wait3A_62 : memref<1x512xf32, #tpu.memory_space<hbm>> -> memref<512xf32, #tpu.memory_space<hbm>>
      %dma_wait3A_64 = arith.constant 0 : i32
      %dma_wait3A_65 = tpu.memref_slice %arg5[%add3A, %dma_wait3A_64] : memref<40x512xf32, #tpu.memory_space<hbm>> -> memref<1x512xf32, #tpu.memory_space<hbm>>
      %dma_wait3A_66 = tpu.memref_squeeze %dma_wait3A_65 : memref<1x512xf32, #tpu.memory_space<hbm>> -> memref<512xf32, #tpu.memory_space<hbm>>
      tpu.wait_dma2 semaphore(%run_scoped3A : memref<!tpu.dma_semaphore, #tpu.memory_space<semaphore_mem>>) src(%arg11 : memref<512xf32, #tpu.memory_space<vmem>>) dst(%dma_wait3A_66 : memref<512xf32, #tpu.memory_space<hbm>>)
      tpu.yield
    }) : () -> ()
    "tpu.region"() ({
      %run_scoped3A = tpu.sem_alloc : memref<!tpu.dma_semaphore, #tpu.memory_space<semaphore_mem>>
      %dma_start3A_55 = arith.constant 0 : i32
      %dma_start3A_56 = arith.constant 0 : i32
      %dma_start3A_57 = tpu.memref_slice %arg6[%add3A, %dma_start3A_55, %dma_start3A_56] : memref<40x512x16xf32, #tpu.memory_space<hbm>> -> memref<1x512x16xf32, #tpu.memory_space<hbm>>
      %dma_start3A_58 = tpu.memref_squeeze %dma_start3A_57 : memref<1x512x16xf32, #tpu.memory_space<hbm>> -> memref<512x16xf32, #tpu.memory_space<hbm>>
      %dma_start3A_59 = arith.constant 0 : i32
      %dma_start3A_60 = arith.constant 0 : i32
      %dma_start3A_61 = tpu.memref_slice %arg6[%add3A, %dma_start3A_59, %dma_start3A_60] : memref<40x512x16xf32, #tpu.memory_space<hbm>> -> memref<1x512x16xf32, #tpu.memory_space<hbm>>
      %dma_start3A_62 = tpu.memref_squeeze %dma_start3A_61 : memref<1x512x16xf32, #tpu.memory_space<hbm>> -> memref<512x16xf32, #tpu.memory_space<hbm>>
      tpu.enqueue_dma source(%arg12 : memref<512x16xf32, #tpu.memory_space<vmem>>) target(%dma_start3A_62 : memref<512x16xf32, #tpu.memory_space<hbm>>) target_semaphore(%run_scoped3A : memref<!tpu.dma_semaphore, #tpu.memory_space<semaphore_mem>>)
      %dma_wait3A_63 = arith.constant 0 : i32
      %dma_wait3A_64 = arith.constant 0 : i32
      %dma_wait3A_65 = tpu.memref_slice %arg6[%add3A, %dma_wait3A_63, %dma_wait3A_64] : memref<40x512x16xf32, #tpu.memory_space<hbm>> -> memref<1x512x16xf32, #tpu.memory_space<hbm>>
      %dma_wait3A_66 = tpu.memref_squeeze %dma_wait3A_65 : memref<1x512x16xf32, #tpu.memory_space<hbm>> -> memref<512x16xf32, #tpu.memory_space<hbm>>
      %dma_wait3A_67 = arith.constant 0 : i32
      %dma_wait3A_68 = arith.constant 0 : i32
      %dma_wait3A_69 = tpu.memref_slice %arg6[%add3A, %dma_wait3A_67, %dma_wait3A_68] : memref<40x512x16xf32, #tpu.memory_space<hbm>> -> memref<1x512x16xf32, #tpu.memory_space<hbm>>
      %dma_wait3A_70 = tpu.memref_squeeze %dma_wait3A_69 : memref<1x512x16xf32, #tpu.memory_space<hbm>> -> memref<512x16xf32, #tpu.memory_space<hbm>>
      tpu.wait_dma2 semaphore(%run_scoped3A : memref<!tpu.dma_semaphore, #tpu.memory_space<semaphore_mem>>) src(%arg12 : memref<512x16xf32, #tpu.memory_space<vmem>>) dst(%dma_wait3A_70 : memref<512x16xf32, #tpu.memory_space<hbm>>)
      tpu.yield
    }) : () -> ()
    %broadcast_in_dim3A_49 = vector.broadcast %scan3A_28 : i32 to vector<16xi32>
    %swap3A = arith.constant 0 : index
    %swap3A_50 = tpu.vector_load %arg9[%swap3A] {strides = array<i32>} : memref<544xi32, #tpu.memory_space<vmem>>, vector<16xi32>,
    tpu.vector_store %arg9[%swap3A], %broadcast_in_dim3A_49 {strides = array<i32>} : memref<544xi32, #tpu.memory_space<vmem>>, vector<16xi32>,
    "tpu.region"() ({
      %run_scoped3A = tpu.sem_alloc : memref<!tpu.dma_semaphore, #tpu.memory_space<semaphore_mem>>
      %dma_start3A_55 = arith.constant 0 : i32
      %dma_start3A_56 = tpu.memref_slice %arg9[%dma_start3A_55] : memref<544xi32, #tpu.memory_space<vmem>> -> memref<16xi32, #tpu.memory_space<vmem>>
      %dma_start3A_57 = arith.constant 0 : i32
      %dma_start3A_58 = tpu.memref_slice %arg7[%add3A, %dma_start3A_57] : memref<40x16xi32, #tpu.memory_space<hbm>> -> memref<1x16xi32, #tpu.memory_space<hbm>>
      %dma_start3A_59 = tpu.memref_squeeze %dma_start3A_58 : memref<1x16xi32, #tpu.memory_space<hbm>> -> memref<16xi32, #tpu.memory_space<hbm>>
      %dma_start3A_60 = arith.constant 0 : i32
      %dma_start3A_61 = tpu.memref_slice %arg7[%add3A, %dma_start3A_60] : memref<40x16xi32, #tpu.memory_space<hbm>> -> memref<1x16xi32, #tpu.memory_space<hbm>>
      %dma_start3A_62 = tpu.memref_squeeze %dma_start3A_61 : memref<1x16xi32, #tpu.memory_space<hbm>> -> memref<16xi32, #tpu.memory_space<hbm>>
      %dma_start3A_63 = arith.constant 0 : i32
      %dma_start3A_64 = tpu.memref_slice %arg9[%dma_start3A_63] : memref<544xi32, #tpu.memory_space<vmem>> -> memref<16xi32, #tpu.memory_space<vmem>>
      tpu.enqueue_dma source(%dma_start3A_64 : memref<16xi32, #tpu.memory_space<vmem>>) target(%dma_start3A_62 : memref<16xi32, #tpu.memory_space<hbm>>) target_semaphore(%run_scoped3A : memref<!tpu.dma_semaphore, #tpu.memory_space<semaphore_mem>>)
      %dma_wait3A_65 = arith.constant 0 : i32
      %dma_wait3A_66 = tpu.memref_slice %arg9[%dma_wait3A_65] : memref<544xi32, #tpu.memory_space<vmem>> -> memref<16xi32, #tpu.memory_space<vmem>>
      %dma_wait3A_67 = arith.constant 0 : i32
      %dma_wait3A_68 = tpu.memref_slice %arg7[%add3A, %dma_wait3A_67] : memref<40x16xi32, #tpu.memory_space<hbm>> -> memref<1x16xi32, #tpu.memory_space<hbm>>
      %dma_wait3A_69 = tpu.memref_squeeze %dma_wait3A_68 : memref<1x16xi32, #tpu.memory_space<hbm>> -> memref<16xi32, #tpu.memory_space<hbm>>
      %dma_wait3A_70 = arith.constant 0 : i32
      %dma_wait3A_71 = tpu.memref_slice %arg7[%add3A, %dma_wait3A_70] : memref<40x16xi32, #tpu.memory_space<hbm>> -> memref<1x16xi32, #tpu.memory_space<hbm>>
      %dma_wait3A_72 = tpu.memref_squeeze %dma_wait3A_71 : memref<1x16xi32, #tpu.memory_space<hbm>> -> memref<16xi32, #tpu.memory_space<hbm>>
      %dma_wait3A_73 = arith.constant 0 : i32
      %dma_wait3A_74 = tpu.memref_slice %arg9[%dma_wait3A_73] : memref<544xi32, #tpu.memory_space<vmem>> -> memref<16xi32, #tpu.memory_space<vmem>>
      tpu.wait_dma2 semaphore(%run_scoped3A : memref<!tpu.dma_semaphore, #tpu.memory_space<semaphore_mem>>) src(%dma_wait3A_74 : memref<16xi32, #tpu.memory_space<vmem>>) dst(%dma_wait3A_72 : memref<16xi32, #tpu.memory_space<hbm>>)
      tpu.yield
    }) : () -> ()
    %add3A_51 = arith.constant 32 : i32
    %add3A_52 = arith.addi %add3A, %add3A_51 : i32
    %lt3A = arith.constant 40 : i32
    %lt3A_53 = arith.cmpi slt, %add3A_52, %lt3A : i32
    %convert_element_type3A = arith.extui %lt3A_53 : i1 to i32
    %cond3A = arith.constant 0 : i32
    %cond3A_54 = arith.cmpi ne, %convert_element_type3A, %cond3A : i32
    scf.if %cond3A_54 {
      %add3A_55 = arith.constant 32 : i32
      %add3A_56 = arith.addi %add3A, %add3A_55 : i32
      "tpu.region"() ({
        %run_scoped3A = tpu.sem_alloc : memref<!tpu.dma_semaphore, #tpu.memory_space<semaphore_mem>>
        %dma_start3A_109 = arith.constant 0 : i32
        %dma_start3A_110 = tpu.memref_slice %arg2[%add3A_56, %dma_start3A_109] : memref<40x20000xf32, #tpu.memory_space<hbm>> -> memref<1x20000xf32, #tpu.memory_space<hbm>>
        %dma_start3A_111 = tpu.memref_squeeze %dma_start3A_110 : memref<1x20000xf32, #tpu.memory_space<hbm>> -> memref<20000xf32, #tpu.memory_space<hbm>>
        %dma_start3A_112 = arith.constant 0 : i32
        %dma_start3A_113 = tpu.memref_slice %arg2[%add3A_56, %dma_start3A_112] : memref<40x20000xf32, #tpu.memory_space<hbm>> -> memref<1x20000xf32, #tpu.memory_space<hbm>>
        %dma_start3A_114 = tpu.memref_squeeze %dma_start3A_113 : memref<1x20000xf32, #tpu.memory_space<hbm>> -> memref<20000xf32, #tpu.memory_space<hbm>>
        tpu.enqueue_dma source(%dma_start3A_114 : memref<20000xf32, #tpu.memory_space<hbm>>) target(%arg8 : memref<20000xf32, #tpu.memory_space<vmem>>) target_semaphore(%run_scoped3A : memref<!tpu.dma_semaphore, #tpu.memory_space<semaphore_mem>>)
        %dma_wait3A_115 = arith.constant 0 : i32
        %dma_wait3A_116 = tpu.memref_slice %arg2[%add3A_56, %dma_wait3A_115] : memref<40x20000xf32, #tpu.memory_space<hbm>> -> memref<1x20000xf32, #tpu.memory_space<hbm>>
        %dma_wait3A_117 = tpu.memref_squeeze %dma_wait3A_116 : memref<1x20000xf32, #tpu.memory_space<hbm>> -> memref<20000xf32, #tpu.memory_space<hbm>>
        %dma_wait3A_118 = arith.constant 0 : i32
        %dma_wait3A_119 = tpu.memref_slice %arg2[%add3A_56, %dma_wait3A_118] : memref<40x20000xf32, #tpu.memory_space<hbm>> -> memref<1x20000xf32, #tpu.memory_space<hbm>>
        %dma_wait3A_120 = tpu.memref_squeeze %dma_wait3A_119 : memref<1x20000xf32, #tpu.memory_space<hbm>> -> memref<20000xf32, #tpu.memory_space<hbm>>
        tpu.wait_dma2 semaphore(%run_scoped3A : memref<!tpu.dma_semaphore, #tpu.memory_space<semaphore_mem>>) src(%dma_wait3A_120 : memref<20000xf32, #tpu.memory_space<hbm>>) dst(%arg8 : memref<20000xf32, #tpu.memory_space<vmem>>)
        tpu.yield
      }) : () -> ()
      "tpu.region"() ({
        %run_scoped3A = tpu.sem_alloc : memref<!tpu.dma_semaphore, #tpu.memory_space<semaphore_mem>>
        %dma_start3A_109 = arith.constant 0 : i32
        %dma_start3A_110 = tpu.memref_slice %arg4[%add3A_56, %dma_start3A_109] : memref<48x64xi32, #tpu.memory_space<hbm>> -> memref<1x64xi32, #tpu.memory_space<hbm>>
        %dma_start3A_111 = tpu.memref_squeeze %dma_start3A_110 : memref<1x64xi32, #tpu.memory_space<hbm>> -> memref<64xi32, #tpu.memory_space<hbm>>
        %dma_start3A_112 = arith.constant 0 : i32
        %dma_start3A_113 = tpu.memref_slice %arg4[%add3A_56, %dma_start3A_112] : memref<48x64xi32, #tpu.memory_space<hbm>> -> memref<1x64xi32, #tpu.memory_space<hbm>>
        %dma_start3A_114 = tpu.memref_squeeze %dma_start3A_113 : memref<1x64xi32, #tpu.memory_space<hbm>> -> memref<64xi32, #tpu.memory_space<hbm>>
        tpu.enqueue_dma source(%dma_start3A_114 : memref<64xi32, #tpu.memory_space<hbm>>) target(%arg13 : memref<64xi32, #tpu.memory_space<vmem>>) target_semaphore(%run_scoped3A : memref<!tpu.dma_semaphore, #tpu.memory_space<semaphore_mem>>)
        %dma_wait3A_115 = arith.constant 0 : i32
        %dma_wait3A_116 = tpu.memref_slice %arg4[%add3A_56, %dma_wait3A_115] : memref<48x64xi32, #tpu.memory_space<hbm>> -> memref<1x64xi32, #tpu.memory_space<hbm>>
        %dma_wait3A_117 = tpu.memref_squeeze %dma_wait3A_116 : memref<1x64xi32, #tpu.memory_space<hbm>> -> memref<64xi32, #tpu.memory_space<hbm>>
        %dma_wait3A_118 = arith.constant 0 : i32
        %dma_wait3A_119 = tpu.memref_slice %arg4[%add3A_56, %dma_wait3A_118] : memref<48x64xi32, #tpu.memory_space<hbm>> -> memref<1x64xi32, #tpu.memory_space<hbm>>
        %dma_wait3A_120 = tpu.memref_squeeze %dma_wait3A_119 : memref<1x64xi32, #tpu.memory_space<hbm>> -> memref<64xi32, #tpu.memory_space<hbm>>
        tpu.wait_dma2 semaphore(%run_scoped3A : memref<!tpu.dma_semaphore, #tpu.memory_space<semaphore_mem>>) src(%dma_wait3A_120 : memref<64xi32, #tpu.memory_space<hbm>>) dst(%arg13 : memref<64xi32, #tpu.memory_space<vmem>>)
        tpu.yield
      }) : () -> ()
      %get3A_57 = arith.constant 0 : index
      %get3A_58 = tpu.vector_load %arg13[%get3A_57] {strides = array<i32>} : memref<64xi32, #tpu.memory_space<vmem>>, vector<16xi32>,
      %get3A_59 = arith.constant 16 : index
      %get3A_60 = tpu.vector_load %arg13[%get3A_59] {strides = array<i32>} : memref<64xi32, #tpu.memory_space<vmem>>, vector<16xi32>,
      %get3A_61 = arith.constant 32 : index
      %get3A_62 = tpu.vector_load %arg13[%get3A_61] {strides = array<i32>} : memref<64xi32, #tpu.memory_space<vmem>>, vector<16xi32>,
      %get3A_63 = arith.constant 48 : index
      %get3A_64 = tpu.vector_load %arg13[%get3A_63] {strides = array<i32>} : memref<64xi32, #tpu.memory_space<vmem>>, vector<16xi32>,
      %scan3A_65 = arith.constant 0 : i32
      %scan3A_66 = arith.constant 0 : i32
      %scan3A_67 = arith.constant 34 : i32
      %scan3A_68 = arith.addi %scan3A_66, %scan3A_67 : i32
      %scan3A_69 = arith.constant 1 : i32
      %scan3A_70 = scf.for %scan3A_109 = %scan3A_66 to %scan3A_68 step %scan3A_69 iter_args(%scan3A_110 = %scan3A_65) -> (i32)  : i32 {
        %mul3A_111 = arith.constant 16 : i32
        %mul3A_112 = arith.muli %scan3A_109, %mul3A_111 : i32
        %swap3A_113 = arith.index_cast %mul3A_112 : i32 to index
        %swap3A_114 = tpu.vector_load %arg9[%swap3A_113] {strides = array<i32>} : memref<544xi32, #tpu.memory_space<vmem>>, vector<16xi32>,
        tpu.vector_store %arg9[%swap3A_113], %broadcast_in_dim3A_1 {strides = array<i32>} : memref<544xi32, #tpu.memory_space<vmem>>, vector<16xi32>,
        %scan3A_115 = arith.constant 0 : i32
        scf.yield %scan3A_115 : i32
      }
      %scan3A_71 = arith.constant 34 : i32
      %scan3A_72 = arith.constant 0 : i32
      %scan3A_73 = arith.constant 0 : i32
      %scan3A_74 = arith.constant 1250 : i32
      %scan3A_75 = arith.addi %scan3A_73, %scan3A_74 : i32
      %scan3A_76 = arith.constant 1 : i32
      %scan3A_77 = scf.for %scan3A_109 = %scan3A_73 to %scan3A_75 step %scan3A_76 iter_args(%scan3A_110 = %scan3A_72) -> (i32)  : i32 {
        %mul3A_111 = arith.constant 16 : i32
        %mul3A_112 = arith.muli %scan3A_109, %mul3A_111 : i32
        %get3A_113 = arith.index_cast %mul3A_112 : i32 to index
        %get3A_114 = tpu.vector_load %arg8[%get3A_113] {strides = array<i32>} : memref<20000xf32, #tpu.memory_space<vmem>>, vector<16xf32>,
        %bitcast3A = vector.bitcast %get3A_114 : vector<16xf32> to vector<16xi32>
        %mul3A_115 = arith.constant 16 : i32
        %mul3A_116 = arith.muli %scan3A_109, %mul3A_115 : i32
        %add3A_117 = vector.broadcast %mul3A_116 : i32 to vector<16xi32>
        %add3A_118 = arith.addi %iota3A, %add3A_117 : vector<16xi32>
        %gt3A = arith.cmpi sgt, %bitcast3A, %get3A_58 : vector<16xi32>
        %lt3A_119 = arith.cmpi slt, %bitcast3A, %get3A_60 : vector<16xi32>
        %eq3A = arith.cmpi eq, %bitcast3A, %get3A_60 : vector<16xi32>
        %ge3A = arith.cmpi sge, %add3A_118, %get3A_62 : vector<16xi32>
        %and3A = arith.andi %eq3A, %ge3A : vector<16xi1>
        %or3A = arith.ori %lt3A_119, %and3A : vector<16xi1>
        %and3A_120 = arith.andi %gt3A, %or3A : vector<16xi1>
        %swap3A_121 = arith.index_cast %scan3A_110 : i32 to index
        %swap3A_122 = tpu.vector_load %arg9[%swap3A_121] masked %and3A_120 {strides = array<i32>} : memref<544xi32, #tpu.memory_space<vmem>>, vector<16xi32>, vector<16xi1>
        tpu.vector_store %arg9[%swap3A_121], %add3A_118 masked %and3A_120 {strides = array<i32>} : memref<544xi32, #tpu.memory_space<vmem>>, vector<16xi32>, vector<16xi1>
        %convert_element_type3A_123 = arith.extui %and3A_120 : vector<16xi1> to vector<16xi32>
        %reduce_sum3A = arith.constant true
        %reduce_sum3A_124 = vector.broadcast %reduce_sum3A : i1 to vector<16xi1>
        %reduce_sum3A_125 = tpu.scan <sum>, %convert_element_type3A_123 masked %reduce_sum3A_124 : vector<16xi32>, vector<16xi1> -> vector<16xi32>
        %reduce_sum3A_126 = vector.extract %reduce_sum3A_125[15] : i32 from vector<16xi32>
        %add3A_127 = arith.addi %scan3A_110, %reduce_sum3A_126 : i32
        scf.yield %add3A_127 : i32
      }
      %scan3A_78 = arith.constant 1250 : i32
      %scan3A_79 = arith.constant 0 : i32
      %scan3A_80 = arith.constant 1250 : i32
      %scan3A_81 = arith.addi %scan3A_79, %scan3A_80 : i32
      %scan3A_82 = arith.constant 1 : i32
      %scan3A_83 = scf.for %scan3A_109 = %scan3A_79 to %scan3A_81 step %scan3A_82 iter_args(%scan3A_110 = %scan3A_77) -> (i32)  : i32 {
        %mul3A_111 = arith.constant 16 : i32
        %mul3A_112 = arith.muli %scan3A_109, %mul3A_111 : i32
        %get3A_113 = arith.index_cast %mul3A_112 : i32 to index
        %get3A_114 = tpu.vector_load %arg8[%get3A_113] {strides = array<i32>} : memref<20000xf32, #tpu.memory_space<vmem>>, vector<16xf32>,
        %bitcast3A = vector.bitcast %get3A_114 : vector<16xf32> to vector<16xi32>
        %mul3A_115 = arith.constant 16 : i32
        %mul3A_116 = arith.muli %scan3A_109, %mul3A_115 : i32
        %add3A_117 = vector.broadcast %mul3A_116 : i32 to vector<16xi32>
        %add3A_118 = arith.addi %iota3A, %add3A_117 : vector<16xi32>
        %gt3A = arith.cmpi sgt, %bitcast3A, %broadcast_in_dim3A_3 : vector<16xi32>
        %eq3A = arith.cmpi eq, %bitcast3A, %get3A_58 : vector<16xi32>
        %and3A = arith.andi %gt3A, %eq3A : vector<16xi1>
        %lt3A_119 = arith.cmpi slt, %bitcast3A, %get3A_60 : vector<16xi32>
        %eq3A_120 = arith.cmpi eq, %bitcast3A, %get3A_60 : vector<16xi32>
        %ge3A = arith.cmpi sge, %add3A_118, %get3A_62 : vector<16xi32>
        %and3A_121 = arith.andi %eq3A_120, %ge3A : vector<16xi1>
        %or3A = arith.ori %lt3A_119, %and3A_121 : vector<16xi1>
        %and3A_122 = arith.andi %and3A, %or3A : vector<16xi1>
        %convert_element_type3A_123 = arith.extui %and3A_122 : vector<16xi1> to vector<16xi32>
        %broadcast_in_dim3A_124 = arith.constant true
        %broadcast_in_dim3A_125 = vector.broadcast %broadcast_in_dim3A_124 : i1 to vector<16xi1>
        %masked_cumsum3A = tpu.scan <sum>, %convert_element_type3A_123 masked %broadcast_in_dim3A_125 : vector<16xi32>, vector<16xi1> -> vector<16xi32>
        %sub3A = arith.subi %scan3A_110, %scan3A_77 : i32
        %add3A_126 = vector.broadcast %sub3A : i32 to vector<16xi32>
        %add3A_127 = arith.addi %add3A_126, %masked_cumsum3A : vector<16xi32>
        %le3A = arith.cmpi sle, %add3A_127, %get3A_64 : vector<16xi32>
        %and3A_128 = arith.andi %and3A_122, %le3A : vector<16xi1>
        %swap3A_129 = arith.index_cast %scan3A_110 : i32 to index
        %swap3A_130 = tpu.vector_load %arg9[%swap3A_129] masked %and3A_128 {strides = array<i32>} : memref<544xi32, #tpu.memory_space<vmem>>, vector<16xi32>, vector<16xi1>
        tpu.vector_store %arg9[%swap3A_129], %add3A_118 masked %and3A_128 {strides = array<i32>} : memref<544xi32, #tpu.memory_space<vmem>>, vector<16xi32>, vector<16xi1>
        %convert_element_type3A_131 = arith.extui %and3A_128 : vector<16xi1> to vector<16xi32>
        %reduce_sum3A = arith.constant true
        %reduce_sum3A_132 = vector.broadcast %reduce_sum3A : i1 to vector<16xi1>
        %reduce_sum3A_133 = tpu.scan <sum>, %convert_element_type3A_131 masked %reduce_sum3A_132 : vector<16xi32>, vector<16xi1> -> vector<16xi32>
        %reduce_sum3A_134 = vector.extract %reduce_sum3A_133[15] : i32 from vector<16xi32>
        %add3A_135 = arith.addi %scan3A_110, %reduce_sum3A_134 : i32
        scf.yield %add3A_135 : i32
      }
      %scan3A_84 = arith.constant 1250 : i32
      %scan3A_85 = arith.constant 0 : i32
      %scan3A_86 = arith.constant 0 : i32
      %scan3A_87 = arith.constant 32 : i32
      %scan3A_88 = arith.addi %scan3A_86, %scan3A_87 : i32
      %scan3A_89 = arith.constant 1 : i32
      %scan3A_90 = scf.for %scan3A_109 = %scan3A_86 to %scan3A_88 step %scan3A_89 iter_args(%scan3A_110 = %scan3A_85) -> (i32)  : i32 {
        %mul3A_111 = arith.constant 16 : i32
        %mul3A_112 = arith.muli %scan3A_109, %mul3A_111 : i32
        %get3A_113 = arith.index_cast %mul3A_112 : i32 to index
        %get3A_114 = tpu.vector_load %arg9[%get3A_113] {strides = array<i32>} : memref<544xi32, #tpu.memory_space<vmem>>, vector<16xi32>,
        %convert_element_type3A_115 = arith.sitofp %get3A_114 : vector<16xi32> to vector<16xf32>
        %mul3A_116 = arith.constant 16 : i32
        %mul3A_117 = arith.muli %scan3A_109, %mul3A_116 : i32
        %swap3A_118 = arith.index_cast %mul3A_117 : i32 to index
        %swap3A_119 = tpu.vector_load %arg11[%swap3A_118] {strides = array<i32>} : memref<512xf32, #tpu.memory_space<vmem>>, vector<16xf32>,
        tpu.vector_store %arg11[%swap3A_118], %convert_element_type3A_115 {strides = array<i32>} : memref<512xf32, #tpu.memory_space<vmem>>, vector<16xf32>,
        %mul3A_120 = arith.constant 16 : i32
        %mul3A_121 = arith.muli %scan3A_109, %mul3A_120 : i32
        %swap3A_122 = arith.index_cast %mul3A_121 : i32 to index
        %swap3A_123 = tpu.vector_load %arg10[%swap3A_122] {strides = array<i32>} : memref<512xi32, #tpu.memory_space<vmem>>, vector<16xi32>,
        tpu.vector_store %arg10[%swap3A_122], %get3A_114 {strides = array<i32>} : memref<512xi32, #tpu.memory_space<vmem>>, vector<16xi32>,
        %scan3A_124 = arith.constant 0 : i32
        scf.yield %scan3A_124 : i32
      }
      %scan3A_91 = arith.constant 32 : i32
      %dma_start3A_92 = arith.constant 0 : i32
      %dma_start3A_93 = arith.constant 0 : i32
      %dma_start3A_94 = tpu.memref_slice %arg3[%add3A_56, %dma_start3A_92, %dma_start3A_93] : memref<40x20000x16xf32, #tpu.memory_space<hbm>> -> memref<1x20000x16xf32, #tpu.memory_space<hbm>>
      %dma_start3A_95 = tpu.memref_squeeze %dma_start3A_94 : memref<1x20000x16xf32, #tpu.memory_space<hbm>> -> memref<20000x16xf32, #tpu.memory_space<hbm>>
      %dma_start3A_96 = arith.constant 0 : i32
      %dma_start3A_97 = arith.constant 0 : i32
      %dma_start3A_98 = tpu.memref_slice %dma_start3A_95[%dma_start3A_96, %dma_start3A_97] : memref<20000x16xf32, #tpu.memory_space<hbm>> -> memref<20000x16xf32, #tpu.memory_space<hbm>>
      tpu.enqueue_indirect_dma source(%dma_start3A_98 : memref<20000x16xf32, #tpu.memory_space<hbm>>) target(%arg12 : memref<512x16xf32, #tpu.memory_space<vmem>>) offsets(%arg10 : memref<512xi32, #tpu.memory_space<vmem>>) semaphore(%arg14 : memref<!tpu.dma_semaphore, #tpu.memory_space<semaphore_mem>>)
      %dma_wait3A_99 = arith.constant 0 : i32
      %dma_wait3A_100 = arith.constant 0 : i32
      %dma_wait3A_101 = tpu.memref_slice %arg3[%add3A_56, %dma_wait3A_99, %dma_wait3A_100] : memref<40x20000x16xf32, #tpu.memory_space<hbm>> -> memref<1x20000x16xf32, #tpu.memory_space<hbm>>
      %dma_wait3A_102 = tpu.memref_squeeze %dma_wait3A_101 : memref<1x20000x16xf32, #tpu.memory_space<hbm>> -> memref<20000x16xf32, #tpu.memory_space<hbm>>
      %dma_wait3A_103 = arith.constant 0 : i32
      %dma_wait3A_104 = arith.constant 0 : i32
      %dma_wait3A_105 = tpu.memref_slice %dma_wait3A_102[%dma_wait3A_103, %dma_wait3A_104] : memref<20000x16xf32, #tpu.memory_space<hbm>> -> memref<20000x16xf32, #tpu.memory_space<hbm>>
      tpu.wait_indirect_dma semaphore(%arg14 : memref<!tpu.dma_semaphore, #tpu.memory_space<semaphore_mem>>) src(%dma_wait3A_105 : memref<20000x16xf32, #tpu.memory_space<hbm>>) dst(%arg12 : memref<512x16xf32, #tpu.memory_space<vmem>>)
      "tpu.region"() ({
        %run_scoped3A = tpu.sem_alloc : memref<!tpu.dma_semaphore, #tpu.memory_space<semaphore_mem>>
        %dma_start3A_109 = arith.constant 0 : i32
        %dma_start3A_110 = tpu.memref_slice %arg5[%add3A_56, %dma_start3A_109] : memref<40x512xf32, #tpu.memory_space<hbm>> -> memref<1x512xf32, #tpu.memory_space<hbm>>
        %dma_start3A_111 = tpu.memref_squeeze %dma_start3A_110 : memref<1x512xf32, #tpu.memory_space<hbm>> -> memref<512xf32, #tpu.memory_space<hbm>>
        %dma_start3A_112 = arith.constant 0 : i32
        %dma_start3A_113 = tpu.memref_slice %arg5[%add3A_56, %dma_start3A_112] : memref<40x512xf32, #tpu.memory_space<hbm>> -> memref<1x512xf32, #tpu.memory_space<hbm>>
        %dma_start3A_114 = tpu.memref_squeeze %dma_start3A_113 : memref<1x512xf32, #tpu.memory_space<hbm>> -> memref<512xf32, #tpu.memory_space<hbm>>
        tpu.enqueue_dma source(%arg11 : memref<512xf32, #tpu.memory_space<vmem>>) target(%dma_start3A_114 : memref<512xf32, #tpu.memory_space<hbm>>) target_semaphore(%run_scoped3A : memref<!tpu.dma_semaphore, #tpu.memory_space<semaphore_mem>>)
        %dma_wait3A_115 = arith.constant 0 : i32
        %dma_wait3A_116 = tpu.memref_slice %arg5[%add3A_56, %dma_wait3A_115] : memref<40x512xf32, #tpu.memory_space<hbm>> -> memref<1x512xf32, #tpu.memory_space<hbm>>
        %dma_wait3A_117 = tpu.memref_squeeze %dma_wait3A_116 : memref<1x512xf32, #tpu.memory_space<hbm>> -> memref<512xf32, #tpu.memory_space<hbm>>
        %dma_wait3A_118 = arith.constant 0 : i32
        %dma_wait3A_119 = tpu.memref_slice %arg5[%add3A_56, %dma_wait3A_118] : memref<40x512xf32, #tpu.memory_space<hbm>> -> memref<1x512xf32, #tpu.memory_space<hbm>>
        %dma_wait3A_120 = tpu.memref_squeeze %dma_wait3A_119 : memref<1x512xf32, #tpu.memory_space<hbm>> -> memref<512xf32, #tpu.memory_space<hbm>>
        tpu.wait_dma2 semaphore(%run_scoped3A : memref<!tpu.dma_semaphore, #tpu.memory_space<semaphore_mem>>) src(%arg11 : memref<512xf32, #tpu.memory_space<vmem>>) dst(%dma_wait3A_120 : memref<512xf32, #tpu.memory_space<hbm>>)
        tpu.yield
      }) : () -> ()
      "tpu.region"() ({
        %run_scoped3A = tpu.sem_alloc : memref<!tpu.dma_semaphore, #tpu.memory_space<semaphore_mem>>
        %dma_start3A_109 = arith.constant 0 : i32
        %dma_start3A_110 = arith.constant 0 : i32
        %dma_start3A_111 = tpu.memref_slice %arg6[%add3A_56, %dma_start3A_109, %dma_start3A_110] : memref<40x512x16xf32, #tpu.memory_space<hbm>> -> memref<1x512x16xf32, #tpu.memory_space<hbm>>
        %dma_start3A_112 = tpu.memref_squeeze %dma_start3A_111 : memref<1x512x16xf32, #tpu.memory_space<hbm>> -> memref<512x16xf32, #tpu.memory_space<hbm>>
        %dma_start3A_113 = arith.constant 0 : i32
        %dma_start3A_114 = arith.constant 0 : i32
        %dma_start3A_115 = tpu.memref_slice %arg6[%add3A_56, %dma_start3A_113, %dma_start3A_114] : memref<40x512x16xf32, #tpu.memory_space<hbm>> -> memref<1x512x16xf32, #tpu.memory_space<hbm>>
        %dma_start3A_116 = tpu.memref_squeeze %dma_start3A_115 : memref<1x512x16xf32, #tpu.memory_space<hbm>> -> memref<512x16xf32, #tpu.memory_space<hbm>>
        tpu.enqueue_dma source(%arg12 : memref<512x16xf32, #tpu.memory_space<vmem>>) target(%dma_start3A_116 : memref<512x16xf32, #tpu.memory_space<hbm>>) target_semaphore(%run_scoped3A : memref<!tpu.dma_semaphore, #tpu.memory_space<semaphore_mem>>)
        %dma_wait3A_117 = arith.constant 0 : i32
        %dma_wait3A_118 = arith.constant 0 : i32
        %dma_wait3A_119 = tpu.memref_slice %arg6[%add3A_56, %dma_wait3A_117, %dma_wait3A_118] : memref<40x512x16xf32, #tpu.memory_space<hbm>> -> memref<1x512x16xf32, #tpu.memory_space<hbm>>
        %dma_wait3A_120 = tpu.memref_squeeze %dma_wait3A_119 : memref<1x512x16xf32, #tpu.memory_space<hbm>> -> memref<512x16xf32, #tpu.memory_space<hbm>>
        %dma_wait3A_121 = arith.constant 0 : i32
        %dma_wait3A_122 = arith.constant 0 : i32
        %dma_wait3A_123 = tpu.memref_slice %arg6[%add3A_56, %dma_wait3A_121, %dma_wait3A_122] : memref<40x512x16xf32, #tpu.memory_space<hbm>> -> memref<1x512x16xf32, #tpu.memory_space<hbm>>
        %dma_wait3A_124 = tpu.memref_squeeze %dma_wait3A_123 : memref<1x512x16xf32, #tpu.memory_space<hbm>> -> memref<512x16xf32, #tpu.memory_space<hbm>>
        tpu.wait_dma2 semaphore(%run_scoped3A : memref<!tpu.dma_semaphore, #tpu.memory_space<semaphore_mem>>) src(%arg12 : memref<512x16xf32, #tpu.memory_space<vmem>>) dst(%dma_wait3A_124 : memref<512x16xf32, #tpu.memory_space<hbm>>)
        tpu.yield
      }) : () -> ()
      %broadcast_in_dim3A_106 = vector.broadcast %scan3A_83 : i32 to vector<16xi32>
      %swap3A_107 = arith.constant 0 : index
      %swap3A_108 = tpu.vector_load %arg9[%swap3A_107] {strides = array<i32>} : memref<544xi32, #tpu.memory_space<vmem>>, vector<16xi32>,
      tpu.vector_store %arg9[%swap3A_107], %broadcast_in_dim3A_106 {strides = array<i32>} : memref<544xi32, #tpu.memory_space<vmem>>, vector<16xi32>,
      "tpu.region"() ({
        %run_scoped3A = tpu.sem_alloc : memref<!tpu.dma_semaphore, #tpu.memory_space<semaphore_mem>>
        %dma_start3A_109 = arith.constant 0 : i32
        %dma_start3A_110 = tpu.memref_slice %arg9[%dma_start3A_109] : memref<544xi32, #tpu.memory_space<vmem>> -> memref<16xi32, #tpu.memory_space<vmem>>
        %dma_start3A_111 = arith.constant 0 : i32
        %dma_start3A_112 = tpu.memref_slice %arg7[%add3A_56, %dma_start3A_111] : memref<40x16xi32, #tpu.memory_space<hbm>> -> memref<1x16xi32, #tpu.memory_space<hbm>>
        %dma_start3A_113 = tpu.memref_squeeze %dma_start3A_112 : memref<1x16xi32, #tpu.memory_space<hbm>> -> memref<16xi32, #tpu.memory_space<hbm>>
        %dma_start3A_114 = arith.constant 0 : i32
        %dma_start3A_115 = tpu.memref_slice %arg7[%add3A_56, %dma_start3A_114] : memref<40x16xi32, #tpu.memory_space<hbm>> -> memref<1x16xi32, #tpu.memory_space<hbm>>
        %dma_start3A_116 = tpu.memref_squeeze %dma_start3A_115 : memref<1x16xi32, #tpu.memory_space<hbm>> -> memref<16xi32, #tpu.memory_space<hbm>>
        %dma_start3A_117 = arith.constant 0 : i32
        %dma_start3A_118 = tpu.memref_slice %arg9[%dma_start3A_117] : memref<544xi32, #tpu.memory_space<vmem>> -> memref<16xi32, #tpu.memory_space<vmem>>
        tpu.enqueue_dma source(%dma_start3A_118 : memref<16xi32, #tpu.memory_space<vmem>>) target(%dma_start3A_116 : memref<16xi32, #tpu.memory_space<hbm>>) target_semaphore(%run_scoped3A : memref<!tpu.dma_semaphore, #tpu.memory_space<semaphore_mem>>)
        %dma_wait3A_119 = arith.constant 0 : i32
        %dma_wait3A_120 = tpu.memref_slice %arg9[%dma_wait3A_119] : memref<544xi32, #tpu.memory_space<vmem>> -> memref<16xi32, #tpu.memory_space<vmem>>
        %dma_wait3A_121 = arith.constant 0 : i32
        %dma_wait3A_122 = tpu.memref_slice %arg7[%add3A_56, %dma_wait3A_121] : memref<40x16xi32, #tpu.memory_space<hbm>> -> memref<1x16xi32, #tpu.memory_space<hbm>>
        %dma_wait3A_123 = tpu.memref_squeeze %dma_wait3A_122 : memref<1x16xi32, #tpu.memory_space<hbm>> -> memref<16xi32, #tpu.memory_space<hbm>>
        %dma_wait3A_124 = arith.constant 0 : i32
        %dma_wait3A_125 = tpu.memref_slice %arg7[%add3A_56, %dma_wait3A_124] : memref<40x16xi32, #tpu.memory_space<hbm>> -> memref<1x16xi32, #tpu.memory_space<hbm>>
        %dma_wait3A_126 = tpu.memref_squeeze %dma_wait3A_125 : memref<1x16xi32, #tpu.memory_space<hbm>> -> memref<16xi32, #tpu.memory_space<hbm>>
        %dma_wait3A_127 = arith.constant 0 : i32
        %dma_wait3A_128 = tpu.memref_slice %arg9[%dma_wait3A_127] : memref<544xi32, #tpu.memory_space<vmem>> -> memref<16xi32, #tpu.memory_space<vmem>>
        tpu.wait_dma2 semaphore(%run_scoped3A : memref<!tpu.dma_semaphore, #tpu.memory_space<semaphore_mem>>) src(%dma_wait3A_128 : memref<16xi32, #tpu.memory_space<vmem>>) dst(%dma_wait3A_126 : memref<16xi32, #tpu.memory_space<hbm>>)
        tpu.yield
      }) : () -> ()
    } else {
    }
    return
  }
}

module attributes {stable_mosaic.version = 14 : i64} {
  func.func @_ac_body(%arg0: i32, %arg1: memref<1x20x20000xi32, #tpu.memory_space<vmem>>, %arg2: memref<1x20x1xi32, #tpu.memory_space<vmem>>, %arg3: memref<1x20x1xi32, #tpu.memory_space<vmem>>, %arg4: memref<1x20x1xi32, #tpu.memory_space<vmem>>, %arg5: memref<1x20x1xi32, #tpu.memory_space<vmem>>, %arg6: memref<1x20x1xi32, #tpu.memory_space<vmem>>, %arg7: memref<1x20x1xi32, #tpu.memory_space<vmem>>) attributes {dimension_semantics = [#tpu.dimension_semantics<arbitrary>], iteration_bounds = array<i64: 2>, scalar_prefetch = 0 : i64, scratch_operands = 0 : i64, tpu.core_type = #tpu.core_type<tc>, window_params = [{transform_indices = @transform_0, window_bounds = array<i64: 1, 20, 20000>}, {transform_indices = @transform_1, window_bounds = array<i64: 1, 20, 1>}, {transform_indices = @transform_2, window_bounds = array<i64: 1, 20, 1>}, {transform_indices = @transform_3, window_bounds = array<i64: 1, 20, 1>}, {transform_indices = @transform_4, window_bounds = array<i64: 1, 20, 1>}, {transform_indices = @transform_5, window_bounds = array<i64: 1, 20, 1>}, {transform_indices = @transform_6, window_bounds = array<i64: 1, 20, 1>}]} {
    %get3A = arith.constant 0 : index
    %get3A_0 = arith.constant 0 : index
    %get3A_1 = arith.constant 0 : index
    %get3A_2 = vector.load %arg1[%get3A, %get3A_0, %get3A_1] : memref<1x20x20000xi32, #tpu.memory_space<vmem>>, vector<1x20x20000xi32>
    %get3A_3 = vector.shape_cast %get3A_2 : vector<1x20x20000xi32> to vector<20x20000xi32>
    %get3A_4 = arith.constant 0 : index
    %get3A_5 = arith.constant 0 : index
    %get3A_6 = arith.constant 0 : index
    %get3A_7 = vector.load %arg2[%get3A_4, %get3A_5, %get3A_6] : memref<1x20x1xi32, #tpu.memory_space<vmem>>, vector<1x20x1xi32>
    %get3A_8 = vector.shape_cast %get3A_7 : vector<1x20x1xi32> to vector<20x1xi32>
    %get3A_9 = arith.constant 0 : index
    %get3A_10 = arith.constant 0 : index
    %get3A_11 = arith.constant 0 : index
    %get3A_12 = vector.load %arg3[%get3A_9, %get3A_10, %get3A_11] : memref<1x20x1xi32, #tpu.memory_space<vmem>>, vector<1x20x1xi32>
    %get3A_13 = vector.shape_cast %get3A_12 : vector<1x20x1xi32> to vector<20x1xi32>
    %iota3A = tpu.iota {dimensions = array<i32: 1>} : vector<20x20000xi32>
    %gt3A = arith.constant 1028443341 : i32
    %gt3A_14 = vector.broadcast %gt3A : i32 to vector<20x20000xi32>
    %gt3A_15 = arith.cmpi sgt, %get3A_3, %gt3A_14 : vector<20x20000xi32>
    %lt3A = vector.broadcast %get3A_8 : vector<20x1xi32> to vector<20x20000xi32>
    %lt3A_16 = arith.cmpi slt, %get3A_3, %lt3A : vector<20x20000xi32>
    %eq3A = vector.broadcast %get3A_8 : vector<20x1xi32> to vector<20x20000xi32>
    %eq3A_17 = arith.cmpi eq, %get3A_3, %eq3A : vector<20x20000xi32>
    %ge3A = vector.broadcast %get3A_13 : vector<20x1xi32> to vector<20x20000xi32>
    %ge3A_18 = arith.cmpi sge, %iota3A, %ge3A : vector<20x20000xi32>
    %and3A = arith.andi %eq3A_17, %ge3A_18 : vector<20x20000xi1>
    %or3A = arith.ori %lt3A_16, %and3A : vector<20x20000xi1>
    %and3A_19 = arith.andi %gt3A_15, %or3A : vector<20x20000xi1>
    %convert_element_type3A = arith.extui %and3A_19 : vector<20x20000xi1> to vector<20x20000xi32>
    %reduce_sum3A = arith.constant dense<0> : vector<20xi32>
    %reduce_sum3A_20 = vector.multi_reduction <add>, %convert_element_type3A, %reduce_sum3A [1] : vector<20x20000xi32> to vector<20xi32>
    %broadcast_in_dim3A = vector.shape_cast %reduce_sum3A_20 : vector<20xi32> to vector<20x1xi32>
    %broadcast_in_dim3A_21 = arith.constant 1028443341 : i32
    %broadcast_in_dim3A_22 = vector.broadcast %broadcast_in_dim3A_21 : i32 to vector<20x1xi32>
    %broadcast_in_dim3A_23 = arith.constant 1065353216 : i32
    %broadcast_in_dim3A_24 = vector.broadcast %broadcast_in_dim3A_23 : i32 to vector<20x1xi32>
    %scan3A = arith.constant 0 : i32
    %scan3A_25 = arith.constant 30 : i32
    %scan3A_26 = arith.addi %scan3A, %scan3A_25 : i32
    %scan3A_27 = arith.constant 1 : i32
    %scan3A_28:2 = scf.for %scan3A_159 = %scan3A to %scan3A_26 step %scan3A_27 iter_args(%scan3A_160 = %broadcast_in_dim3A_22, %scan3A_161 = %broadcast_in_dim3A_24) -> (vector<20x1xi32>, vector<20x1xi32>)  : i32 {
      %add3A_162 = arith.addi %scan3A_160, %scan3A_161 : vector<20x1xi32>
      %jit3A_163 = arith.constant 2 : i32
      %div3A = vector.broadcast %jit3A_163 : i32 to vector<20x1xi32>
      %div3A_164 = arith.divsi %add3A_162, %div3A : vector<20x1xi32>
      %sign3A = arith.constant 0 : i32
      %sign3A_165 = vector.broadcast %sign3A : i32 to vector<20x1xi32>
      %sign3A_166 = arith.cmpi sgt, %add3A_162, %sign3A_165 : vector<20x1xi32>
      %sign3A_167 = arith.extui %sign3A_166 : vector<20x1xi1> to vector<20x1xi32>
      %sign3A_168 = arith.constant 0 : i32
      %sign3A_169 = vector.broadcast %sign3A_168 : i32 to vector<20x1xi32>
      %sign3A_170 = arith.cmpi slt, %add3A_162, %sign3A_169 : vector<20x1xi32>
      %sign3A_171 = arith.extui %sign3A_170 : vector<20x1xi1> to vector<20x1xi32>
      %sign3A_172 = arith.subi %sign3A_167, %sign3A_171 : vector<20x1xi32>
      %sign3A_173 = arith.constant 0 : i32
      %sign3A_174 = arith.cmpi sgt, %jit3A_163, %sign3A_173 : i32
      %sign3A_175 = arith.extui %sign3A_174 : i1 to i32
      %sign3A_176 = arith.constant 0 : i32
      %sign3A_177 = arith.cmpi slt, %jit3A_163, %sign3A_176 : i32
      %sign3A_178 = arith.extui %sign3A_177 : i1 to i32
      %sign3A_179 = arith.subi %sign3A_175, %sign3A_178 : i32
      %ne3A = vector.broadcast %sign3A_179 : i32 to vector<20x1xi32>
      %ne3A_180 = arith.cmpi ne, %sign3A_172, %ne3A : vector<20x1xi32>
      %rem3A = vector.broadcast %jit3A_163 : i32 to vector<20x1xi32>
      %rem3A_181 = arith.remsi %add3A_162, %rem3A : vector<20x1xi32>
      %ne3A_182 = arith.constant 0 : i32
      %ne3A_183 = vector.broadcast %ne3A_182 : i32 to vector<20x1xi32>
      %ne3A_184 = arith.cmpi ne, %rem3A_181, %ne3A_183 : vector<20x1xi32>
      %and3A_185 = arith.andi %ne3A_180, %ne3A_184 : vector<20x1xi1>
      %sub3A_186 = arith.constant 1 : i32
      %sub3A_187 = vector.broadcast %sub3A_186 : i32 to vector<20x1xi32>
      %sub3A_188 = arith.subi %div3A_164, %sub3A_187 : vector<20x1xi32>
      %select_n3A_189 = arith.select %and3A_185, %sub3A_188, %div3A_164 : vector<20x1xi1>, vector<20x1xi32>
      %gt3A_190 = vector.broadcast %select_n3A_189 : vector<20x1xi32> to vector<20x20000xi32>
      %gt3A_191 = arith.cmpi sgt, %get3A_3, %gt3A_190 : vector<20x20000xi32>
      %and3A_192 = arith.andi %and3A_19, %gt3A_191 : vector<20x20000xi1>
      %convert_element_type3A_193 = arith.extui %and3A_192 : vector<20x20000xi1> to vector<20x20000xi32>
      %reduce_sum3A_194 = arith.constant dense<0> : vector<20xi32>
      %reduce_sum3A_195 = vector.multi_reduction <add>, %convert_element_type3A_193, %reduce_sum3A_194 [1] : vector<20x20000xi32> to vector<20xi32>
      %broadcast_in_dim3A_196 = vector.shape_cast %reduce_sum3A_195 : vector<20xi32> to vector<20x1xi32>
      %lt3A_197 = arith.constant 512 : i32
      %lt3A_198 = vector.broadcast %lt3A_197 : i32 to vector<20x1xi32>
      %lt3A_199 = arith.cmpi slt, %broadcast_in_dim3A_196, %lt3A_198 : vector<20x1xi32>
      %add3A_200 = arith.constant 1 : i32
      %add3A_201 = vector.broadcast %add3A_200 : i32 to vector<20x1xi32>
      %add3A_202 = arith.addi %select_n3A_189, %add3A_201 : vector<20x1xi32>
      %select_n3A_203 = arith.select %lt3A_199, %scan3A_160, %add3A_202 : vector<20x1xi1>, vector<20x1xi32>
      %select_n3A_204 = arith.select %lt3A_199, %select_n3A_189, %scan3A_161 : vector<20x1xi1>, vector<20x1xi32>
      scf.yield %select_n3A_203, %select_n3A_204 : vector<20x1xi32>, vector<20x1xi32>
    }
    %le3A = arith.constant 512 : i32
    %le3A_29 = vector.broadcast %le3A : i32 to vector<20x1xi32>
    %le3A_30 = arith.cmpi sle, %broadcast_in_dim3A, %le3A_29 : vector<20x1xi32>
    %jit3A = arith.constant 1028443341 : i32
    %broadcast_in_dim3A_31 = vector.broadcast %jit3A : i32 to vector<20x1xi32>
    %select_n3A = arith.select %le3A_30, %broadcast_in_dim3A_31, %scan3A_28#1 : vector<20x1xi1>, vector<20x1xi32>
    %gt3A_32 = vector.broadcast %select_n3A : vector<20x1xi32> to vector<20x20000xi32>
    %gt3A_33 = arith.cmpi sgt, %get3A_3, %gt3A_32 : vector<20x20000xi32>
    %and3A_34 = arith.andi %and3A_19, %gt3A_33 : vector<20x20000xi1>
    %convert_element_type3A_35 = arith.extui %and3A_34 : vector<20x20000xi1> to vector<20x20000xi32>
    %reduce_sum3A_36 = arith.constant dense<0> : vector<20xi32>
    %reduce_sum3A_37 = vector.multi_reduction <add>, %convert_element_type3A_35, %reduce_sum3A_36 [1] : vector<20x20000xi32> to vector<20xi32>
    %broadcast_in_dim3A_38 = vector.shape_cast %reduce_sum3A_37 : vector<20xi32> to vector<20x1xi32>
    %select_n3A_39 = arith.select %le3A_30, %broadcast_in_dim3A, %broadcast_in_dim3A_38 : vector<20x1xi1>, vector<20x1xi32>
    %sub3A = arith.constant 512 : i32
    %sub3A_40 = vector.broadcast %sub3A : i32 to vector<20x1xi32>
    %sub3A_41 = arith.subi %sub3A_40, %select_n3A_39 : vector<20x1xi32>
    %jit3A_42 = arith.constant 0 : i32
    %broadcast_in_dim3A_43 = vector.broadcast %jit3A_42 : i32 to vector<20x1xi32>
    %select_n3A_44 = arith.select %le3A_30, %broadcast_in_dim3A_43, %sub3A_41 : vector<20x1xi1>, vector<20x1xi32>
    %eq3A_45 = vector.broadcast %select_n3A : vector<20x1xi32> to vector<20x20000xi32>
    %eq3A_46 = arith.cmpi eq, %get3A_3, %eq3A_45 : vector<20x20000xi32>
    %and3A_47 = arith.andi %and3A_19, %eq3A_46 : vector<20x20000xi1>
    %convert_element_type3A_48 = arith.extui %and3A_47 : vector<20x20000xi1> to vector<20x20000xi32>
    %broadcast_in_dim3A_49 = arith.constant 0 : i32
    %broadcast_in_dim3A_50 = vector.broadcast %broadcast_in_dim3A_49 : i32 to vector<20x1xi32>
    %slice3A = vector.extract_strided_slice %convert_element_type3A_48 {offsets = [0, 0], sizes = [20, 19999], strides = [1, 1]} : vector<20x20000xi32> to vector<20x19999xi32>
    %concatenate3A = tpu.concatenate %broadcast_in_dim3A_50, %slice3A in 1 : vector<20x1xi32>, vector<20x19999xi32> -> vector<20x20000xi32>
    %add3A = arith.addi %convert_element_type3A_48, %concatenate3A : vector<20x20000xi32>
    %broadcast_in_dim3A_51 = arith.constant 0 : i32
    %broadcast_in_dim3A_52 = vector.broadcast %broadcast_in_dim3A_51 : i32 to vector<20x2xi32>
    %slice3A_53 = vector.extract_strided_slice %add3A {offsets = [0, 0], sizes = [20, 19998], strides = [1, 1]} : vector<20x20000xi32> to vector<20x19998xi32>
    %concatenate3A_54 = tpu.concatenate %broadcast_in_dim3A_52, %slice3A_53 in 1 : vector<20x2xi32>, vector<20x19998xi32> -> vector<20x20000xi32>
    %add3A_55 = arith.addi %add3A, %concatenate3A_54 : vector<20x20000xi32>
    %broadcast_in_dim3A_56 = arith.constant 0 : i32
    %broadcast_in_dim3A_57 = vector.broadcast %broadcast_in_dim3A_56 : i32 to vector<20x4xi32>
    %slice3A_58 = vector.extract_strided_slice %add3A_55 {offsets = [0, 0], sizes = [20, 19996], strides = [1, 1]} : vector<20x20000xi32> to vector<20x19996xi32>
    %concatenate3A_59 = tpu.concatenate %broadcast_in_dim3A_57, %slice3A_58 in 1 : vector<20x4xi32>, vector<20x19996xi32> -> vector<20x20000xi32>
    %add3A_60 = arith.addi %add3A_55, %concatenate3A_59 : vector<20x20000xi32>
    %broadcast_in_dim3A_61 = arith.constant 0 : i32
    %broadcast_in_dim3A_62 = vector.broadcast %broadcast_in_dim3A_61 : i32 to vector<20x8xi32>
    %slice3A_63 = vector.extract_strided_slice %add3A_60 {offsets = [0, 0], sizes = [20, 19992], strides = [1, 1]} : vector<20x20000xi32> to vector<20x19992xi32>
    %concatenate3A_64 = tpu.concatenate %broadcast_in_dim3A_62, %slice3A_63 in 1 : vector<20x8xi32>, vector<20x19992xi32> -> vector<20x20000xi32>
    %add3A_65 = arith.addi %add3A_60, %concatenate3A_64 : vector<20x20000xi32>
    %broadcast_in_dim3A_66 = arith.constant 0 : i32
    %broadcast_in_dim3A_67 = vector.broadcast %broadcast_in_dim3A_66 : i32 to vector<20x16xi32>
    %slice3A_68 = vector.extract_strided_slice %add3A_65 {offsets = [0, 0], sizes = [20, 19984], strides = [1, 1]} : vector<20x20000xi32> to vector<20x19984xi32>
    %concatenate3A_69 = tpu.concatenate %broadcast_in_dim3A_67, %slice3A_68 in 1 : vector<20x16xi32>, vector<20x19984xi32> -> vector<20x20000xi32>
    %add3A_70 = arith.addi %add3A_65, %concatenate3A_69 : vector<20x20000xi32>
    %broadcast_in_dim3A_71 = arith.constant 0 : i32
    %broadcast_in_dim3A_72 = vector.broadcast %broadcast_in_dim3A_71 : i32 to vector<20x32xi32>
    %slice3A_73 = vector.extract_strided_slice %add3A_70 {offsets = [0, 0], sizes = [20, 19968], strides = [1, 1]} : vector<20x20000xi32> to vector<20x19968xi32>
    %concatenate3A_74 = tpu.concatenate %broadcast_in_dim3A_72, %slice3A_73 in 1 : vector<20x32xi32>, vector<20x19968xi32> -> vector<20x20000xi32>
    %add3A_75 = arith.addi %add3A_70, %concatenate3A_74 : vector<20x20000xi32>
    %broadcast_in_dim3A_76 = arith.constant 0 : i32
    %broadcast_in_dim3A_77 = vector.broadcast %broadcast_in_dim3A_76 : i32 to vector<20x64xi32>
    %slice3A_78 = vector.extract_strided_slice %add3A_75 {offsets = [0, 0], sizes = [20, 19936], strides = [1, 1]} : vector<20x20000xi32> to vector<20x19936xi32>
    %concatenate3A_79 = tpu.concatenate %broadcast_in_dim3A_77, %slice3A_78 in 1 : vector<20x64xi32>, vector<20x19936xi32> -> vector<20x20000xi32>
    %add3A_80 = arith.addi %add3A_75, %concatenate3A_79 : vector<20x20000xi32>
    %broadcast_in_dim3A_81 = arith.constant 0 : i32
    %broadcast_in_dim3A_82 = vector.broadcast %broadcast_in_dim3A_81 : i32 to vector<20x128xi32>
    %slice3A_83 = vector.extract_strided_slice %add3A_80 {offsets = [0, 0], sizes = [20, 19872], strides = [1, 1]} : vector<20x20000xi32> to vector<20x19872xi32>
    %concatenate3A_84 = tpu.concatenate %broadcast_in_dim3A_82, %slice3A_83 in 1 : vector<20x128xi32>, vector<20x19872xi32> -> vector<20x20000xi32>
    %add3A_85 = arith.addi %add3A_80, %concatenate3A_84 : vector<20x20000xi32>
    %broadcast_in_dim3A_86 = arith.constant 0 : i32
    %broadcast_in_dim3A_87 = vector.broadcast %broadcast_in_dim3A_86 : i32 to vector<20x256xi32>
    %slice3A_88 = vector.extract_strided_slice %add3A_85 {offsets = [0, 0], sizes = [20, 19744], strides = [1, 1]} : vector<20x20000xi32> to vector<20x19744xi32>
    %concatenate3A_89 = tpu.concatenate %broadcast_in_dim3A_87, %slice3A_88 in 1 : vector<20x256xi32>, vector<20x19744xi32> -> vector<20x20000xi32>
    %add3A_90 = arith.addi %add3A_85, %concatenate3A_89 : vector<20x20000xi32>
    %broadcast_in_dim3A_91 = arith.constant 0 : i32
    %broadcast_in_dim3A_92 = vector.broadcast %broadcast_in_dim3A_91 : i32 to vector<20x512xi32>
    %slice3A_93 = vector.extract_strided_slice %add3A_90 {offsets = [0, 0], sizes = [20, 19488], strides = [1, 1]} : vector<20x20000xi32> to vector<20x19488xi32>
    %concatenate3A_94 = tpu.concatenate %broadcast_in_dim3A_92, %slice3A_93 in 1 : vector<20x512xi32>, vector<20x19488xi32> -> vector<20x20000xi32>
    %add3A_95 = arith.addi %add3A_90, %concatenate3A_94 : vector<20x20000xi32>
    %broadcast_in_dim3A_96 = arith.constant 0 : i32
    %broadcast_in_dim3A_97 = vector.broadcast %broadcast_in_dim3A_96 : i32 to vector<20x1024xi32>
    %slice3A_98 = vector.extract_strided_slice %add3A_95 {offsets = [0, 0], sizes = [20, 18976], strides = [1, 1]} : vector<20x20000xi32> to vector<20x18976xi32>
    %concatenate3A_99 = tpu.concatenate %broadcast_in_dim3A_97, %slice3A_98 in 1 : vector<20x1024xi32>, vector<20x18976xi32> -> vector<20x20000xi32>
    %add3A_100 = arith.addi %add3A_95, %concatenate3A_99 : vector<20x20000xi32>
    %broadcast_in_dim3A_101 = arith.constant 0 : i32
    %broadcast_in_dim3A_102 = vector.broadcast %broadcast_in_dim3A_101 : i32 to vector<20x2048xi32>
    %slice3A_103 = vector.extract_strided_slice %add3A_100 {offsets = [0, 0], sizes = [20, 17952], strides = [1, 1]} : vector<20x20000xi32> to vector<20x17952xi32>
    %concatenate3A_104 = tpu.concatenate %broadcast_in_dim3A_102, %slice3A_103 in 1 : vector<20x2048xi32>, vector<20x17952xi32> -> vector<20x20000xi32>
    %add3A_105 = arith.addi %add3A_100, %concatenate3A_104 : vector<20x20000xi32>
    %broadcast_in_dim3A_106 = arith.constant 0 : i32
    %broadcast_in_dim3A_107 = vector.broadcast %broadcast_in_dim3A_106 : i32 to vector<20x4096xi32>
    %slice3A_108 = vector.extract_strided_slice %add3A_105 {offsets = [0, 0], sizes = [20, 15904], strides = [1, 1]} : vector<20x20000xi32> to vector<20x15904xi32>
    %concatenate3A_109 = tpu.concatenate %broadcast_in_dim3A_107, %slice3A_108 in 1 : vector<20x4096xi32>, vector<20x15904xi32> -> vector<20x20000xi32>
    %add3A_110 = arith.addi %add3A_105, %concatenate3A_109 : vector<20x20000xi32>
    %broadcast_in_dim3A_111 = arith.constant 0 : i32
    %broadcast_in_dim3A_112 = vector.broadcast %broadcast_in_dim3A_111 : i32 to vector<20x8192xi32>
    %slice3A_113 = vector.extract_strided_slice %add3A_110 {offsets = [0, 0], sizes = [20, 11808], strides = [1, 1]} : vector<20x20000xi32> to vector<20x11808xi32>
    %concatenate3A_114 = tpu.concatenate %broadcast_in_dim3A_112, %slice3A_113 in 1 : vector<20x8192xi32>, vector<20x11808xi32> -> vector<20x20000xi32>
    %add3A_115 = arith.addi %add3A_110, %concatenate3A_114 : vector<20x20000xi32>
    %broadcast_in_dim3A_116 = arith.constant 0 : i32
    %broadcast_in_dim3A_117 = vector.broadcast %broadcast_in_dim3A_116 : i32 to vector<20x16384xi32>
    %slice3A_118 = vector.extract_strided_slice %add3A_115 {offsets = [0, 0], sizes = [20, 3616], strides = [1, 1]} : vector<20x20000xi32> to vector<20x3616xi32>
    %concatenate3A_119 = tpu.concatenate %broadcast_in_dim3A_117, %slice3A_118 in 1 : vector<20x16384xi32>, vector<20x3616xi32> -> vector<20x20000xi32>
    %add3A_120 = arith.addi %add3A_115, %concatenate3A_119 : vector<20x20000xi32>
    %convert_element_type3A_121 = arith.extui %and3A_47 : vector<20x20000xi1> to vector<20x20000xi32>
    %sub3A_122 = arith.subi %add3A_120, %convert_element_type3A_121 : vector<20x20000xi32>
    %lt3A_123 = vector.broadcast %select_n3A_44 : vector<20x1xi32> to vector<20x20000xi32>
    %lt3A_124 = arith.cmpi slt, %sub3A_122, %lt3A_123 : vector<20x20000xi32>
    %and3A_125 = arith.andi %and3A_47, %lt3A_124 : vector<20x20000xi1>
    %add3A_126 = arith.addi %select_n3A_39, %select_n3A_44 : vector<20x1xi32>
    %jit3A_127 = arith.constant -1 : i32
    %broadcast_in_dim3A_128 = vector.broadcast %jit3A_127 : i32 to vector<20x20000xi32>
    %select_n3A_129 = arith.select %and3A_125, %iota3A, %broadcast_in_dim3A_128 : vector<20x20000xi1>, vector<20x20000xi32>
    %reduce_max3A = arith.constant dense<-2147483648> : vector<20xi32>
    %reduce_max3A_130 = vector.multi_reduction <maxsi>, %select_n3A_129, %reduce_max3A [1] : vector<20x20000xi32> to vector<20xi32>
    %broadcast_in_dim3A_131 = vector.shape_cast %reduce_max3A_130 : vector<20xi32> to vector<20x1xi32>
    %add3A_132 = arith.constant 1 : i32
    %add3A_133 = vector.broadcast %add3A_132 : i32 to vector<20x1xi32>
    %add3A_134 = arith.addi %broadcast_in_dim3A_131, %add3A_133 : vector<20x1xi32>
    %swap3A = arith.constant 0 : index
    %swap3A_135 = arith.constant 0 : index
    %swap3A_136 = arith.constant 0 : index
    %swap3A_137 = vector.load %arg4[%swap3A, %swap3A_135, %swap3A_136] : memref<1x20x1xi32, #tpu.memory_space<vmem>>, vector<1x20x1xi32>
    %swap3A_138 = vector.shape_cast %swap3A_137 : vector<1x20x1xi32> to vector<20x1xi32>
    %swap3A_139 = vector.shape_cast %select_n3A : vector<20x1xi32> to vector<1x20x1xi32>
    tpu.vector_store %arg4[%swap3A, %swap3A_135, %swap3A_136], %swap3A_139 {strides = array<i32>} : memref<1x20x1xi32, #tpu.memory_space<vmem>>, vector<1x20x1xi32>,
    %swap3A_140 = arith.constant 0 : index
    %swap3A_141 = arith.constant 0 : index
    %swap3A_142 = arith.constant 0 : index
    %swap3A_143 = vector.load %arg5[%swap3A_140, %swap3A_141, %swap3A_142] : memref<1x20x1xi32, #tpu.memory_space<vmem>>, vector<1x20x1xi32>
    %swap3A_144 = vector.shape_cast %swap3A_143 : vector<1x20x1xi32> to vector<20x1xi32>
    %swap3A_145 = vector.shape_cast %add3A_134 : vector<20x1xi32> to vector<1x20x1xi32>
    tpu.vector_store %arg5[%swap3A_140, %swap3A_141, %swap3A_142], %swap3A_145 {strides = array<i32>} : memref<1x20x1xi32, #tpu.memory_space<vmem>>, vector<1x20x1xi32>,
    %sub3A_146 = arith.subi %broadcast_in_dim3A, %add3A_126 : vector<20x1xi32>
    %swap3A_147 = arith.constant 0 : index
    %swap3A_148 = arith.constant 0 : index
    %swap3A_149 = arith.constant 0 : index
    %swap3A_150 = vector.load %arg6[%swap3A_147, %swap3A_148, %swap3A_149] : memref<1x20x1xi32, #tpu.memory_space<vmem>>, vector<1x20x1xi32>
    %swap3A_151 = vector.shape_cast %swap3A_150 : vector<1x20x1xi32> to vector<20x1xi32>
    %swap3A_152 = vector.shape_cast %sub3A_146 : vector<20x1xi32> to vector<1x20x1xi32>
    tpu.vector_store %arg6[%swap3A_147, %swap3A_148, %swap3A_149], %swap3A_152 {strides = array<i32>} : memref<1x20x1xi32, #tpu.memory_space<vmem>>, vector<1x20x1xi32>,
    %swap3A_153 = arith.constant 0 : index
    %swap3A_154 = arith.constant 0 : index
    %swap3A_155 = arith.constant 0 : index
    %swap3A_156 = vector.load %arg7[%swap3A_153, %swap3A_154, %swap3A_155] : memref<1x20x1xi32, #tpu.memory_space<vmem>>, vector<1x20x1xi32>
    %swap3A_157 = vector.shape_cast %swap3A_156 : vector<1x20x1xi32> to vector<20x1xi32>
    %swap3A_158 = vector.shape_cast %select_n3A_44 : vector<20x1xi32> to vector<1x20x1xi32>
    tpu.vector_store %arg7[%swap3A_153, %swap3A_154, %swap3A_155], %swap3A_158 {strides = array<i32>} : memref<1x20x1xi32, #tpu.memory_space<vmem>>, vector<1x20x1xi32>,
    return
  }
  func.func @transform_0(%arg0: i32) -> (i32, i32, i32) {
    %c0_i32 = arith.constant 0 : i32
    %c0_i32_0 = arith.constant 0 : i32
    %c0_i32_1 = arith.constant 0 : i32
    return %arg0, %c0_i32, %c0_i32_0 : i32, i32, i32
  }
  func.func @transform_1(%arg0: i32) -> (i32, i32, i32) {
    %c0_i32 = arith.constant 0 : i32
    %c0_i32_0 = arith.constant 0 : i32
    %c0_i32_1 = arith.constant 0 : i32
    return %arg0, %c0_i32, %c0_i32_0 : i32, i32, i32
  }
  func.func @transform_2(%arg0: i32) -> (i32, i32, i32) {
    %c0_i32 = arith.constant 0 : i32
    %c0_i32_0 = arith.constant 0 : i32
    %c0_i32_1 = arith.constant 0 : i32
    return %arg0, %c0_i32, %c0_i32_0 : i32, i32, i32
  }
  func.func @transform_3(%arg0: i32) -> (i32, i32, i32) {
    %c0_i32 = arith.constant 0 : i32
    %c0_i32_0 = arith.constant 0 : i32
    %c0_i32_1 = arith.constant 0 : i32
    return %arg0, %c0_i32, %c0_i32_0 : i32, i32, i32
  }
  func.func @transform_4(%arg0: i32) -> (i32, i32, i32) {
    %c0_i32 = arith.constant 0 : i32
    %c0_i32_0 = arith.constant 0 : i32
    %c0_i32_1 = arith.constant 0 : i32
    return %arg0, %c0_i32, %c0_i32_0 : i32, i32, i32
  }
  func.func @transform_5(%arg0: i32) -> (i32, i32, i32) {
    %c0_i32 = arith.constant 0 : i32
    %c0_i32_0 = arith.constant 0 : i32
    %c0_i32_1 = arith.constant 0 : i32
    return %arg0, %c0_i32, %c0_i32_0 : i32, i32, i32
  }
  func.func @transform_6(%arg0: i32) -> (i32, i32, i32) {
    %c0_i32 = arith.constant 0 : i32
    %c0_i32_0 = arith.constant 0 : i32
    %c0_i32_1 = arith.constant 0 : i32
    return %arg0, %c0_i32, %c0_i32_0 : i32, i32, i32
  }
}

module attributes {stable_mosaic.version = 14 : i64} {
  func.func @_t_body(%arg0: i32, %arg1: memref<1x20x512xf32, #tpu.memory_space<vmem>>, %arg2: memref<1x20x512xf32, #tpu.memory_space<vmem>>, %arg3: memref<1x20x512xf32, #tpu.memory_space<vmem>>, %arg4: memref<1x20x512xf32, #tpu.memory_space<vmem>>, %arg5: memref<1x20x512xf32, #tpu.memory_space<vmem>>, %arg6: memref<1x20x512xf32, #tpu.memory_space<vmem>>, %arg7: memref<1x20x1xi32, #tpu.memory_space<vmem>>, %arg8: memref<1x20x300xf32, #tpu.memory_space<vmem>>, %arg9: memref<1x20x300xf32, #tpu.memory_space<vmem>>, %arg10: memref<1x20x300xf32, #tpu.memory_space<vmem>>, %arg11: memref<1x20x300xf32, #tpu.memory_space<vmem>>, %arg12: memref<1x20x300xf32, #tpu.memory_space<vmem>>, %arg13: memref<1x20x300xf32, #tpu.memory_space<vmem>>, %arg14: memref<1x20x1xi32, #tpu.memory_space<vmem>>, %arg15: memref<1x20x300xf32, #tpu.memory_space<vmem>>, %arg16: memref<1x20x300xf32, #tpu.memory_space<vmem>>, %arg17: memref<1x20x300xf32, #tpu.memory_space<vmem>>, %arg18: memref<1x20x300xf32, #tpu.memory_space<vmem>>, %arg19: memref<1x20x300xf32, #tpu.memory_space<vmem>>, %arg20: memref<1x20x300xf32, #tpu.memory_space<vmem>>, %arg21: memref<1x20x1xi32, #tpu.memory_space<vmem>>, %arg22: memref<1x20x1xi32, #tpu.memory_space<vmem>>, %arg23: memref<512x512xf32, #tpu.memory_space<vmem>>, %arg24: memref<512x512xf32, #tpu.memory_space<vmem>>) attributes {dimension_semantics = [#tpu.dimension_semantics<arbitrary>], iteration_bounds = array<i64: 2>, scalar_prefetch = 0 : i64, scratch_operands = 2 : i64, tpu.core_type = #tpu.core_type<tc>, window_params = [{transform_indices = @transform_0, window_bounds = array<i64: 1, 20, 512>}, {transform_indices = @transform_1, window_bounds = array<i64: 1, 20, 512>}, {transform_indices = @transform_2, window_bounds = array<i64: 1, 20, 512>}, {transform_indices = @transform_3, window_bounds = array<i64: 1, 20, 512>}, {transform_indices = @transform_4, window_bounds = array<i64: 1, 20, 512>}, {transform_indices = @transform_5, window_bounds = array<i64: 1, 20, 512>}, {transform_indices = @transform_6, window_bounds = array<i64: 1, 20, 1>}, {transform_indices = @transform_7, window_bounds = array<i64: 1, 20, 300>}, {transform_indices = @transform_8, window_bounds = array<i64: 1, 20, 300>}, {transform_indices = @transform_9, window_bounds = array<i64: 1, 20, 300>}, {transform_indices = @transform_10, window_bounds = array<i64: 1, 20, 300>}, {transform_indices = @transform_11, window_bounds = array<i64: 1, 20, 300>}, {transform_indices = @transform_12, window_bounds = array<i64: 1, 20, 300>}, {transform_indices = @transform_13, window_bounds = array<i64: 1, 20, 1>}, {transform_indices = @transform_14, window_bounds = array<i64: 1, 20, 300>}, {transform_indices = @transform_15, window_bounds = array<i64: 1, 20, 300>}, {transform_indices = @transform_16, window_bounds = array<i64: 1, 20, 300>}, {transform_indices = @transform_17, window_bounds = array<i64: 1, 20, 300>}, {transform_indices = @transform_18, window_bounds = array<i64: 1, 20, 300>}, {transform_indices = @transform_19, window_bounds = array<i64: 1, 20, 300>}, {transform_indices = @transform_20, window_bounds = array<i64: 1, 20, 1>}, {transform_indices = @transform_21, window_bounds = array<i64: 1, 20, 1>}]} {
    %iota3A = tpu.iota {dimensions = array<i32: 0>} : vector<300x1xi32>
    %convert_element_type3A = arith.sitofp %iota3A : vector<300x1xi32> to vector<300x1xf32>
    %scan3A = arith.constant 0xFF800000 : f32
    %scan3A_0 = arith.constant 0 : i32
    %scan3A_1 = arith.constant 20 : i32
    %scan3A_2 = arith.addi %scan3A_0, %scan3A_1 : i32
    %scan3A_3 = arith.constant 1 : i32
    scf.for %scan3A_5 = %scan3A_0 to %scan3A_2 step %scan3A_3  : i32 {
      %get3A = arith.constant 0 : index
      %get3A_6 = arith.index_cast %scan3A_5 : i32 to index
      %get3A_7 = arith.constant 0 : index
      %get3A_8 = vector.load %arg2[%get3A, %get3A_6, %get3A_7] : memref<1x20x512xf32, #tpu.memory_space<vmem>>, vector<1x1x512xf32>
      %get3A_9 = vector.shape_cast %get3A_8 : vector<1x1x512xf32> to vector<1x512xf32>
      %get3A_10 = arith.constant 0 : index
      %get3A_11 = arith.index_cast %scan3A_5 : i32 to index
      %get3A_12 = arith.constant 0 : index
      %get3A_13 = vector.load %arg1[%get3A_10, %get3A_11, %get3A_12] : memref<1x20x512xf32, #tpu.memory_space<vmem>>, vector<1x1x512xf32>
      %get3A_14 = vector.shape_cast %get3A_13 : vector<1x1x512xf32> to vector<1x512xf32>
      %get3A_15 = arith.constant 0 : index
      %get3A_16 = arith.index_cast %scan3A_5 : i32 to index
      %get3A_17 = arith.constant 0 : index
      %get3A_18 = vector.load %arg3[%get3A_15, %get3A_16, %get3A_17] : memref<1x20x512xf32, #tpu.memory_space<vmem>>, vector<1x1x512xf32>
      %get3A_19 = vector.shape_cast %get3A_18 : vector<1x1x512xf32> to vector<1x512xf32>
      %get3A_20 = arith.constant 0 : index
      %get3A_21 = arith.index_cast %scan3A_5 : i32 to index
      %get3A_22 = arith.constant 0 : index
      %get3A_23 = vector.load %arg4[%get3A_20, %get3A_21, %get3A_22] : memref<1x20x512xf32, #tpu.memory_space<vmem>>, vector<1x1x512xf32>
      %get3A_24 = vector.shape_cast %get3A_23 : vector<1x1x512xf32> to vector<1x512xf32>
      %get3A_25 = arith.constant 0 : index
      %get3A_26 = arith.index_cast %scan3A_5 : i32 to index
      %get3A_27 = arith.constant 0 : index
      %get3A_28 = vector.load %arg5[%get3A_25, %get3A_26, %get3A_27] : memref<1x20x512xf32, #tpu.memory_space<vmem>>, vector<1x1x512xf32>
      %get3A_29 = vector.shape_cast %get3A_28 : vector<1x1x512xf32> to vector<1x512xf32>
      %get3A_30 = arith.constant 0 : index
      %get3A_31 = arith.index_cast %scan3A_5 : i32 to index
      %get3A_32 = arith.constant 0 : index
      %get3A_33 = vector.load %arg6[%get3A_30, %get3A_31, %get3A_32] : memref<1x20x512xf32, #tpu.memory_space<vmem>>, vector<1x1x512xf32>
      %get3A_34 = vector.shape_cast %get3A_33 : vector<1x1x512xf32> to vector<1x512xf32>
      %sub3A = arith.subf %get3A_29, %get3A_19 : vector<1x512xf32>
      %max3A = arith.constant 0.000000e+00 : f32
      %max3A_35 = vector.broadcast %max3A : f32 to vector<1x512xf32>
      %max3A_36 = arith.maximumf %sub3A, %max3A_35 : vector<1x512xf32>
      %sub3A_37 = arith.subf %get3A_34, %get3A_24 : vector<1x512xf32>
      %max3A_38 = arith.constant 0.000000e+00 : f32
      %max3A_39 = vector.broadcast %max3A_38 : f32 to vector<1x512xf32>
      %max3A_40 = arith.maximumf %sub3A_37, %max3A_39 : vector<1x512xf32>
      %mul3A = arith.mulf %max3A_36, %max3A_40 : vector<1x512xf32>
      %reshape3A = vector.shape_cast %get3A_9 : vector<1x512xf32> to vector<512x1xf32>
      %reshape3A_41 = vector.shape_cast %get3A_14 : vector<1x512xf32> to vector<512x1xf32>
      %reshape3A_42 = vector.shape_cast %get3A_19 : vector<1x512xf32> to vector<512x1xf32>
      %reshape3A_43 = vector.shape_cast %get3A_24 : vector<1x512xf32> to vector<512x1xf32>
      %reshape3A_44 = vector.shape_cast %get3A_29 : vector<1x512xf32> to vector<512x1xf32>
      %reshape3A_45 = vector.shape_cast %get3A_34 : vector<1x512xf32> to vector<512x1xf32>
      %reshape3A_46 = vector.shape_cast %mul3A : vector<1x512xf32> to vector<512x1xf32>
      %get3A_47 = arith.constant 0 : index
      %get3A_48 = arith.index_cast %scan3A_5 : i32 to index
      %get3A_49 = arith.constant 0 : index
      %get3A_50 = vector.load %arg10[%get3A_47, %get3A_48, %get3A_49] : memref<1x20x300xf32, #tpu.memory_space<vmem>>, vector<1x1x300xf32>
      %get3A_51 = vector.shape_cast %get3A_50 : vector<1x1x300xf32> to vector<1x300xf32>
      %get3A_52 = arith.constant 0 : index
      %get3A_53 = arith.index_cast %scan3A_5 : i32 to index
      %get3A_54 = arith.constant 0 : index
      %get3A_55 = vector.load %arg11[%get3A_52, %get3A_53, %get3A_54] : memref<1x20x300xf32, #tpu.memory_space<vmem>>, vector<1x1x300xf32>
      %get3A_56 = vector.shape_cast %get3A_55 : vector<1x1x300xf32> to vector<1x300xf32>
      %get3A_57 = arith.constant 0 : index
      %get3A_58 = arith.index_cast %scan3A_5 : i32 to index
      %get3A_59 = arith.constant 0 : index
      %get3A_60 = vector.load %arg12[%get3A_57, %get3A_58, %get3A_59] : memref<1x20x300xf32, #tpu.memory_space<vmem>>, vector<1x1x300xf32>
      %get3A_61 = vector.shape_cast %get3A_60 : vector<1x1x300xf32> to vector<1x300xf32>
      %get3A_62 = arith.constant 0 : index
      %get3A_63 = arith.index_cast %scan3A_5 : i32 to index
      %get3A_64 = arith.constant 0 : index
      %get3A_65 = vector.load %arg13[%get3A_62, %get3A_63, %get3A_64] : memref<1x20x300xf32, #tpu.memory_space<vmem>>, vector<1x1x300xf32>
      %get3A_66 = vector.shape_cast %get3A_65 : vector<1x1x300xf32> to vector<1x300xf32>
      %sub3A_67 = arith.subf %get3A_61, %get3A_51 : vector<1x300xf32>
      %max3A_68 = arith.constant 0.000000e+00 : f32
      %max3A_69 = vector.broadcast %max3A_68 : f32 to vector<1x300xf32>
      %max3A_70 = arith.maximumf %sub3A_67, %max3A_69 : vector<1x300xf32>
      %sub3A_71 = arith.subf %get3A_66, %get3A_56 : vector<1x300xf32>
      %max3A_72 = arith.constant 0.000000e+00 : f32
      %max3A_73 = vector.broadcast %max3A_72 : f32 to vector<1x300xf32>
      %max3A_74 = arith.maximumf %sub3A_71, %max3A_73 : vector<1x300xf32>
      %mul3A_75 = arith.mulf %max3A_70, %max3A_74 : vector<1x300xf32>
      %max3A_76 = vector.broadcast %get3A_51 : vector<1x300xf32> to vector<512x300xf32>
      %max3A_77 = vector.broadcast %reshape3A_42 : vector<512x1xf32> to vector<512x300xf32>
      %max3A_78 = arith.maximumf %max3A_76, %max3A_77 : vector<512x300xf32>
      %max3A_79 = vector.broadcast %get3A_56 : vector<1x300xf32> to vector<512x300xf32>
      %max3A_80 = vector.broadcast %reshape3A_43 : vector<512x1xf32> to vector<512x300xf32>
      %max3A_81 = arith.maximumf %max3A_79, %max3A_80 : vector<512x300xf32>
      %min3A = vector.broadcast %get3A_61 : vector<1x300xf32> to vector<512x300xf32>
      %min3A_82 = vector.broadcast %reshape3A_44 : vector<512x1xf32> to vector<512x300xf32>
      %min3A_83 = arith.minimumf %min3A, %min3A_82 : vector<512x300xf32>
      %min3A_84 = vector.broadcast %get3A_66 : vector<1x300xf32> to vector<512x300xf32>
      %min3A_85 = vector.broadcast %reshape3A_45 : vector<512x1xf32> to vector<512x300xf32>
      %min3A_86 = arith.minimumf %min3A_84, %min3A_85 : vector<512x300xf32>
      %sub3A_87 = arith.subf %min3A_83, %max3A_78 : vector<512x300xf32>
      %max3A_88 = arith.constant 0.000000e+00 : f32
      %max3A_89 = vector.broadcast %max3A_88 : f32 to vector<512x300xf32>
      %max3A_90 = arith.maximumf %sub3A_87, %max3A_89 : vector<512x300xf32>
      %sub3A_91 = arith.subf %min3A_86, %max3A_81 : vector<512x300xf32>
      %max3A_92 = arith.constant 0.000000e+00 : f32
      %max3A_93 = vector.broadcast %max3A_92 : f32 to vector<512x300xf32>
      %max3A_94 = arith.maximumf %sub3A_91, %max3A_93 : vector<512x300xf32>
      %mul3A_95 = arith.mulf %max3A_90, %max3A_94 : vector<512x300xf32>
      %add3A = vector.broadcast %mul3A_75 : vector<1x300xf32> to vector<512x300xf32>
      %add3A_96 = vector.broadcast %reshape3A_46 : vector<512x1xf32> to vector<512x300xf32>
      %add3A_97 = arith.addf %add3A, %add3A_96 : vector<512x300xf32>
      %sub3A_98 = arith.subf %add3A_97, %mul3A_95 : vector<512x300xf32>
      %add3A_99 = arith.constant 9.99999971E-10 : f32
      %add3A_100 = vector.broadcast %add3A_99 : f32 to vector<512x300xf32>
      %add3A_101 = arith.addf %sub3A_98, %add3A_100 : vector<512x300xf32>
      %div3A = arith.divf %mul3A_95, %add3A_101 : vector<512x300xf32>
      %gt3A = arith.constant 5.000000e-01 : f32
      %gt3A_102 = vector.broadcast %gt3A : f32 to vector<512x300xf32>
      %gt3A_103 = arith.cmpf ogt, %div3A, %gt3A_102 : vector<512x300xf32>
      %convert_element_type3A_104 = arith.extui %gt3A_103 : vector<512x300xi1> to vector<512x300xi32>
      %convert_element_type3A_105 = arith.sitofp %convert_element_type3A_104 : vector<512x300xi32> to vector<512x300xf32>
      %reduce_sum3A = arith.constant dense<0.000000e+00> : vector<512xf32>
      %reduce_sum3A_106 = vector.multi_reduction <add>, %convert_element_type3A_105, %reduce_sum3A [1] : vector<512x300xf32> to vector<512xf32>
      %broadcast_in_dim3A = vector.shape_cast %reduce_sum3A_106 : vector<512xf32> to vector<512x1xf32>
      %ne3A = vector.broadcast %scan3A : f32 to vector<512x1xf32>
      %ne3A_107 = arith.cmpf one, %reshape3A, %ne3A : vector<512x1xf32>
      %eq3A = arith.constant 0.000000e+00 : f32
      %eq3A_108 = vector.broadcast %eq3A : f32 to vector<512x1xf32>
      %eq3A_109 = arith.cmpf oeq, %broadcast_in_dim3A, %eq3A_108 : vector<512x1xf32>
      %and3A = arith.andi %ne3A_107, %eq3A_109 : vector<512x1xi1>
      %jit3A = arith.constant 1.000000e+00 : f32
      %jit3A_110 = arith.constant 0.000000e+00 : f32
      %broadcast_in_dim3A_111 = vector.broadcast %jit3A : f32 to vector<512x1xf32>
      %broadcast_in_dim3A_112 = vector.broadcast %jit3A_110 : f32 to vector<512x1xf32>
      %select_n3A = arith.select %and3A, %broadcast_in_dim3A_111, %broadcast_in_dim3A_112 : vector<512x1xi1>, vector<512x1xf32>
      %reshape3A_113 = vector.shape_cast %select_n3A : vector<512x1xf32> to vector<1x512xf32>
      %gt3A_114 = vector.broadcast %reshape3A : vector<512x1xf32> to vector<512x512xf32>
      %gt3A_115 = vector.broadcast %get3A_9 : vector<1x512xf32> to vector<512x512xf32>
      %gt3A_116 = arith.cmpf ogt, %gt3A_114, %gt3A_115 : vector<512x512xf32>
      %eq3A_117 = vector.broadcast %reshape3A : vector<512x1xf32> to vector<512x512xf32>
      %eq3A_118 = vector.broadcast %get3A_9 : vector<1x512xf32> to vector<512x512xf32>
      %eq3A_119 = arith.cmpf oeq, %eq3A_117, %eq3A_118 : vector<512x512xf32>
      %lt3A = vector.broadcast %reshape3A_41 : vector<512x1xf32> to vector<512x512xf32>
      %lt3A_120 = vector.broadcast %get3A_14 : vector<1x512xf32> to vector<512x512xf32>
      %lt3A_121 = arith.cmpf olt, %lt3A, %lt3A_120 : vector<512x512xf32>
      %and3A_122 = arith.andi %eq3A_119, %lt3A_121 : vector<512x512xi1>
      %or3A = arith.ori %gt3A_116, %and3A_122 : vector<512x512xi1>
      %max3A_123 = vector.broadcast %reshape3A_42 : vector<512x1xf32> to vector<512x512xf32>
      %max3A_124 = vector.broadcast %get3A_19 : vector<1x512xf32> to vector<512x512xf32>
      %max3A_125 = arith.maximumf %max3A_123, %max3A_124 : vector<512x512xf32>
      %max3A_126 = vector.broadcast %reshape3A_43 : vector<512x1xf32> to vector<512x512xf32>
      %max3A_127 = vector.broadcast %get3A_24 : vector<1x512xf32> to vector<512x512xf32>
      %max3A_128 = arith.maximumf %max3A_126, %max3A_127 : vector<512x512xf32>
      %min3A_129 = vector.broadcast %reshape3A_44 : vector<512x1xf32> to vector<512x512xf32>
      %min3A_130 = vector.broadcast %get3A_29 : vector<1x512xf32> to vector<512x512xf32>
      %min3A_131 = arith.minimumf %min3A_129, %min3A_130 : vector<512x512xf32>
      %min3A_132 = vector.broadcast %reshape3A_45 : vector<512x1xf32> to vector<512x512xf32>
      %min3A_133 = vector.broadcast %get3A_34 : vector<1x512xf32> to vector<512x512xf32>
      %min3A_134 = arith.minimumf %min3A_132, %min3A_133 : vector<512x512xf32>
      %sub3A_135 = arith.subf %min3A_131, %max3A_125 : vector<512x512xf32>
      %max3A_136 = arith.constant 0.000000e+00 : f32
      %max3A_137 = vector.broadcast %max3A_136 : f32 to vector<512x512xf32>
      %max3A_138 = arith.maximumf %sub3A_135, %max3A_137 : vector<512x512xf32>
      %sub3A_139 = arith.subf %min3A_134, %max3A_128 : vector<512x512xf32>
      %max3A_140 = arith.constant 0.000000e+00 : f32
      %max3A_141 = vector.broadcast %max3A_140 : f32 to vector<512x512xf32>
      %max3A_142 = arith.maximumf %sub3A_139, %max3A_141 : vector<512x512xf32>
      %mul3A_143 = arith.mulf %max3A_138, %max3A_142 : vector<512x512xf32>
      %add3A_144 = vector.broadcast %reshape3A_46 : vector<512x1xf32> to vector<512x512xf32>
      %add3A_145 = vector.broadcast %mul3A : vector<1x512xf32> to vector<512x512xf32>
      %add3A_146 = arith.addf %add3A_144, %add3A_145 : vector<512x512xf32>
      %sub3A_147 = arith.subf %add3A_146, %mul3A_143 : vector<512x512xf32>
      %add3A_148 = arith.constant 9.99999971E-10 : f32
      %add3A_149 = vector.broadcast %add3A_148 : f32 to vector<512x512xf32>
      %add3A_150 = arith.addf %sub3A_147, %add3A_149 : vector<512x512xf32>
      %div3A_151 = arith.divf %mul3A_143, %add3A_150 : vector<512x512xf32>
      %gt3A_152 = arith.constant 5.000000e-01 : f32
      %gt3A_153 = vector.broadcast %gt3A_152 : f32 to vector<512x512xf32>
      %gt3A_154 = arith.cmpf ogt, %div3A_151, %gt3A_153 : vector<512x512xf32>
      %and3A_155 = arith.andi %or3A, %gt3A_154 : vector<512x512xi1>
      %jit3A_156 = arith.constant 1.000000e+00 : f32
      %jit3A_157 = arith.constant 0.000000e+00 : f32
      %broadcast_in_dim3A_158 = vector.broadcast %jit3A_156 : f32 to vector<512x512xf32>
      %broadcast_in_dim3A_159 = vector.broadcast %jit3A_157 : f32 to vector<512x512xf32>
      %select_n3A_160 = arith.select %and3A_155, %broadcast_in_dim3A_158, %broadcast_in_dim3A_159 : vector<512x512xi1>, vector<512x512xf32>
      %swap3A = arith.constant 0 : index
      %swap3A_161 = arith.constant 0 : index
      %swap3A_162 = vector.load %arg23[%swap3A, %swap3A_161] : memref<512x512xf32, #tpu.memory_space<vmem>>, vector<512x512xf32>
      tpu.vector_store %arg23[%swap3A, %swap3A_161], %select_n3A_160 {strides = array<i32>} : memref<512x512xf32, #tpu.memory_space<vmem>>, vector<512x512xf32>,
      %jit3A_163 = arith.constant 1.000000e+00 : f32
      %jit3A_164 = arith.constant 0.000000e+00 : f32
      %broadcast_in_dim3A_165 = vector.broadcast %jit3A_163 : f32 to vector<512x512xf32>
      %broadcast_in_dim3A_166 = vector.broadcast %jit3A_164 : f32 to vector<512x512xf32>
      %select_n3A_167 = arith.select %or3A, %broadcast_in_dim3A_165, %broadcast_in_dim3A_166 : vector<512x512xi1>, vector<512x512xf32>
      %swap3A_168 = arith.constant 0 : index
      %swap3A_169 = arith.constant 0 : index
      %swap3A_170 = vector.load %arg24[%swap3A_168, %swap3A_169] : memref<512x512xf32, #tpu.memory_space<vmem>>, vector<512x512xf32>
      tpu.vector_store %arg24[%swap3A_168, %swap3A_169], %select_n3A_167 {strides = array<i32>} : memref<512x512xf32, #tpu.memory_space<vmem>>, vector<512x512xf32>,
      %while3A = arith.constant true
      %while3A_171:2 = scf.while (%while3A_359 = %reshape3A_113, %while3A_360 = %while3A) : (vector<1x512xf32>, i1) -> (vector<1x512xf32>, i1) {
        scf.condition(%while3A_360) %while3A_359, %while3A_360 : vector<1x512xf32>, i1
      } do {
      ^bb0(%while3A_359: vector<1x512xf32>, %while3A_360: i1):
        %get3A_361 = arith.constant 0 : index
        %get3A_362 = arith.constant 0 : index
        %get3A_363 = vector.load %arg23[%get3A_361, %get3A_362] : memref<512x512xf32, #tpu.memory_space<vmem>>, vector<512x512xf32>
        %dot_general3A_364 = arith.constant dense<0.000000e+00> : vector<1x512xf32>
        %dot_general3A_365 = tpu.matmul %while3A_359, %get3A_363, %dot_general3A_364 {dimension_numbers = #tpu.dot_dimension_numbers<[1], [0], [0], [1], [0, 0, 1, 1], [], []>, transpose_lhs_hint = false} : vector<1x512xf32>, vector<512x512xf32>, vector<1x512xf32> -> vector<1x512xf32>
        %eq3A_366 = arith.constant 0.000000e+00 : f32
        %eq3A_367 = vector.broadcast %eq3A_366 : f32 to vector<1x512xf32>
        %eq3A_368 = arith.cmpf oeq, %dot_general3A_365, %eq3A_367 : vector<1x512xf32>
        %jit3A_369 = arith.constant 1.000000e+00 : f32
        %jit3A_370 = arith.constant 0.000000e+00 : f32
        %broadcast_in_dim3A_371 = vector.broadcast %jit3A_369 : f32 to vector<1x512xf32>
        %broadcast_in_dim3A_372 = vector.broadcast %jit3A_370 : f32 to vector<1x512xf32>
        %select_n3A_373 = arith.select %eq3A_368, %broadcast_in_dim3A_371, %broadcast_in_dim3A_372 : vector<1x512xi1>, vector<1x512xf32>
        %mul3A_374 = arith.mulf %reshape3A_113, %select_n3A_373 : vector<1x512xf32>
        %ne3A_375 = arith.cmpf one, %mul3A_374, %while3A_359 : vector<1x512xf32>
        %reduce_or3A = arith.constant 1.000000e+00 : f32
        %reduce_or3A_376 = arith.constant 0.000000e+00 : f32
        %reduce_or3A_377 = vector.broadcast %reduce_or3A : f32 to vector<1x512xf32>
        %reduce_or3A_378 = vector.broadcast %reduce_or3A_376 : f32 to vector<1x512xf32>
        %reduce_or3A_379 = arith.select %ne3A_375, %reduce_or3A_377, %reduce_or3A_378 : vector<1x512xi1>, vector<1x512xf32>
        %reduce_or3A_380 = vector.shape_cast %reduce_or3A_379 : vector<1x512xf32> to vector<1x1x512xf32>
        %reduce_or3A_381 = arith.constant dense<0xFF800000> : vector<1xf32>
        %reduce_or3A_382 = vector.multi_reduction <maximumf>, %reduce_or3A_380, %reduce_or3A_381 [1, 2] : vector<1x1x512xf32> to vector<1xf32>
        %reduce_or3A_383 = vector.shape_cast %reduce_or3A_382 : vector<1xf32> to vector<1x1x1xf32>
        %reduce_or3A_384 = vector.extract %reduce_or3A_383[0, 0, 0] : f32 from vector<1x1x1xf32>
        %reduce_or3A_385 = arith.constant 0.000000e+00 : f32
        %reduce_or3A_386 = arith.cmpf ogt, %reduce_or3A_384, %reduce_or3A_385 : f32
        scf.yield %mul3A_374, %reduce_or3A_386 : vector<1x512xf32>, i1
      }
      %get3A_172 = arith.constant 0 : index
      %get3A_173 = arith.constant 0 : index
      %get3A_174 = vector.load %arg24[%get3A_172, %get3A_173] : memref<512x512xf32, #tpu.memory_space<vmem>>, vector<512x512xf32>
      %dot_general3A = arith.constant dense<0.000000e+00> : vector<1x512xf32>
      %dot_general3A_175 = tpu.matmul %while3A_171#0, %get3A_174, %dot_general3A {dimension_numbers = #tpu.dot_dimension_numbers<[1], [0], [0], [1], [0, 0, 1, 1], [], []>, transpose_lhs_hint = false} : vector<1x512xf32>, vector<512x512xf32>, vector<1x512xf32> -> vector<1x512xf32>
      %get3A_176 = arith.constant 0 : index
      %get3A_177 = arith.index_cast %scan3A_5 : i32 to index
      %get3A_178 = arith.constant 0 : index
      %get3A_179 = vector.load %arg14[%get3A_176, %get3A_177, %get3A_178] : memref<1x20x1xi32, #tpu.memory_space<vmem>>, vector<1x1x1xi32>
      %get3A_180 = vector.shape_cast %get3A_179 : vector<1x1x1xi32> to vector<1x1xi32>
      %convert_element_type3A_181 = arith.sitofp %get3A_180 : vector<1x1xi32> to vector<1x1xf32>
      %add3A_182 = vector.broadcast %convert_element_type3A_181 : vector<1x1xf32> to vector<1x512xf32>
      %add3A_183 = arith.addf %dot_general3A_175, %add3A_182 : vector<1x512xf32>
      %lt3A_184 = arith.constant 3.000000e+02 : f32
      %lt3A_185 = vector.broadcast %lt3A_184 : f32 to vector<1x512xf32>
      %lt3A_186 = arith.cmpf olt, %add3A_183, %lt3A_185 : vector<1x512xf32>
      %jit3A_187 = arith.constant 1.000000e+00 : f32
      %jit3A_188 = arith.constant 0.000000e+00 : f32
      %broadcast_in_dim3A_189 = vector.broadcast %jit3A_187 : f32 to vector<1x512xf32>
      %broadcast_in_dim3A_190 = vector.broadcast %jit3A_188 : f32 to vector<1x512xf32>
      %select_n3A_191 = arith.select %lt3A_186, %broadcast_in_dim3A_189, %broadcast_in_dim3A_190 : vector<1x512xi1>, vector<1x512xf32>
      %mul3A_192 = arith.mulf %while3A_171#0, %select_n3A_191 : vector<1x512xf32>
      %reduce_sum3A_193 = vector.shape_cast %mul3A_192 : vector<1x512xf32> to vector<1x1x512xf32>
      %reduce_sum3A_194 = arith.constant dense<0.000000e+00> : vector<1xf32>
      %reduce_sum3A_195 = vector.multi_reduction <add>, %reduce_sum3A_193, %reduce_sum3A_194 [1, 2] : vector<1x1x512xf32> to vector<1xf32>
      %reduce_sum3A_196 = vector.shape_cast %reduce_sum3A_195 : vector<1xf32> to vector<1x1x1xf32>
      %reduce_sum3A_197 = vector.extract %reduce_sum3A_196[0, 0, 0] : f32 from vector<1x1x1xf32>
      %add3A_198 = vector.broadcast %convert_element_type3A_181 : vector<1x1xf32> to vector<1x512xf32>
      %add3A_199 = arith.addf %dot_general3A_175, %add3A_198 : vector<1x512xf32>
      %eq3A_200 = vector.broadcast %add3A_199 : vector<1x512xf32> to vector<300x512xf32>
      %eq3A_201 = vector.broadcast %convert_element_type3A : vector<300x1xf32> to vector<300x512xf32>
      %eq3A_202 = arith.cmpf oeq, %eq3A_200, %eq3A_201 : vector<300x512xf32>
      %ne3A_203 = arith.constant 0.000000e+00 : f32
      %ne3A_204 = vector.broadcast %ne3A_203 : f32 to vector<1x512xf32>
      %ne3A_205 = arith.cmpf one, %mul3A_192, %ne3A_204 : vector<1x512xf32>
      %and3A_206 = vector.broadcast %ne3A_205 : vector<1x512xi1> to vector<300x512xi1>
      %and3A_207 = arith.andi %eq3A_202, %and3A_206 : vector<300x512xi1>
      %jit3A_208 = arith.constant 1.000000e+00 : f32
      %jit3A_209 = arith.constant 0.000000e+00 : f32
      %broadcast_in_dim3A_210 = vector.broadcast %jit3A_208 : f32 to vector<300x512xf32>
      %broadcast_in_dim3A_211 = vector.broadcast %jit3A_209 : f32 to vector<300x512xf32>
      %select_n3A_212 = arith.select %and3A_207, %broadcast_in_dim3A_210, %broadcast_in_dim3A_211 : vector<300x512xi1>, vector<300x512xf32>
      %eq3A_213 = vector.broadcast %scan3A : f32 to vector<512x1xf32>
      %eq3A_214 = arith.cmpf oeq, %reshape3A, %eq3A_213 : vector<512x1xf32>
      %jit3A_215 = arith.constant 0.000000e+00 : f32
      %broadcast_in_dim3A_216 = vector.broadcast %jit3A_215 : f32 to vector<512x1xf32>
      %select_n3A_217 = arith.select %eq3A_214, %broadcast_in_dim3A_216, %reshape3A : vector<512x1xi1>, vector<512x1xf32>
      %concatenate3A = tpu.concatenate %reshape3A_41, %select_n3A_217, %reshape3A_42, %reshape3A_43, %reshape3A_44, %reshape3A_45 in 1 : vector<512x1xf32>, vector<512x1xf32>, vector<512x1xf32>, vector<512x1xf32>, vector<512x1xf32>, vector<512x1xf32> -> vector<512x6xf32>
      %convert_element_type3A_218 = arith.truncf %concatenate3A : vector<512x6xf32> to vector<512x6xbf16>
      %convert_element_type3A_219 = arith.extf %convert_element_type3A_218 : vector<512x6xbf16> to vector<512x6xf32>
      %sub3A_220 = arith.subf %concatenate3A, %convert_element_type3A_219 : vector<512x6xf32>
      %convert_element_type3A_221 = arith.truncf %sub3A_220 : vector<512x6xf32> to vector<512x6xbf16>
      %convert_element_type3A_222 = arith.extf %convert_element_type3A_221 : vector<512x6xbf16> to vector<512x6xf32>
      %sub3A_223 = arith.subf %sub3A_220, %convert_element_type3A_222 : vector<512x6xf32>
      %concatenate3A_224 = tpu.concatenate %convert_element_type3A_219, %convert_element_type3A_222, %sub3A_223 in 1 : vector<512x6xf32>, vector<512x6xf32>, vector<512x6xf32> -> vector<512x18xf32>
      %dot_general3A_225 = arith.constant dense<0.000000e+00> : vector<300x18xf32>
      %dot_general3A_226 = tpu.matmul %select_n3A_212, %concatenate3A_224, %dot_general3A_225 {dimension_numbers = #tpu.dot_dimension_numbers<[1], [0], [0], [1], [0, 0, 1, 1], [], []>, transpose_lhs_hint = false} : vector<300x512xf32>, vector<512x18xf32>, vector<300x18xf32> -> vector<300x18xf32>
      %slice3A = vector.extract_strided_slice %dot_general3A_226 {offsets = [0, 0], sizes = [300, 6], strides = [1, 1]} : vector<300x18xf32> to vector<300x6xf32>
      %slice3A_227 = vector.extract_strided_slice %dot_general3A_226 {offsets = [0, 6], sizes = [300, 6], strides = [1, 1]} : vector<300x18xf32> to vector<300x6xf32>
      %add3A_228 = arith.addf %slice3A, %slice3A_227 : vector<300x6xf32>
      %slice3A_229 = vector.extract_strided_slice %dot_general3A_226 {offsets = [0, 12], sizes = [300, 6], strides = [1, 1]} : vector<300x18xf32> to vector<300x6xf32>
      %add3A_230 = arith.addf %add3A_228, %slice3A_229 : vector<300x6xf32>
      %reduce_sum3A_231 = arith.constant dense<0.000000e+00> : vector<300xf32>
      %reduce_sum3A_232 = vector.multi_reduction <add>, %select_n3A_212, %reduce_sum3A_231 [1] : vector<300x512xf32> to vector<300xf32>
      %broadcast_in_dim3A_233 = vector.shape_cast %reduce_sum3A_232 : vector<300xf32> to vector<300x1xf32>
      %gt3A_234 = arith.constant 0.000000e+00 : f32
      %gt3A_235 = vector.broadcast %gt3A_234 : f32 to vector<300x1xf32>
      %gt3A_236 = arith.cmpf ogt, %broadcast_in_dim3A_233, %gt3A_235 : vector<300x1xf32>
      %get3A_237 = arith.constant 0 : index
      %get3A_238 = arith.index_cast %scan3A_5 : i32 to index
      %get3A_239 = arith.constant 0 : index
      %get3A_240 = vector.load %arg8[%get3A_237, %get3A_238, %get3A_239] : memref<1x20x300xf32, #tpu.memory_space<vmem>>, vector<1x1x300xf32>
      %get3A_241 = vector.shape_cast %get3A_240 : vector<1x1x300xf32> to vector<1x300xf32>
      %slice3A_242 = vector.extract_strided_slice %add3A_230 {offsets = [0, 0], sizes = [300, 1], strides = [1, 1]} : vector<300x6xf32> to vector<300x1xf32>
      %reshape3A_243 = vector.shape_cast %slice3A_242 : vector<300x1xf32> to vector<1x300xf32>
      %reshape3A_244 = vector.shape_cast %gt3A_236 : vector<300x1xi1> to vector<1x300xi1>
      %select_n3A_245 = arith.select %reshape3A_244, %reshape3A_243, %get3A_241 : vector<1x300xi1>, vector<1x300xf32>
      %swap3A_246 = arith.constant 0 : index
      %swap3A_247 = arith.index_cast %scan3A_5 : i32 to index
      %swap3A_248 = arith.constant 0 : index
      %swap3A_249 = vector.load %arg15[%swap3A_246, %swap3A_247, %swap3A_248] : memref<1x20x300xf32, #tpu.memory_space<vmem>>, vector<1x1x300xf32>
      %swap3A_250 = vector.shape_cast %swap3A_249 : vector<1x1x300xf32> to vector<1x300xf32>
      %swap3A_251 = vector.shape_cast %select_n3A_245 : vector<1x300xf32> to vector<1x1x300xf32>
      tpu.vector_store %arg15[%swap3A_246, %swap3A_247, %swap3A_248], %swap3A_251 {strides = array<i32>} : memref<1x20x300xf32, #tpu.memory_space<vmem>>, vector<1x1x300xf32>,
      %get3A_252 = arith.constant 0 : index
      %get3A_253 = arith.index_cast %scan3A_5 : i32 to index
      %get3A_254 = arith.constant 0 : index
      %get3A_255 = vector.load %arg9[%get3A_252, %get3A_253, %get3A_254] : memref<1x20x300xf32, #tpu.memory_space<vmem>>, vector<1x1x300xf32>
      %get3A_256 = vector.shape_cast %get3A_255 : vector<1x1x300xf32> to vector<1x300xf32>
      %slice3A_257 = vector.extract_strided_slice %add3A_230 {offsets = [0, 1], sizes = [300, 1], strides = [1, 1]} : vector<300x6xf32> to vector<300x1xf32>
      %reshape3A_258 = vector.shape_cast %slice3A_257 : vector<300x1xf32> to vector<1x300xf32>
      %reshape3A_259 = vector.shape_cast %gt3A_236 : vector<300x1xi1> to vector<1x300xi1>
      %select_n3A_260 = arith.select %reshape3A_259, %reshape3A_258, %get3A_256 : vector<1x300xi1>, vector<1x300xf32>
      %swap3A_261 = arith.constant 0 : index
      %swap3A_262 = arith.index_cast %scan3A_5 : i32 to index
      %swap3A_263 = arith.constant 0 : index
      %swap3A_264 = vector.load %arg16[%swap3A_261, %swap3A_262, %swap3A_263] : memref<1x20x300xf32, #tpu.memory_space<vmem>>, vector<1x1x300xf32>
      %swap3A_265 = vector.shape_cast %swap3A_264 : vector<1x1x300xf32> to vector<1x300xf32>
      %swap3A_266 = vector.shape_cast %select_n3A_260 : vector<1x300xf32> to vector<1x1x300xf32>
      tpu.vector_store %arg16[%swap3A_261, %swap3A_262, %swap3A_263], %swap3A_266 {strides = array<i32>} : memref<1x20x300xf32, #tpu.memory_space<vmem>>, vector<1x1x300xf32>,
      %get3A_267 = arith.constant 0 : index
      %get3A_268 = arith.index_cast %scan3A_5 : i32 to index
      %get3A_269 = arith.constant 0 : index
      %get3A_270 = vector.load %arg10[%get3A_267, %get3A_268, %get3A_269] : memref<1x20x300xf32, #tpu.memory_space<vmem>>, vector<1x1x300xf32>
      %get3A_271 = vector.shape_cast %get3A_270 : vector<1x1x300xf32> to vector<1x300xf32>
      %slice3A_272 = vector.extract_strided_slice %add3A_230 {offsets = [0, 2], sizes = [300, 1], strides = [1, 1]} : vector<300x6xf32> to vector<300x1xf32>
      %reshape3A_273 = vector.shape_cast %slice3A_272 : vector<300x1xf32> to vector<1x300xf32>
      %reshape3A_274 = vector.shape_cast %gt3A_236 : vector<300x1xi1> to vector<1x300xi1>
      %select_n3A_275 = arith.select %reshape3A_274, %reshape3A_273, %get3A_271 : vector<1x300xi1>, vector<1x300xf32>
      %swap3A_276 = arith.constant 0 : index
      %swap3A_277 = arith.index_cast %scan3A_5 : i32 to index
      %swap3A_278 = arith.constant 0 : index
      %swap3A_279 = vector.load %arg17[%swap3A_276, %swap3A_277, %swap3A_278] : memref<1x20x300xf32, #tpu.memory_space<vmem>>, vector<1x1x300xf32>
      %swap3A_280 = vector.shape_cast %swap3A_279 : vector<1x1x300xf32> to vector<1x300xf32>
      %swap3A_281 = vector.shape_cast %select_n3A_275 : vector<1x300xf32> to vector<1x1x300xf32>
      tpu.vector_store %arg17[%swap3A_276, %swap3A_277, %swap3A_278], %swap3A_281 {strides = array<i32>} : memref<1x20x300xf32, #tpu.memory_space<vmem>>, vector<1x1x300xf32>,
      %get3A_282 = arith.constant 0 : index
      %get3A_283 = arith.index_cast %scan3A_5 : i32 to index
      %get3A_284 = arith.constant 0 : index
      %get3A_285 = vector.load %arg11[%get3A_282, %get3A_283, %get3A_284] : memref<1x20x300xf32, #tpu.memory_space<vmem>>, vector<1x1x300xf32>
      %get3A_286 = vector.shape_cast %get3A_285 : vector<1x1x300xf32> to vector<1x300xf32>
      %slice3A_287 = vector.extract_strided_slice %add3A_230 {offsets = [0, 3], sizes = [300, 1], strides = [1, 1]} : vector<300x6xf32> to vector<300x1xf32>
      %reshape3A_288 = vector.shape_cast %slice3A_287 : vector<300x1xf32> to vector<1x300xf32>
      %reshape3A_289 = vector.shape_cast %gt3A_236 : vector<300x1xi1> to vector<1x300xi1>
      %select_n3A_290 = arith.select %reshape3A_289, %reshape3A_288, %get3A_286 : vector<1x300xi1>, vector<1x300xf32>
      %swap3A_291 = arith.constant 0 : index
      %swap3A_292 = arith.index_cast %scan3A_5 : i32 to index
      %swap3A_293 = arith.constant 0 : index
      %swap3A_294 = vector.load %arg18[%swap3A_291, %swap3A_292, %swap3A_293] : memref<1x20x300xf32, #tpu.memory_space<vmem>>, vector<1x1x300xf32>
      %swap3A_295 = vector.shape_cast %swap3A_294 : vector<1x1x300xf32> to vector<1x300xf32>
      %swap3A_296 = vector.shape_cast %select_n3A_290 : vector<1x300xf32> to vector<1x1x300xf32>
      tpu.vector_store %arg18[%swap3A_291, %swap3A_292, %swap3A_293], %swap3A_296 {strides = array<i32>} : memref<1x20x300xf32, #tpu.memory_space<vmem>>, vector<1x1x300xf32>,
      %get3A_297 = arith.constant 0 : index
      %get3A_298 = arith.index_cast %scan3A_5 : i32 to index
      %get3A_299 = arith.constant 0 : index
      %get3A_300 = vector.load %arg12[%get3A_297, %get3A_298, %get3A_299] : memref<1x20x300xf32, #tpu.memory_space<vmem>>, vector<1x1x300xf32>
      %get3A_301 = vector.shape_cast %get3A_300 : vector<1x1x300xf32> to vector<1x300xf32>
      %slice3A_302 = vector.extract_strided_slice %add3A_230 {offsets = [0, 4], sizes = [300, 1], strides = [1, 1]} : vector<300x6xf32> to vector<300x1xf32>
      %reshape3A_303 = vector.shape_cast %slice3A_302 : vector<300x1xf32> to vector<1x300xf32>
      %reshape3A_304 = vector.shape_cast %gt3A_236 : vector<300x1xi1> to vector<1x300xi1>
      %select_n3A_305 = arith.select %reshape3A_304, %reshape3A_303, %get3A_301 : vector<1x300xi1>, vector<1x300xf32>
      %swap3A_306 = arith.constant 0 : index
      %swap3A_307 = arith.index_cast %scan3A_5 : i32 to index
      %swap3A_308 = arith.constant 0 : index
      %swap3A_309 = vector.load %arg19[%swap3A_306, %swap3A_307, %swap3A_308] : memref<1x20x300xf32, #tpu.memory_space<vmem>>, vector<1x1x300xf32>
      %swap3A_310 = vector.shape_cast %swap3A_309 : vector<1x1x300xf32> to vector<1x300xf32>
      %swap3A_311 = vector.shape_cast %select_n3A_305 : vector<1x300xf32> to vector<1x1x300xf32>
      tpu.vector_store %arg19[%swap3A_306, %swap3A_307, %swap3A_308], %swap3A_311 {strides = array<i32>} : memref<1x20x300xf32, #tpu.memory_space<vmem>>, vector<1x1x300xf32>,
      %get3A_312 = arith.constant 0 : index
      %get3A_313 = arith.index_cast %scan3A_5 : i32 to index
      %get3A_314 = arith.constant 0 : index
      %get3A_315 = vector.load %arg13[%get3A_312, %get3A_313, %get3A_314] : memref<1x20x300xf32, #tpu.memory_space<vmem>>, vector<1x1x300xf32>
      %get3A_316 = vector.shape_cast %get3A_315 : vector<1x1x300xf32> to vector<1x300xf32>
      %slice3A_317 = vector.extract_strided_slice %add3A_230 {offsets = [0, 5], sizes = [300, 1], strides = [1, 1]} : vector<300x6xf32> to vector<300x1xf32>
      %reshape3A_318 = vector.shape_cast %slice3A_317 : vector<300x1xf32> to vector<1x300xf32>
      %reshape3A_319 = vector.shape_cast %gt3A_236 : vector<300x1xi1> to vector<1x300xi1>
      %select_n3A_320 = arith.select %reshape3A_319, %reshape3A_318, %get3A_316 : vector<1x300xi1>, vector<1x300xf32>
      %swap3A_321 = arith.constant 0 : index
      %swap3A_322 = arith.index_cast %scan3A_5 : i32 to index
      %swap3A_323 = arith.constant 0 : index
      %swap3A_324 = vector.load %arg20[%swap3A_321, %swap3A_322, %swap3A_323] : memref<1x20x300xf32, #tpu.memory_space<vmem>>, vector<1x1x300xf32>
      %swap3A_325 = vector.shape_cast %swap3A_324 : vector<1x1x300xf32> to vector<1x300xf32>
      %swap3A_326 = vector.shape_cast %select_n3A_320 : vector<1x300xf32> to vector<1x1x300xf32>
      tpu.vector_store %arg20[%swap3A_321, %swap3A_322, %swap3A_323], %swap3A_326 {strides = array<i32>} : memref<1x20x300xf32, #tpu.memory_space<vmem>>, vector<1x1x300xf32>,
      %get3A_327 = arith.constant 0 : index
      %get3A_328 = arith.index_cast %scan3A_5 : i32 to index
      %get3A_329 = arith.constant 0 : index
      %get3A_330 = vector.load %arg14[%get3A_327, %get3A_328, %get3A_329] : memref<1x20x1xi32, #tpu.memory_space<vmem>>, vector<1x1x1xi32>
      %get3A_331 = vector.shape_cast %get3A_330 : vector<1x1x1xi32> to vector<1x1xi32>
      %convert_element_type3A_332 = arith.fptosi %reduce_sum3A_197 : f32 to i32
      %add3A_333 = vector.broadcast %convert_element_type3A_332 : i32 to vector<1x1xi32>
      %add3A_334 = arith.addi %get3A_331, %add3A_333 : vector<1x1xi32>
      %swap3A_335 = arith.constant 0 : index
      %swap3A_336 = arith.index_cast %scan3A_5 : i32 to index
      %swap3A_337 = arith.constant 0 : index
      %swap3A_338 = vector.load %arg21[%swap3A_335, %swap3A_336, %swap3A_337] : memref<1x20x1xi32, #tpu.memory_space<vmem>>, vector<1x1x1xi32>
      %swap3A_339 = vector.shape_cast %swap3A_338 : vector<1x1x1xi32> to vector<1x1xi32>
      %swap3A_340 = vector.shape_cast %add3A_334 : vector<1x1xi32> to vector<1x1x1xi32>
      tpu.vector_store %arg21[%swap3A_335, %swap3A_336, %swap3A_337], %swap3A_340 {strides = array<i32>} : memref<1x20x1xi32, #tpu.memory_space<vmem>>, vector<1x1x1xi32>,
      %get3A_341 = arith.constant 0 : index
      %get3A_342 = arith.index_cast %scan3A_5 : i32 to index
      %get3A_343 = arith.constant 0 : index
      %get3A_344 = vector.load %arg7[%get3A_341, %get3A_342, %get3A_343] : memref<1x20x1xi32, #tpu.memory_space<vmem>>, vector<1x1x1xi32>
      %get3A_345 = vector.shape_cast %get3A_344 : vector<1x1x1xi32> to vector<1x1xi32>
      %ge3A = arith.constant 300 : i32
      %ge3A_346 = vector.broadcast %ge3A : i32 to vector<1x1xi32>
      %ge3A_347 = arith.cmpi sge, %add3A_334, %ge3A_346 : vector<1x1xi32>
      %eq3A_348 = arith.constant 0 : i32
      %eq3A_349 = vector.broadcast %eq3A_348 : i32 to vector<1x1xi32>
      %eq3A_350 = arith.cmpi eq, %get3A_345, %eq3A_349 : vector<1x1xi32>
      %or3A_351 = arith.ori %ge3A_347, %eq3A_350 : vector<1x1xi1>
      %convert_element_type3A_352 = arith.extui %or3A_351 : vector<1x1xi1> to vector<1x1xi32>
      %swap3A_353 = arith.constant 0 : index
      %swap3A_354 = arith.index_cast %scan3A_5 : i32 to index
      %swap3A_355 = arith.constant 0 : index
      %swap3A_356 = vector.load %arg22[%swap3A_353, %swap3A_354, %swap3A_355] : memref<1x20x1xi32, #tpu.memory_space<vmem>>, vector<1x1x1xi32>
      %swap3A_357 = vector.shape_cast %swap3A_356 : vector<1x1x1xi32> to vector<1x1xi32>
      %swap3A_358 = vector.shape_cast %convert_element_type3A_352 : vector<1x1xi32> to vector<1x1x1xi32>
      tpu.vector_store %arg22[%swap3A_353, %swap3A_354, %swap3A_355], %swap3A_358 {strides = array<i32>} : memref<1x20x1xi32, #tpu.memory_space<vmem>>, vector<1x1x1xi32>,
    }
    %scan3A_4 = arith.constant 20 : i32
    return
  }
  func.func @transform_0(%arg0: i32) -> (i32, i32, i32) {
    %c0_i32 = arith.constant 0 : i32
    %c0_i32_0 = arith.constant 0 : i32
    %c0_i32_1 = arith.constant 0 : i32
    return %arg0, %c0_i32, %c0_i32_0 : i32, i32, i32
  }
  func.func @transform_1(%arg0: i32) -> (i32, i32, i32) {
    %c0_i32 = arith.constant 0 : i32
    %c0_i32_0 = arith.constant 0 : i32
    %c0_i32_1 = arith.constant 0 : i32
    return %arg0, %c0_i32, %c0_i32_0 : i32, i32, i32
  }
  func.func @transform_2(%arg0: i32) -> (i32, i32, i32) {
    %c0_i32 = arith.constant 0 : i32
    %c0_i32_0 = arith.constant 0 : i32
    %c0_i32_1 = arith.constant 0 : i32
    return %arg0, %c0_i32, %c0_i32_0 : i32, i32, i32
  }
  func.func @transform_3(%arg0: i32) -> (i32, i32, i32) {
    %c0_i32 = arith.constant 0 : i32
    %c0_i32_0 = arith.constant 0 : i32
    %c0_i32_1 = arith.constant 0 : i32
    return %arg0, %c0_i32, %c0_i32_0 : i32, i32, i32
  }
  func.func @transform_4(%arg0: i32) -> (i32, i32, i32) {
    %c0_i32 = arith.constant 0 : i32
    %c0_i32_0 = arith.constant 0 : i32
    %c0_i32_1 = arith.constant 0 : i32
    return %arg0, %c0_i32, %c0_i32_0 : i32, i32, i32
  }
  func.func @transform_5(%arg0: i32) -> (i32, i32, i32) {
    %c0_i32 = arith.constant 0 : i32
    %c0_i32_0 = arith.constant 0 : i32
    %c0_i32_1 = arith.constant 0 : i32
    return %arg0, %c0_i32, %c0_i32_0 : i32, i32, i32
  }
  func.func @transform_6(%arg0: i32) -> (i32, i32, i32) {
    %c0_i32 = arith.constant 0 : i32
    %c0_i32_0 = arith.constant 0 : i32
    %c0_i32_1 = arith.constant 0 : i32
    return %arg0, %c0_i32, %c0_i32_0 : i32, i32, i32
  }
  func.func @transform_7(%arg0: i32) -> (i32, i32, i32) {
    %c0_i32 = arith.constant 0 : i32
    %c0_i32_0 = arith.constant 0 : i32
    %c0_i32_1 = arith.constant 0 : i32
    return %arg0, %c0_i32, %c0_i32_0 : i32, i32, i32
  }
  func.func @transform_8(%arg0: i32) -> (i32, i32, i32) {
    %c0_i32 = arith.constant 0 : i32
    %c0_i32_0 = arith.constant 0 : i32
    %c0_i32_1 = arith.constant 0 : i32
    return %arg0, %c0_i32, %c0_i32_0 : i32, i32, i32
  }
  func.func @transform_9(%arg0: i32) -> (i32, i32, i32) {
    %c0_i32 = arith.constant 0 : i32
    %c0_i32_0 = arith.constant 0 : i32
    %c0_i32_1 = arith.constant 0 : i32
    return %arg0, %c0_i32, %c0_i32_0 : i32, i32, i32
  }
  func.func @transform_10(%arg0: i32) -> (i32, i32, i32) {
    %c0_i32 = arith.constant 0 : i32
    %c0_i32_0 = arith.constant 0 : i32
    %c0_i32_1 = arith.constant 0 : i32
    return %arg0, %c0_i32, %c0_i32_0 : i32, i32, i32
  }
  func.func @transform_11(%arg0: i32) -> (i32, i32, i32) {
    %c0_i32 = arith.constant 0 : i32
    %c0_i32_0 = arith.constant 0 : i32
    %c0_i32_1 = arith.constant 0 : i32
    return %arg0, %c0_i32, %c0_i32_0 : i32, i32, i32
  }
  func.func @transform_12(%arg0: i32) -> (i32, i32, i32) {
    %c0_i32 = arith.constant 0 : i32
    %c0_i32_0 = arith.constant 0 : i32
    %c0_i32_1 = arith.constant 0 : i32
    return %arg0, %c0_i32, %c0_i32_0 : i32, i32, i32
  }
  func.func @transform_13(%arg0: i32) -> (i32, i32, i32) {
    %c0_i32 = arith.constant 0 : i32
    %c0_i32_0 = arith.constant 0 : i32
    %c0_i32_1 = arith.constant 0 : i32
    return %arg0, %c0_i32, %c0_i32_0 : i32, i32, i32
  }
  func.func @transform_14(%arg0: i32) -> (i32, i32, i32) {
    %c0_i32 = arith.constant 0 : i32
    %c0_i32_0 = arith.constant 0 : i32
    %c0_i32_1 = arith.constant 0 : i32
    return %arg0, %c0_i32, %c0_i32_0 : i32, i32, i32
  }
  func.func @transform_15(%arg0: i32) -> (i32, i32, i32) {
    %c0_i32 = arith.constant 0 : i32
    %c0_i32_0 = arith.constant 0 : i32
    %c0_i32_1 = arith.constant 0 : i32
    return %arg0, %c0_i32, %c0_i32_0 : i32, i32, i32
  }
  func.func @transform_16(%arg0: i32) -> (i32, i32, i32) {
    %c0_i32 = arith.constant 0 : i32
    %c0_i32_0 = arith.constant 0 : i32
    %c0_i32_1 = arith.constant 0 : i32
    return %arg0, %c0_i32, %c0_i32_0 : i32, i32, i32
  }
  func.func @transform_17(%arg0: i32) -> (i32, i32, i32) {
    %c0_i32 = arith.constant 0 : i32
    %c0_i32_0 = arith.constant 0 : i32
    %c0_i32_1 = arith.constant 0 : i32
    return %arg0, %c0_i32, %c0_i32_0 : i32, i32, i32
  }
  func.func @transform_18(%arg0: i32) -> (i32, i32, i32) {
    %c0_i32 = arith.constant 0 : i32
    %c0_i32_0 = arith.constant 0 : i32
    %c0_i32_1 = arith.constant 0 : i32
    return %arg0, %c0_i32, %c0_i32_0 : i32, i32, i32
  }
  func.func @transform_19(%arg0: i32) -> (i32, i32, i32) {
    %c0_i32 = arith.constant 0 : i32
    %c0_i32_0 = arith.constant 0 : i32
    %c0_i32_1 = arith.constant 0 : i32
    return %arg0, %c0_i32, %c0_i32_0 : i32, i32, i32
  }
  func.func @transform_20(%arg0: i32) -> (i32, i32, i32) {
    %c0_i32 = arith.constant 0 : i32
    %c0_i32_0 = arith.constant 0 : i32
    %c0_i32_1 = arith.constant 0 : i32
    return %arg0, %c0_i32, %c0_i32_0 : i32, i32, i32
  }
  func.func @transform_21(%arg0: i32) -> (i32, i32, i32) {
    %c0_i32 = arith.constant 0 : i32
    %c0_i32_0 = arith.constant 0 : i32
    %c0_i32_1 = arith.constant 0 : i32
    return %arg0, %c0_i32, %c0_i32_0 : i32, i32, i32
  }
}

module attributes {stable_mosaic.version = 14 : i64} {
  func.func @_m_body(%arg0: i32, %arg1: memref<1x20x300xf32, #tpu.memory_space<vmem>>, %arg2: memref<1x20x300xf32, #tpu.memory_space<vmem>>, %arg3: memref<1x20x300xi32, #tpu.memory_space<vmem>>, %arg4: memref<1x20x300xf32, #tpu.memory_space<vmem>>, %arg5: memref<1x20x300xf32, #tpu.memory_space<vmem>>, %arg6: memref<1x20x300xf32, #tpu.memory_space<vmem>>, %arg7: memref<1x20x300xf32, #tpu.memory_space<vmem>>, %arg8: memref<1x300x4xf32, #tpu.memory_space<vmem>>, %arg9: memref<1x1x300xf32, #tpu.memory_space<vmem>>, %arg10: memref<1x1x300xi32, #tpu.memory_space<vmem>>, %arg11: memref<20x300xi32, #tpu.memory_space<vmem>>, %arg12: memref<20x300xi32, #tpu.memory_space<vmem>>, %arg13: memref<20x300xf32, #tpu.memory_space<vmem>>, %arg14: memref<384x21xf32, #tpu.memory_space<vmem>>) attributes {dimension_semantics = [#tpu.dimension_semantics<arbitrary>], iteration_bounds = array<i64: 2>, scalar_prefetch = 0 : i64, scratch_operands = 4 : i64, tpu.core_type = #tpu.core_type<tc>, window_params = [{transform_indices = @transform_0, window_bounds = array<i64: 1, 20, 300>}, {transform_indices = @transform_1, window_bounds = array<i64: 1, 20, 300>}, {transform_indices = @transform_2, window_bounds = array<i64: 1, 20, 300>}, {transform_indices = @transform_3, window_bounds = array<i64: 1, 20, 300>}, {transform_indices = @transform_4, window_bounds = array<i64: 1, 20, 300>}, {transform_indices = @transform_5, window_bounds = array<i64: 1, 20, 300>}, {transform_indices = @transform_6, window_bounds = array<i64: 1, 20, 300>}, {transform_indices = @transform_7, window_bounds = array<i64: 1, 300, 4>}, {transform_indices = @transform_8, window_bounds = array<i64: 1, 1, 300>}, {transform_indices = @transform_9, window_bounds = array<i64: 1, 1, 300>}]} {
    %get3A = arith.constant 0 : index
    %get3A_0 = arith.constant 0 : index
    %get3A_1 = arith.constant 0 : index
    %get3A_2 = vector.load %arg3[%get3A, %get3A_0, %get3A_1] : memref<1x20x300xi32, #tpu.memory_space<vmem>>, vector<1x20x300xi32>
    %get3A_3 = vector.shape_cast %get3A_2 : vector<1x20x300xi32> to vector<20x300xi32>
    %get3A_4 = arith.constant 0 : index
    %get3A_5 = arith.constant 0 : index
    %get3A_6 = arith.constant 0 : index
    %get3A_7 = vector.load %arg1[%get3A_4, %get3A_5, %get3A_6] : memref<1x20x300xf32, #tpu.memory_space<vmem>>, vector<1x20x300xf32>
    %get3A_8 = vector.shape_cast %get3A_7 : vector<1x20x300xf32> to vector<20x300xf32>
    %iota3A = tpu.iota {dimensions = array<i32: 0>} : vector<20x300xi32>
    %convert_element_type3A = arith.sitofp %iota3A : vector<20x300xi32> to vector<20x300xf32>
    %mul3A = arith.constant 2.000000e+04 : f32
    %mul3A_9 = vector.broadcast %mul3A : f32 to vector<20x300xf32>
    %mul3A_10 = arith.mulf %convert_element_type3A, %mul3A_9 : vector<20x300xf32>
    %add3A = arith.addf %mul3A_10, %get3A_8 : vector<20x300xf32>
    %swap3A = arith.constant 0 : index
    %swap3A_11 = arith.constant 0 : index
    %swap3A_12 = vector.load %arg13[%swap3A, %swap3A_11] : memref<20x300xf32, #tpu.memory_space<vmem>>, vector<20x300xf32>
    tpu.vector_store %arg13[%swap3A, %swap3A_11], %add3A {strides = array<i32>} : memref<20x300xf32, #tpu.memory_space<vmem>>, vector<20x300xf32>,
    %gt3A = arith.constant 1028443341 : i32
    %gt3A_13 = vector.broadcast %gt3A : i32 to vector<20x300xi32>
    %gt3A_14 = arith.cmpi sgt, %get3A_3, %gt3A_13 : vector<20x300xi32>
    %convert_element_type3A_15 = arith.extui %gt3A_14 : vector<20x300xi1> to vector<20x300xi32>
    %reduce_sum3A = vector.shape_cast %convert_element_type3A_15 : vector<20x300xi32> to vector<1x20x300xi32>
    %reduce_sum3A_16 = arith.constant dense<0> : vector<1xi32>
    %reduce_sum3A_17 = vector.multi_reduction <add>, %reduce_sum3A, %reduce_sum3A_16 [1, 2] : vector<1x20x300xi32> to vector<1xi32>
    %reduce_sum3A_18 = vector.shape_cast %reduce_sum3A_17 : vector<1xi32> to vector<1x1x1xi32>
    %reduce_sum3A_19 = vector.extract %reduce_sum3A_18[0, 0, 0] : i32 from vector<1x1x1xi32>
    %reshape3A = vector.broadcast %reduce_sum3A_19 : i32 to vector<1x1xi32>
    %broadcast_in_dim3A = arith.constant 1028443341 : i32
    %broadcast_in_dim3A_20 = vector.broadcast %broadcast_in_dim3A : i32 to vector<1x1xi32>
    %broadcast_in_dim3A_21 = arith.constant 1065353216 : i32
    %broadcast_in_dim3A_22 = vector.broadcast %broadcast_in_dim3A_21 : i32 to vector<1x1xi32>
    %scan3A = arith.constant 0 : i32
    %scan3A_23 = arith.constant 30 : i32
    %scan3A_24 = arith.addi %scan3A, %scan3A_23 : i32
    %scan3A_25 = arith.constant 1 : i32
    %scan3A_26:2 = scf.for %scan3A_369 = %scan3A to %scan3A_24 step %scan3A_25 iter_args(%scan3A_370 = %broadcast_in_dim3A_20, %scan3A_371 = %broadcast_in_dim3A_22) -> (vector<1x1xi32>, vector<1x1xi32>)  : i32 {
      %add3A_372 = arith.addi %scan3A_370, %scan3A_371 : vector<1x1xi32>
      %jit3A_373 = arith.constant 2 : i32
      %div3A_374 = vector.broadcast %jit3A_373 : i32 to vector<1x1xi32>
      %div3A_375 = arith.divsi %add3A_372, %div3A_374 : vector<1x1xi32>
      %sign3A_376 = arith.constant 0 : i32
      %sign3A_377 = vector.broadcast %sign3A_376 : i32 to vector<1x1xi32>
      %sign3A_378 = arith.cmpi sgt, %add3A_372, %sign3A_377 : vector<1x1xi32>
      %sign3A_379 = arith.extui %sign3A_378 : vector<1x1xi1> to vector<1x1xi32>
      %sign3A_380 = arith.constant 0 : i32
      %sign3A_381 = vector.broadcast %sign3A_380 : i32 to vector<1x1xi32>
      %sign3A_382 = arith.cmpi slt, %add3A_372, %sign3A_381 : vector<1x1xi32>
      %sign3A_383 = arith.extui %sign3A_382 : vector<1x1xi1> to vector<1x1xi32>
      %sign3A_384 = arith.subi %sign3A_379, %sign3A_383 : vector<1x1xi32>
      %sign3A_385 = arith.constant 0 : i32
      %sign3A_386 = arith.cmpi sgt, %jit3A_373, %sign3A_385 : i32
      %sign3A_387 = arith.extui %sign3A_386 : i1 to i32
      %sign3A_388 = arith.constant 0 : i32
      %sign3A_389 = arith.cmpi slt, %jit3A_373, %sign3A_388 : i32
      %sign3A_390 = arith.extui %sign3A_389 : i1 to i32
      %sign3A_391 = arith.subi %sign3A_387, %sign3A_390 : i32
      %ne3A_392 = vector.broadcast %sign3A_391 : i32 to vector<1x1xi32>
      %ne3A_393 = arith.cmpi ne, %sign3A_384, %ne3A_392 : vector<1x1xi32>
      %rem3A_394 = vector.broadcast %jit3A_373 : i32 to vector<1x1xi32>
      %rem3A_395 = arith.remsi %add3A_372, %rem3A_394 : vector<1x1xi32>
      %ne3A_396 = arith.constant 0 : i32
      %ne3A_397 = vector.broadcast %ne3A_396 : i32 to vector<1x1xi32>
      %ne3A_398 = arith.cmpi ne, %rem3A_395, %ne3A_397 : vector<1x1xi32>
      %and3A_399 = arith.andi %ne3A_393, %ne3A_398 : vector<1x1xi1>
      %sub3A_400 = arith.constant 1 : i32
      %sub3A_401 = vector.broadcast %sub3A_400 : i32 to vector<1x1xi32>
      %sub3A_402 = arith.subi %div3A_375, %sub3A_401 : vector<1x1xi32>
      %select_n3A_403 = arith.select %and3A_399, %sub3A_402, %div3A_375 : vector<1x1xi1>, vector<1x1xi32>
      %gt3A_404 = vector.broadcast %select_n3A_403 : vector<1x1xi32> to vector<20x300xi32>
      %gt3A_405 = arith.cmpi sgt, %get3A_3, %gt3A_404 : vector<20x300xi32>
      %convert_element_type3A_406 = arith.extui %gt3A_405 : vector<20x300xi1> to vector<20x300xi32>
      %reduce_sum3A_407 = vector.shape_cast %convert_element_type3A_406 : vector<20x300xi32> to vector<1x20x300xi32>
      %reduce_sum3A_408 = arith.constant dense<0> : vector<1xi32>
      %reduce_sum3A_409 = vector.multi_reduction <add>, %reduce_sum3A_407, %reduce_sum3A_408 [1, 2] : vector<1x20x300xi32> to vector<1xi32>
      %reduce_sum3A_410 = vector.shape_cast %reduce_sum3A_409 : vector<1xi32> to vector<1x1x1xi32>
      %reduce_sum3A_411 = vector.extract %reduce_sum3A_410[0, 0, 0] : i32 from vector<1x1x1xi32>
      %reshape3A_412 = vector.broadcast %reduce_sum3A_411 : i32 to vector<1x1xi32>
      %lt3A_413 = arith.constant 300 : i32
      %lt3A_414 = vector.broadcast %lt3A_413 : i32 to vector<1x1xi32>
      %lt3A_415 = arith.cmpi slt, %reshape3A_412, %lt3A_414 : vector<1x1xi32>
      %add3A_416 = arith.constant 1 : i32
      %add3A_417 = vector.broadcast %add3A_416 : i32 to vector<1x1xi32>
      %add3A_418 = arith.addi %select_n3A_403, %add3A_417 : vector<1x1xi32>
      %select_n3A_419 = arith.select %lt3A_415, %scan3A_370, %add3A_418 : vector<1x1xi1>, vector<1x1xi32>
      %select_n3A_420 = arith.select %lt3A_415, %select_n3A_403, %scan3A_371 : vector<1x1xi1>, vector<1x1xi32>
      scf.yield %select_n3A_419, %select_n3A_420 : vector<1x1xi32>, vector<1x1xi32>
    }
    %le3A = arith.constant 300 : i32
    %le3A_27 = vector.broadcast %le3A : i32 to vector<1x1xi32>
    %le3A_28 = arith.cmpi sle, %reshape3A, %le3A_27 : vector<1x1xi32>
    %jit3A = arith.constant 1028443341 : i32
    %broadcast_in_dim3A_29 = vector.broadcast %jit3A : i32 to vector<1x1xi32>
    %select_n3A = arith.select %le3A_28, %broadcast_in_dim3A_29, %scan3A_26#1 : vector<1x1xi1>, vector<1x1xi32>
    %gt3A_30 = vector.broadcast %select_n3A : vector<1x1xi32> to vector<20x300xi32>
    %gt3A_31 = arith.cmpi sgt, %get3A_3, %gt3A_30 : vector<20x300xi32>
    %convert_element_type3A_32 = arith.extui %gt3A_31 : vector<20x300xi1> to vector<20x300xi32>
    %reduce_sum3A_33 = vector.shape_cast %convert_element_type3A_32 : vector<20x300xi32> to vector<1x20x300xi32>
    %reduce_sum3A_34 = arith.constant dense<0> : vector<1xi32>
    %reduce_sum3A_35 = vector.multi_reduction <add>, %reduce_sum3A_33, %reduce_sum3A_34 [1, 2] : vector<1x20x300xi32> to vector<1xi32>
    %reduce_sum3A_36 = vector.shape_cast %reduce_sum3A_35 : vector<1xi32> to vector<1x1x1xi32>
    %reduce_sum3A_37 = vector.extract %reduce_sum3A_36[0, 0, 0] : i32 from vector<1x1x1xi32>
    %reshape3A_38 = vector.broadcast %reduce_sum3A_37 : i32 to vector<1x1xi32>
    %select_n3A_39 = arith.select %le3A_28, %reshape3A, %reshape3A_38 : vector<1x1xi1>, vector<1x1xi32>
    %sub3A = arith.constant 300 : i32
    %sub3A_40 = vector.broadcast %sub3A : i32 to vector<1x1xi32>
    %sub3A_41 = arith.subi %sub3A_40, %select_n3A_39 : vector<1x1xi32>
    %jit3A_42 = arith.constant 0 : i32
    %broadcast_in_dim3A_43 = vector.broadcast %jit3A_42 : i32 to vector<1x1xi32>
    %select_n3A_44 = arith.select %le3A_28, %broadcast_in_dim3A_43, %sub3A_41 : vector<1x1xi1>, vector<1x1xi32>
    %eq3A = vector.broadcast %select_n3A : vector<1x1xi32> to vector<20x300xi32>
    %eq3A_45 = arith.cmpi eq, %get3A_3, %eq3A : vector<20x300xi32>
    %and3A = arith.andi %gt3A_14, %eq3A_45 : vector<20x300xi1>
    %convert_element_type3A_46 = arith.extui %and3A : vector<20x300xi1> to vector<20x300xi32>
    %broadcast_in_dim3A_47 = arith.constant 0 : i32
    %broadcast_in_dim3A_48 = vector.broadcast %broadcast_in_dim3A_47 : i32 to vector<20x1xi32>
    %slice3A = vector.extract_strided_slice %convert_element_type3A_46 {offsets = [0, 0], sizes = [20, 299], strides = [1, 1]} : vector<20x300xi32> to vector<20x299xi32>
    %concatenate3A = tpu.concatenate %broadcast_in_dim3A_48, %slice3A in 1 : vector<20x1xi32>, vector<20x299xi32> -> vector<20x300xi32>
    %add3A_49 = arith.addi %convert_element_type3A_46, %concatenate3A : vector<20x300xi32>
    %broadcast_in_dim3A_50 = arith.constant 0 : i32
    %broadcast_in_dim3A_51 = vector.broadcast %broadcast_in_dim3A_50 : i32 to vector<20x2xi32>
    %slice3A_52 = vector.extract_strided_slice %add3A_49 {offsets = [0, 0], sizes = [20, 298], strides = [1, 1]} : vector<20x300xi32> to vector<20x298xi32>
    %concatenate3A_53 = tpu.concatenate %broadcast_in_dim3A_51, %slice3A_52 in 1 : vector<20x2xi32>, vector<20x298xi32> -> vector<20x300xi32>
    %add3A_54 = arith.addi %add3A_49, %concatenate3A_53 : vector<20x300xi32>
    %broadcast_in_dim3A_55 = arith.constant 0 : i32
    %broadcast_in_dim3A_56 = vector.broadcast %broadcast_in_dim3A_55 : i32 to vector<20x4xi32>
    %slice3A_57 = vector.extract_strided_slice %add3A_54 {offsets = [0, 0], sizes = [20, 296], strides = [1, 1]} : vector<20x300xi32> to vector<20x296xi32>
    %concatenate3A_58 = tpu.concatenate %broadcast_in_dim3A_56, %slice3A_57 in 1 : vector<20x4xi32>, vector<20x296xi32> -> vector<20x300xi32>
    %add3A_59 = arith.addi %add3A_54, %concatenate3A_58 : vector<20x300xi32>
    %broadcast_in_dim3A_60 = arith.constant 0 : i32
    %broadcast_in_dim3A_61 = vector.broadcast %broadcast_in_dim3A_60 : i32 to vector<20x8xi32>
    %slice3A_62 = vector.extract_strided_slice %add3A_59 {offsets = [0, 0], sizes = [20, 292], strides = [1, 1]} : vector<20x300xi32> to vector<20x292xi32>
    %concatenate3A_63 = tpu.concatenate %broadcast_in_dim3A_61, %slice3A_62 in 1 : vector<20x8xi32>, vector<20x292xi32> -> vector<20x300xi32>
    %add3A_64 = arith.addi %add3A_59, %concatenate3A_63 : vector<20x300xi32>
    %broadcast_in_dim3A_65 = arith.constant 0 : i32
    %broadcast_in_dim3A_66 = vector.broadcast %broadcast_in_dim3A_65 : i32 to vector<20x16xi32>
    %slice3A_67 = vector.extract_strided_slice %add3A_64 {offsets = [0, 0], sizes = [20, 284], strides = [1, 1]} : vector<20x300xi32> to vector<20x284xi32>
    %concatenate3A_68 = tpu.concatenate %broadcast_in_dim3A_66, %slice3A_67 in 1 : vector<20x16xi32>, vector<20x284xi32> -> vector<20x300xi32>
    %add3A_69 = arith.addi %add3A_64, %concatenate3A_68 : vector<20x300xi32>
    %broadcast_in_dim3A_70 = arith.constant 0 : i32
    %broadcast_in_dim3A_71 = vector.broadcast %broadcast_in_dim3A_70 : i32 to vector<20x32xi32>
    %slice3A_72 = vector.extract_strided_slice %add3A_69 {offsets = [0, 0], sizes = [20, 268], strides = [1, 1]} : vector<20x300xi32> to vector<20x268xi32>
    %concatenate3A_73 = tpu.concatenate %broadcast_in_dim3A_71, %slice3A_72 in 1 : vector<20x32xi32>, vector<20x268xi32> -> vector<20x300xi32>
    %add3A_74 = arith.addi %add3A_69, %concatenate3A_73 : vector<20x300xi32>
    %broadcast_in_dim3A_75 = arith.constant 0 : i32
    %broadcast_in_dim3A_76 = vector.broadcast %broadcast_in_dim3A_75 : i32 to vector<20x64xi32>
    %slice3A_77 = vector.extract_strided_slice %add3A_74 {offsets = [0, 0], sizes = [20, 236], strides = [1, 1]} : vector<20x300xi32> to vector<20x236xi32>
    %concatenate3A_78 = tpu.concatenate %broadcast_in_dim3A_76, %slice3A_77 in 1 : vector<20x64xi32>, vector<20x236xi32> -> vector<20x300xi32>
    %add3A_79 = arith.addi %add3A_74, %concatenate3A_78 : vector<20x300xi32>
    %broadcast_in_dim3A_80 = arith.constant 0 : i32
    %broadcast_in_dim3A_81 = vector.broadcast %broadcast_in_dim3A_80 : i32 to vector<20x128xi32>
    %slice3A_82 = vector.extract_strided_slice %add3A_79 {offsets = [0, 0], sizes = [20, 172], strides = [1, 1]} : vector<20x300xi32> to vector<20x172xi32>
    %concatenate3A_83 = tpu.concatenate %broadcast_in_dim3A_81, %slice3A_82 in 1 : vector<20x128xi32>, vector<20x172xi32> -> vector<20x300xi32>
    %add3A_84 = arith.addi %add3A_79, %concatenate3A_83 : vector<20x300xi32>
    %broadcast_in_dim3A_85 = arith.constant 0 : i32
    %broadcast_in_dim3A_86 = vector.broadcast %broadcast_in_dim3A_85 : i32 to vector<20x256xi32>
    %slice3A_87 = vector.extract_strided_slice %add3A_84 {offsets = [0, 0], sizes = [20, 44], strides = [1, 1]} : vector<20x300xi32> to vector<20x44xi32>
    %concatenate3A_88 = tpu.concatenate %broadcast_in_dim3A_86, %slice3A_87 in 1 : vector<20x256xi32>, vector<20x44xi32> -> vector<20x300xi32>
    %add3A_89 = arith.addi %add3A_84, %concatenate3A_88 : vector<20x300xi32>
    %slice3A_90 = vector.extract_strided_slice %add3A_89 {offsets = [0, 299], sizes = [20, 1], strides = [1, 1]} : vector<20x300xi32> to vector<20x1xi32>
    %broadcast_in_dim3A_91 = arith.constant 0 : i32
    %broadcast_in_dim3A_92 = vector.broadcast %broadcast_in_dim3A_91 : i32 to vector<1x1xi32>
    %slice3A_93 = vector.extract_strided_slice %slice3A_90 {offsets = [0, 0], sizes = [19, 1], strides = [1, 1]} : vector<20x1xi32> to vector<19x1xi32>
    %concatenate3A_94 = tpu.concatenate %broadcast_in_dim3A_92, %slice3A_93 in 0 : vector<1x1xi32>, vector<19x1xi32> -> vector<20x1xi32>
    %add3A_95 = arith.addi %slice3A_90, %concatenate3A_94 : vector<20x1xi32>
    %broadcast_in_dim3A_96 = arith.constant 0 : i32
    %broadcast_in_dim3A_97 = vector.broadcast %broadcast_in_dim3A_96 : i32 to vector<2x1xi32>
    %slice3A_98 = vector.extract_strided_slice %add3A_95 {offsets = [0, 0], sizes = [18, 1], strides = [1, 1]} : vector<20x1xi32> to vector<18x1xi32>
    %concatenate3A_99 = tpu.concatenate %broadcast_in_dim3A_97, %slice3A_98 in 0 : vector<2x1xi32>, vector<18x1xi32> -> vector<20x1xi32>
    %add3A_100 = arith.addi %add3A_95, %concatenate3A_99 : vector<20x1xi32>
    %broadcast_in_dim3A_101 = arith.constant 0 : i32
    %broadcast_in_dim3A_102 = vector.broadcast %broadcast_in_dim3A_101 : i32 to vector<4x1xi32>
    %slice3A_103 = vector.extract_strided_slice %add3A_100 {offsets = [0, 0], sizes = [16, 1], strides = [1, 1]} : vector<20x1xi32> to vector<16x1xi32>
    %concatenate3A_104 = tpu.concatenate %broadcast_in_dim3A_102, %slice3A_103 in 0 : vector<4x1xi32>, vector<16x1xi32> -> vector<20x1xi32>
    %add3A_105 = arith.addi %add3A_100, %concatenate3A_104 : vector<20x1xi32>
    %broadcast_in_dim3A_106 = arith.constant 0 : i32
    %broadcast_in_dim3A_107 = vector.broadcast %broadcast_in_dim3A_106 : i32 to vector<8x1xi32>
    %slice3A_108 = vector.extract_strided_slice %add3A_105 {offsets = [0, 0], sizes = [12, 1], strides = [1, 1]} : vector<20x1xi32> to vector<12x1xi32>
    %concatenate3A_109 = tpu.concatenate %broadcast_in_dim3A_107, %slice3A_108 in 0 : vector<8x1xi32>, vector<12x1xi32> -> vector<20x1xi32>
    %add3A_110 = arith.addi %add3A_105, %concatenate3A_109 : vector<20x1xi32>
    %broadcast_in_dim3A_111 = arith.constant 0 : i32
    %broadcast_in_dim3A_112 = vector.broadcast %broadcast_in_dim3A_111 : i32 to vector<16x1xi32>
    %slice3A_113 = vector.extract_strided_slice %add3A_110 {offsets = [0, 0], sizes = [4, 1], strides = [1, 1]} : vector<20x1xi32> to vector<4x1xi32>
    %concatenate3A_114 = tpu.concatenate %broadcast_in_dim3A_112, %slice3A_113 in 0 : vector<16x1xi32>, vector<4x1xi32> -> vector<20x1xi32>
    %add3A_115 = arith.addi %add3A_110, %concatenate3A_114 : vector<20x1xi32>
    %sub3A_116 = arith.subi %add3A_89, %convert_element_type3A_46 : vector<20x300xi32>
    %sub3A_117 = arith.subi %add3A_115, %slice3A_90 : vector<20x1xi32>
    %add3A_118 = vector.broadcast %sub3A_117 : vector<20x1xi32> to vector<20x300xi32>
    %add3A_119 = arith.addi %sub3A_116, %add3A_118 : vector<20x300xi32>
    %lt3A = vector.broadcast %select_n3A_44 : vector<1x1xi32> to vector<20x300xi32>
    %lt3A_120 = arith.cmpi slt, %add3A_119, %lt3A : vector<20x300xi32>
    %and3A_121 = arith.andi %and3A, %lt3A_120 : vector<20x300xi1>
    %or3A = arith.ori %gt3A_31, %and3A_121 : vector<20x300xi1>
    %convert_element_type3A_122 = arith.extui %or3A : vector<20x300xi1> to vector<20x300xi32>
    %broadcast_in_dim3A_123 = arith.constant 0 : i32
    %broadcast_in_dim3A_124 = vector.broadcast %broadcast_in_dim3A_123 : i32 to vector<20x1xi32>
    %slice3A_125 = vector.extract_strided_slice %convert_element_type3A_122 {offsets = [0, 0], sizes = [20, 299], strides = [1, 1]} : vector<20x300xi32> to vector<20x299xi32>
    %concatenate3A_126 = tpu.concatenate %broadcast_in_dim3A_124, %slice3A_125 in 1 : vector<20x1xi32>, vector<20x299xi32> -> vector<20x300xi32>
    %add3A_127 = arith.addi %convert_element_type3A_122, %concatenate3A_126 : vector<20x300xi32>
    %broadcast_in_dim3A_128 = arith.constant 0 : i32
    %broadcast_in_dim3A_129 = vector.broadcast %broadcast_in_dim3A_128 : i32 to vector<20x2xi32>
    %slice3A_130 = vector.extract_strided_slice %add3A_127 {offsets = [0, 0], sizes = [20, 298], strides = [1, 1]} : vector<20x300xi32> to vector<20x298xi32>
    %concatenate3A_131 = tpu.concatenate %broadcast_in_dim3A_129, %slice3A_130 in 1 : vector<20x2xi32>, vector<20x298xi32> -> vector<20x300xi32>
    %add3A_132 = arith.addi %add3A_127, %concatenate3A_131 : vector<20x300xi32>
    %broadcast_in_dim3A_133 = arith.constant 0 : i32
    %broadcast_in_dim3A_134 = vector.broadcast %broadcast_in_dim3A_133 : i32 to vector<20x4xi32>
    %slice3A_135 = vector.extract_strided_slice %add3A_132 {offsets = [0, 0], sizes = [20, 296], strides = [1, 1]} : vector<20x300xi32> to vector<20x296xi32>
    %concatenate3A_136 = tpu.concatenate %broadcast_in_dim3A_134, %slice3A_135 in 1 : vector<20x4xi32>, vector<20x296xi32> -> vector<20x300xi32>
    %add3A_137 = arith.addi %add3A_132, %concatenate3A_136 : vector<20x300xi32>
    %broadcast_in_dim3A_138 = arith.constant 0 : i32
    %broadcast_in_dim3A_139 = vector.broadcast %broadcast_in_dim3A_138 : i32 to vector<20x8xi32>
    %slice3A_140 = vector.extract_strided_slice %add3A_137 {offsets = [0, 0], sizes = [20, 292], strides = [1, 1]} : vector<20x300xi32> to vector<20x292xi32>
    %concatenate3A_141 = tpu.concatenate %broadcast_in_dim3A_139, %slice3A_140 in 1 : vector<20x8xi32>, vector<20x292xi32> -> vector<20x300xi32>
    %add3A_142 = arith.addi %add3A_137, %concatenate3A_141 : vector<20x300xi32>
    %broadcast_in_dim3A_143 = arith.constant 0 : i32
    %broadcast_in_dim3A_144 = vector.broadcast %broadcast_in_dim3A_143 : i32 to vector<20x16xi32>
    %slice3A_145 = vector.extract_strided_slice %add3A_142 {offsets = [0, 0], sizes = [20, 284], strides = [1, 1]} : vector<20x300xi32> to vector<20x284xi32>
    %concatenate3A_146 = tpu.concatenate %broadcast_in_dim3A_144, %slice3A_145 in 1 : vector<20x16xi32>, vector<20x284xi32> -> vector<20x300xi32>
    %add3A_147 = arith.addi %add3A_142, %concatenate3A_146 : vector<20x300xi32>
    %broadcast_in_dim3A_148 = arith.constant 0 : i32
    %broadcast_in_dim3A_149 = vector.broadcast %broadcast_in_dim3A_148 : i32 to vector<20x32xi32>
    %slice3A_150 = vector.extract_strided_slice %add3A_147 {offsets = [0, 0], sizes = [20, 268], strides = [1, 1]} : vector<20x300xi32> to vector<20x268xi32>
    %concatenate3A_151 = tpu.concatenate %broadcast_in_dim3A_149, %slice3A_150 in 1 : vector<20x32xi32>, vector<20x268xi32> -> vector<20x300xi32>
    %add3A_152 = arith.addi %add3A_147, %concatenate3A_151 : vector<20x300xi32>
    %broadcast_in_dim3A_153 = arith.constant 0 : i32
    %broadcast_in_dim3A_154 = vector.broadcast %broadcast_in_dim3A_153 : i32 to vector<20x64xi32>
    %slice3A_155 = vector.extract_strided_slice %add3A_152 {offsets = [0, 0], sizes = [20, 236], strides = [1, 1]} : vector<20x300xi32> to vector<20x236xi32>
    %concatenate3A_156 = tpu.concatenate %broadcast_in_dim3A_154, %slice3A_155 in 1 : vector<20x64xi32>, vector<20x236xi32> -> vector<20x300xi32>
    %add3A_157 = arith.addi %add3A_152, %concatenate3A_156 : vector<20x300xi32>
    %broadcast_in_dim3A_158 = arith.constant 0 : i32
    %broadcast_in_dim3A_159 = vector.broadcast %broadcast_in_dim3A_158 : i32 to vector<20x128xi32>
    %slice3A_160 = vector.extract_strided_slice %add3A_157 {offsets = [0, 0], sizes = [20, 172], strides = [1, 1]} : vector<20x300xi32> to vector<20x172xi32>
    %concatenate3A_161 = tpu.concatenate %broadcast_in_dim3A_159, %slice3A_160 in 1 : vector<20x128xi32>, vector<20x172xi32> -> vector<20x300xi32>
    %add3A_162 = arith.addi %add3A_157, %concatenate3A_161 : vector<20x300xi32>
    %broadcast_in_dim3A_163 = arith.constant 0 : i32
    %broadcast_in_dim3A_164 = vector.broadcast %broadcast_in_dim3A_163 : i32 to vector<20x256xi32>
    %slice3A_165 = vector.extract_strided_slice %add3A_162 {offsets = [0, 0], sizes = [20, 44], strides = [1, 1]} : vector<20x300xi32> to vector<20x44xi32>
    %concatenate3A_166 = tpu.concatenate %broadcast_in_dim3A_164, %slice3A_165 in 1 : vector<20x256xi32>, vector<20x44xi32> -> vector<20x300xi32>
    %add3A_167 = arith.addi %add3A_162, %concatenate3A_166 : vector<20x300xi32>
    %slice3A_168 = vector.extract_strided_slice %add3A_167 {offsets = [0, 299], sizes = [20, 1], strides = [1, 1]} : vector<20x300xi32> to vector<20x1xi32>
    %broadcast_in_dim3A_169 = arith.constant 0 : i32
    %broadcast_in_dim3A_170 = vector.broadcast %broadcast_in_dim3A_169 : i32 to vector<1x1xi32>
    %slice3A_171 = vector.extract_strided_slice %slice3A_168 {offsets = [0, 0], sizes = [19, 1], strides = [1, 1]} : vector<20x1xi32> to vector<19x1xi32>
    %concatenate3A_172 = tpu.concatenate %broadcast_in_dim3A_170, %slice3A_171 in 0 : vector<1x1xi32>, vector<19x1xi32> -> vector<20x1xi32>
    %add3A_173 = arith.addi %slice3A_168, %concatenate3A_172 : vector<20x1xi32>
    %broadcast_in_dim3A_174 = arith.constant 0 : i32
    %broadcast_in_dim3A_175 = vector.broadcast %broadcast_in_dim3A_174 : i32 to vector<2x1xi32>
    %slice3A_176 = vector.extract_strided_slice %add3A_173 {offsets = [0, 0], sizes = [18, 1], strides = [1, 1]} : vector<20x1xi32> to vector<18x1xi32>
    %concatenate3A_177 = tpu.concatenate %broadcast_in_dim3A_175, %slice3A_176 in 0 : vector<2x1xi32>, vector<18x1xi32> -> vector<20x1xi32>
    %add3A_178 = arith.addi %add3A_173, %concatenate3A_177 : vector<20x1xi32>
    %broadcast_in_dim3A_179 = arith.constant 0 : i32
    %broadcast_in_dim3A_180 = vector.broadcast %broadcast_in_dim3A_179 : i32 to vector<4x1xi32>
    %slice3A_181 = vector.extract_strided_slice %add3A_178 {offsets = [0, 0], sizes = [16, 1], strides = [1, 1]} : vector<20x1xi32> to vector<16x1xi32>
    %concatenate3A_182 = tpu.concatenate %broadcast_in_dim3A_180, %slice3A_181 in 0 : vector<4x1xi32>, vector<16x1xi32> -> vector<20x1xi32>
    %add3A_183 = arith.addi %add3A_178, %concatenate3A_182 : vector<20x1xi32>
    %broadcast_in_dim3A_184 = arith.constant 0 : i32
    %broadcast_in_dim3A_185 = vector.broadcast %broadcast_in_dim3A_184 : i32 to vector<8x1xi32>
    %slice3A_186 = vector.extract_strided_slice %add3A_183 {offsets = [0, 0], sizes = [12, 1], strides = [1, 1]} : vector<20x1xi32> to vector<12x1xi32>
    %concatenate3A_187 = tpu.concatenate %broadcast_in_dim3A_185, %slice3A_186 in 0 : vector<8x1xi32>, vector<12x1xi32> -> vector<20x1xi32>
    %add3A_188 = arith.addi %add3A_183, %concatenate3A_187 : vector<20x1xi32>
    %broadcast_in_dim3A_189 = arith.constant 0 : i32
    %broadcast_in_dim3A_190 = vector.broadcast %broadcast_in_dim3A_189 : i32 to vector<16x1xi32>
    %slice3A_191 = vector.extract_strided_slice %add3A_188 {offsets = [0, 0], sizes = [4, 1], strides = [1, 1]} : vector<20x1xi32> to vector<4x1xi32>
    %concatenate3A_192 = tpu.concatenate %broadcast_in_dim3A_190, %slice3A_191 in 0 : vector<16x1xi32>, vector<4x1xi32> -> vector<20x1xi32>
    %add3A_193 = arith.addi %add3A_188, %concatenate3A_192 : vector<20x1xi32>
    %sub3A_194 = arith.subi %add3A_167, %convert_element_type3A_122 : vector<20x300xi32>
    %sub3A_195 = arith.subi %add3A_193, %slice3A_168 : vector<20x1xi32>
    %add3A_196 = vector.broadcast %sub3A_195 : vector<20x1xi32> to vector<20x300xi32>
    %add3A_197 = arith.addi %sub3A_194, %add3A_196 : vector<20x300xi32>
    %swap3A_198 = arith.constant 0 : index
    %swap3A_199 = arith.constant 0 : index
    %swap3A_200 = vector.load %arg11[%swap3A_198, %swap3A_199] : memref<20x300xi32, #tpu.memory_space<vmem>>, vector<20x300xi32>
    tpu.vector_store %arg11[%swap3A_198, %swap3A_199], %add3A_197 {strides = array<i32>} : memref<20x300xi32, #tpu.memory_space<vmem>>, vector<20x300xi32>,
    %swap3A_201 = arith.constant 0 : index
    %swap3A_202 = arith.constant 0 : index
    %swap3A_203 = vector.load %arg12[%swap3A_201, %swap3A_202] : memref<20x300xi32, #tpu.memory_space<vmem>>, vector<20x300xi32>
    tpu.vector_store %arg12[%swap3A_201, %swap3A_202], %convert_element_type3A_122 {strides = array<i32>} : memref<20x300xi32, #tpu.memory_space<vmem>>, vector<20x300xi32>,
    %broadcast_in_dim3A_204 = arith.constant 0.000000e+00 : f32
    %broadcast_in_dim3A_205 = vector.broadcast %broadcast_in_dim3A_204 : f32 to vector<384x21xf32>
    %swap3A_206 = arith.constant 0 : index
    %swap3A_207 = arith.constant 0 : index
    %swap3A_208 = vector.load %arg14[%swap3A_206, %swap3A_207] : memref<384x21xf32, #tpu.memory_space<vmem>>, vector<384x21xf32>
    tpu.vector_store %arg14[%swap3A_206, %swap3A_207], %broadcast_in_dim3A_205 {strides = array<i32>} : memref<384x21xf32, #tpu.memory_space<vmem>>, vector<384x21xf32>,
    %iota3A_209 = tpu.iota {dimensions = array<i32: 0>} : vector<384x1xi32>
    %broadcast_in_dim3A_210 = arith.constant 1.000000e+00 : f32
    %broadcast_in_dim3A_211 = vector.broadcast %broadcast_in_dim3A_210 : f32 to vector<300x1xf32>
    %scan3A_212 = arith.constant 0 : i32
    %scan3A_213 = arith.constant 20 : i32
    %scan3A_214 = arith.addi %scan3A_212, %scan3A_213 : i32
    %scan3A_215 = arith.constant 1 : i32
    scf.for %scan3A_369 = %scan3A_212 to %scan3A_214 step %scan3A_215  : i32 {
      %get3A_370 = arith.index_cast %scan3A_369 : i32 to index
      %get3A_371 = arith.constant 0 : index
      %get3A_372 = vector.load %arg11[%get3A_370, %get3A_371] : memref<20x300xi32, #tpu.memory_space<vmem>>, vector<1x300xi32>
      %get3A_373 = arith.index_cast %scan3A_369 : i32 to index
      %get3A_374 = arith.constant 0 : index
      %get3A_375 = vector.load %arg12[%get3A_373, %get3A_374] : memref<20x300xi32, #tpu.memory_space<vmem>>, vector<1x300xi32>
      %ne3A_376 = arith.constant 0 : i32
      %ne3A_377 = vector.broadcast %ne3A_376 : i32 to vector<1x300xi32>
      %ne3A_378 = arith.cmpi ne, %get3A_375, %ne3A_377 : vector<1x300xi32>
      %eq3A_379 = vector.broadcast %get3A_372 : vector<1x300xi32> to vector<384x300xi32>
      %eq3A_380 = vector.broadcast %iota3A_209 : vector<384x1xi32> to vector<384x300xi32>
      %eq3A_381 = arith.cmpi eq, %eq3A_379, %eq3A_380 : vector<384x300xi32>
      %and3A_382 = vector.broadcast %ne3A_378 : vector<1x300xi1> to vector<384x300xi1>
      %and3A_383 = arith.andi %eq3A_381, %and3A_382 : vector<384x300xi1>
      %convert_element_type3A_384 = arith.extui %and3A_383 : vector<384x300xi1> to vector<384x300xi32>
      %convert_element_type3A_385 = arith.sitofp %convert_element_type3A_384 : vector<384x300xi32> to vector<384x300xf32>
      %get3A_386 = arith.constant 0 : index
      %get3A_387 = arith.index_cast %scan3A_369 : i32 to index
      %get3A_388 = arith.constant 0 : index
      %get3A_389 = vector.load %arg2[%get3A_386, %get3A_387, %get3A_388] : memref<1x20x300xf32, #tpu.memory_space<vmem>>, vector<1x1x300xf32>
      %get3A_390 = vector.shape_cast %get3A_389 : vector<1x1x300xf32> to vector<1x300xf32>
      %eq3A_391 = arith.constant 0xFF800000 : f32
      %eq3A_392 = vector.broadcast %eq3A_391 : f32 to vector<1x300xf32>
      %eq3A_393 = arith.cmpf oeq, %get3A_390, %eq3A_392 : vector<1x300xf32>
      %jit3A_394 = arith.constant 0.000000e+00 : f32
      %broadcast_in_dim3A_395 = vector.broadcast %jit3A_394 : f32 to vector<1x300xf32>
      %select_n3A_396 = arith.select %eq3A_393, %broadcast_in_dim3A_395, %get3A_390 : vector<1x300xi1>, vector<1x300xf32>
      %reshape3A_397 = vector.shape_cast %select_n3A_396 : vector<1x300xf32> to vector<300x1xf32>
      %get3A_398 = arith.constant 0 : index
      %get3A_399 = arith.index_cast %scan3A_369 : i32 to index
      %get3A_400 = arith.constant 0 : index
      %get3A_401 = vector.load %arg4[%get3A_398, %get3A_399, %get3A_400] : memref<1x20x300xf32, #tpu.memory_space<vmem>>, vector<1x1x300xf32>
      %get3A_402 = vector.shape_cast %get3A_401 : vector<1x1x300xf32> to vector<1x300xf32>
      %reshape3A_403 = vector.shape_cast %get3A_402 : vector<1x300xf32> to vector<300x1xf32>
      %get3A_404 = arith.constant 0 : index
      %get3A_405 = arith.index_cast %scan3A_369 : i32 to index
      %get3A_406 = arith.constant 0 : index
      %get3A_407 = vector.load %arg5[%get3A_404, %get3A_405, %get3A_406] : memref<1x20x300xf32, #tpu.memory_space<vmem>>, vector<1x1x300xf32>
      %get3A_408 = vector.shape_cast %get3A_407 : vector<1x1x300xf32> to vector<1x300xf32>
      %reshape3A_409 = vector.shape_cast %get3A_408 : vector<1x300xf32> to vector<300x1xf32>
      %get3A_410 = arith.constant 0 : index
      %get3A_411 = arith.index_cast %scan3A_369 : i32 to index
      %get3A_412 = arith.constant 0 : index
      %get3A_413 = vector.load %arg6[%get3A_410, %get3A_411, %get3A_412] : memref<1x20x300xf32, #tpu.memory_space<vmem>>, vector<1x1x300xf32>
      %get3A_414 = vector.shape_cast %get3A_413 : vector<1x1x300xf32> to vector<1x300xf32>
      %reshape3A_415 = vector.shape_cast %get3A_414 : vector<1x300xf32> to vector<300x1xf32>
      %get3A_416 = arith.constant 0 : index
      %get3A_417 = arith.index_cast %scan3A_369 : i32 to index
      %get3A_418 = arith.constant 0 : index
      %get3A_419 = vector.load %arg7[%get3A_416, %get3A_417, %get3A_418] : memref<1x20x300xf32, #tpu.memory_space<vmem>>, vector<1x1x300xf32>
      %get3A_420 = vector.shape_cast %get3A_419 : vector<1x1x300xf32> to vector<1x300xf32>
      %reshape3A_421 = vector.shape_cast %get3A_420 : vector<1x300xf32> to vector<300x1xf32>
      %get3A_422 = arith.index_cast %scan3A_369 : i32 to index
      %get3A_423 = arith.constant 0 : index
      %get3A_424 = vector.load %arg13[%get3A_422, %get3A_423] : memref<20x300xf32, #tpu.memory_space<vmem>>, vector<1x300xf32>
      %reshape3A_425 = vector.shape_cast %get3A_424 : vector<1x300xf32> to vector<300x1xf32>
      %concatenate3A_426 = tpu.concatenate %reshape3A_397, %reshape3A_403, %reshape3A_409, %reshape3A_415, %reshape3A_421, %reshape3A_425, %broadcast_in_dim3A_211 in 1 : vector<300x1xf32>, vector<300x1xf32>, vector<300x1xf32>, vector<300x1xf32>, vector<300x1xf32>, vector<300x1xf32>, vector<300x1xf32> -> vector<300x7xf32>
      %get3A_427 = arith.constant 0 : index
      %get3A_428 = arith.constant 0 : index
      %get3A_429 = vector.load %arg14[%get3A_427, %get3A_428] : memref<384x21xf32, #tpu.memory_space<vmem>>, vector<384x21xf32>
      %convert_element_type3A_430 = arith.truncf %concatenate3A_426 : vector<300x7xf32> to vector<300x7xbf16>
      %convert_element_type3A_431 = arith.extf %convert_element_type3A_430 : vector<300x7xbf16> to vector<300x7xf32>
      %sub3A_432 = arith.subf %concatenate3A_426, %convert_element_type3A_431 : vector<300x7xf32>
      %convert_element_type3A_433 = arith.truncf %sub3A_432 : vector<300x7xf32> to vector<300x7xbf16>
      %convert_element_type3A_434 = arith.extf %convert_element_type3A_433 : vector<300x7xbf16> to vector<300x7xf32>
      %sub3A_435 = arith.subf %sub3A_432, %convert_element_type3A_434 : vector<300x7xf32>
      %concatenate3A_436 = tpu.concatenate %convert_element_type3A_431, %convert_element_type3A_434, %sub3A_435 in 1 : vector<300x7xf32>, vector<300x7xf32>, vector<300x7xf32> -> vector<300x21xf32>
      %dot_general3A_437 = arith.constant dense<0.000000e+00> : vector<384x21xf32>
      %dot_general3A_438 = tpu.matmul %convert_element_type3A_385, %concatenate3A_436, %dot_general3A_437 {dimension_numbers = #tpu.dot_dimension_numbers<[1], [0], [0], [1], [0, 0, 1, 1], [], []>, transpose_lhs_hint = false} : vector<384x300xf32>, vector<300x21xf32>, vector<384x21xf32> -> vector<384x21xf32>
      %add3A_439 = arith.addf %get3A_429, %dot_general3A_438 : vector<384x21xf32>
      %swap3A_440 = arith.constant 0 : index
      %swap3A_441 = arith.constant 0 : index
      %swap3A_442 = vector.load %arg14[%swap3A_440, %swap3A_441] : memref<384x21xf32, #tpu.memory_space<vmem>>, vector<384x21xf32>
      tpu.vector_store %arg14[%swap3A_440, %swap3A_441], %add3A_439 {strides = array<i32>} : memref<384x21xf32, #tpu.memory_space<vmem>>, vector<384x21xf32>,
    }
    %scan3A_216 = arith.constant 20 : i32
    %get3A_217 = arith.constant 0 : index
    %get3A_218 = arith.constant 0 : index
    %get3A_219 = vector.load %arg14[%get3A_217, %get3A_218] : memref<384x21xf32, #tpu.memory_space<vmem>>, vector<384x21xf32>
    %slice3A_220 = vector.extract_strided_slice %get3A_219 {offsets = [0, 0], sizes = [384, 7], strides = [1, 1]} : vector<384x21xf32> to vector<384x7xf32>
    %slice3A_221 = vector.extract_strided_slice %get3A_219 {offsets = [0, 7], sizes = [384, 7], strides = [1, 1]} : vector<384x21xf32> to vector<384x7xf32>
    %add3A_222 = arith.addf %slice3A_220, %slice3A_221 : vector<384x7xf32>
    %slice3A_223 = vector.extract_strided_slice %get3A_219 {offsets = [0, 14], sizes = [384, 7], strides = [1, 1]} : vector<384x21xf32> to vector<384x7xf32>
    %add3A_224 = arith.addf %add3A_222, %slice3A_223 : vector<384x7xf32>
    %slice3A_225 = vector.extract_strided_slice %add3A_224 {offsets = [0, 0], sizes = [384, 1], strides = [1, 1]} : vector<384x7xf32> to vector<384x1xf32>
    %slice3A_226 = vector.extract_strided_slice %add3A_224 {offsets = [0, 5], sizes = [384, 1], strides = [1, 1]} : vector<384x7xf32> to vector<384x1xf32>
    %slice3A_227 = vector.extract_strided_slice %add3A_224 {offsets = [0, 6], sizes = [384, 1], strides = [1, 1]} : vector<384x7xf32> to vector<384x1xf32>
    %gt3A_228 = arith.constant 5.000000e-01 : f32
    %gt3A_229 = vector.broadcast %gt3A_228 : f32 to vector<384x1xf32>
    %gt3A_230 = arith.cmpf ogt, %slice3A_227, %gt3A_229 : vector<384x1xf32>
    %reshape3A_231 = vector.shape_cast %slice3A_225 : vector<384x1xf32> to vector<1x384xf32>
    %reshape3A_232 = vector.shape_cast %slice3A_226 : vector<384x1xf32> to vector<1x384xf32>
    %reshape3A_233 = vector.shape_cast %gt3A_230 : vector<384x1xi1> to vector<1x384xi1>
    %gt3A_234 = vector.broadcast %slice3A_225 : vector<384x1xf32> to vector<384x384xf32>
    %gt3A_235 = vector.broadcast %reshape3A_231 : vector<1x384xf32> to vector<384x384xf32>
    %gt3A_236 = arith.cmpf ogt, %gt3A_234, %gt3A_235 : vector<384x384xf32>
    %eq3A_237 = vector.broadcast %slice3A_225 : vector<384x1xf32> to vector<384x384xf32>
    %eq3A_238 = vector.broadcast %reshape3A_231 : vector<1x384xf32> to vector<384x384xf32>
    %eq3A_239 = arith.cmpf oeq, %eq3A_237, %eq3A_238 : vector<384x384xf32>
    %lt3A_240 = vector.broadcast %slice3A_226 : vector<384x1xf32> to vector<384x384xf32>
    %lt3A_241 = vector.broadcast %reshape3A_232 : vector<1x384xf32> to vector<384x384xf32>
    %lt3A_242 = arith.cmpf olt, %lt3A_240, %lt3A_241 : vector<384x384xf32>
    %and3A_243 = arith.andi %eq3A_239, %lt3A_242 : vector<384x384xi1>
    %or3A_244 = arith.ori %gt3A_236, %and3A_243 : vector<384x384xi1>
    %and3A_245 = vector.broadcast %gt3A_230 : vector<384x1xi1> to vector<384x384xi1>
    %and3A_246 = arith.andi %or3A_244, %and3A_245 : vector<384x384xi1>
    %jit3A_247 = arith.constant 1.000000e+00 : f32
    %jit3A_248 = arith.constant 0.000000e+00 : f32
    %broadcast_in_dim3A_249 = vector.broadcast %jit3A_247 : f32 to vector<384x384xf32>
    %broadcast_in_dim3A_250 = vector.broadcast %jit3A_248 : f32 to vector<384x384xf32>
    %select_n3A_251 = arith.select %and3A_246, %broadcast_in_dim3A_249, %broadcast_in_dim3A_250 : vector<384x384xi1>, vector<384x384xf32>
    %reduce_sum3A_252 = arith.constant dense<0.000000e+00> : vector<384xf32>
    %reduce_sum3A_253 = vector.multi_reduction <add>, %select_n3A_251, %reduce_sum3A_252 [0] : vector<384x384xf32> to vector<384xf32>
    %broadcast_in_dim3A_254 = vector.shape_cast %reduce_sum3A_253 : vector<384xf32> to vector<1x384xf32>
    %iota3A_255 = tpu.iota {dimensions = array<i32: 0>} : vector<300x1xi32>
    %convert_element_type3A_256 = arith.sitofp %iota3A_255 : vector<300x1xi32> to vector<300x1xf32>
    %eq3A_257 = vector.broadcast %broadcast_in_dim3A_254 : vector<1x384xf32> to vector<300x384xf32>
    %eq3A_258 = vector.broadcast %convert_element_type3A_256 : vector<300x1xf32> to vector<300x384xf32>
    %eq3A_259 = arith.cmpf oeq, %eq3A_257, %eq3A_258 : vector<300x384xf32>
    %and3A_260 = vector.broadcast %reshape3A_233 : vector<1x384xi1> to vector<300x384xi1>
    %and3A_261 = arith.andi %eq3A_259, %and3A_260 : vector<300x384xi1>
    %jit3A_262 = arith.constant 1.000000e+00 : f32
    %jit3A_263 = arith.constant 0.000000e+00 : f32
    %broadcast_in_dim3A_264 = vector.broadcast %jit3A_262 : f32 to vector<300x384xf32>
    %broadcast_in_dim3A_265 = vector.broadcast %jit3A_263 : f32 to vector<300x384xf32>
    %select_n3A_266 = arith.select %and3A_261, %broadcast_in_dim3A_264, %broadcast_in_dim3A_265 : vector<300x384xi1>, vector<300x384xf32>
    %dot_general3A = arith.constant dense<0.000000e+00> : vector<300x21xf32>
    %dot_general3A_267 = tpu.matmul %select_n3A_266, %get3A_219, %dot_general3A {dimension_numbers = #tpu.dot_dimension_numbers<[1], [0], [0], [1], [0, 0, 1, 1], [], []>, transpose_lhs_hint = false} : vector<300x384xf32>, vector<384x21xf32>, vector<300x21xf32> -> vector<300x21xf32>
    %slice3A_268 = vector.extract_strided_slice %dot_general3A_267 {offsets = [0, 0], sizes = [300, 7], strides = [1, 1]} : vector<300x21xf32> to vector<300x7xf32>
    %slice3A_269 = vector.extract_strided_slice %dot_general3A_267 {offsets = [0, 7], sizes = [300, 7], strides = [1, 1]} : vector<300x21xf32> to vector<300x7xf32>
    %add3A_270 = arith.addf %slice3A_268, %slice3A_269 : vector<300x7xf32>
    %slice3A_271 = vector.extract_strided_slice %dot_general3A_267 {offsets = [0, 14], sizes = [300, 7], strides = [1, 1]} : vector<300x21xf32> to vector<300x7xf32>
    %add3A_272 = arith.addf %add3A_270, %slice3A_271 : vector<300x7xf32>
    %reduce_sum3A_273 = arith.constant dense<0.000000e+00> : vector<300xf32>
    %reduce_sum3A_274 = vector.multi_reduction <add>, %select_n3A_266, %reduce_sum3A_273 [1] : vector<300x384xf32> to vector<300xf32>
    %broadcast_in_dim3A_275 = vector.shape_cast %reduce_sum3A_274 : vector<300xf32> to vector<300x1xf32>
    %gt3A_276 = arith.constant 0.000000e+00 : f32
    %gt3A_277 = vector.broadcast %gt3A_276 : f32 to vector<300x1xf32>
    %gt3A_278 = arith.cmpf ogt, %broadcast_in_dim3A_275, %gt3A_277 : vector<300x1xf32>
    %slice3A_279 = vector.extract_strided_slice %add3A_272 {offsets = [0, 0], sizes = [300, 1], strides = [1, 1]} : vector<300x7xf32> to vector<300x1xf32>
    %jit3A_280 = arith.constant -1.000000e+00 : f32
    %broadcast_in_dim3A_281 = vector.broadcast %jit3A_280 : f32 to vector<300x1xf32>
    %select_n3A_282 = arith.select %gt3A_278, %slice3A_279, %broadcast_in_dim3A_281 : vector<300x1xi1>, vector<300x1xf32>
    %reshape3A_283 = vector.shape_cast %select_n3A_282 : vector<300x1xf32> to vector<1x300xf32>
    %swap3A_284 = arith.constant 0 : index
    %swap3A_285 = arith.constant 0 : index
    %swap3A_286 = arith.constant 0 : index
    %swap3A_287 = vector.load %arg9[%swap3A_284, %swap3A_285, %swap3A_286] : memref<1x1x300xf32, #tpu.memory_space<vmem>>, vector<1x1x300xf32>
    %swap3A_288 = vector.shape_cast %swap3A_287 : vector<1x1x300xf32> to vector<1x300xf32>
    %swap3A_289 = vector.shape_cast %reshape3A_283 : vector<1x300xf32> to vector<1x1x300xf32>
    tpu.vector_store %arg9[%swap3A_284, %swap3A_285, %swap3A_286], %swap3A_289 {strides = array<i32>} : memref<1x1x300xf32, #tpu.memory_space<vmem>>, vector<1x1x300xf32>,
    %slice3A_290 = vector.extract_strided_slice %add3A_272 {offsets = [0, 5], sizes = [300, 1], strides = [1, 1]} : vector<300x7xf32> to vector<300x1xf32>
    %convert_element_type3A_291 = arith.fptosi %slice3A_290 : vector<300x1xf32> to vector<300x1xi32>
    %jit3A_292 = arith.constant 20000 : i32
    %div3A = vector.broadcast %jit3A_292 : i32 to vector<300x1xi32>
    %div3A_293 = arith.divsi %convert_element_type3A_291, %div3A : vector<300x1xi32>
    %sign3A = arith.constant 0 : i32
    %sign3A_294 = vector.broadcast %sign3A : i32 to vector<300x1xi32>
    %sign3A_295 = arith.cmpi sgt, %convert_element_type3A_291, %sign3A_294 : vector<300x1xi32>
    %sign3A_296 = arith.extui %sign3A_295 : vector<300x1xi1> to vector<300x1xi32>
    %sign3A_297 = arith.constant 0 : i32
    %sign3A_298 = vector.broadcast %sign3A_297 : i32 to vector<300x1xi32>
    %sign3A_299 = arith.cmpi slt, %convert_element_type3A_291, %sign3A_298 : vector<300x1xi32>
    %sign3A_300 = arith.extui %sign3A_299 : vector<300x1xi1> to vector<300x1xi32>
    %sign3A_301 = arith.subi %sign3A_296, %sign3A_300 : vector<300x1xi32>
    %sign3A_302 = arith.constant 0 : i32
    %sign3A_303 = arith.cmpi sgt, %jit3A_292, %sign3A_302 : i32
    %sign3A_304 = arith.extui %sign3A_303 : i1 to i32
    %sign3A_305 = arith.constant 0 : i32
    %sign3A_306 = arith.cmpi slt, %jit3A_292, %sign3A_305 : i32
    %sign3A_307 = arith.extui %sign3A_306 : i1 to i32
    %sign3A_308 = arith.subi %sign3A_304, %sign3A_307 : i32
    %ne3A = vector.broadcast %sign3A_308 : i32 to vector<300x1xi32>
    %ne3A_309 = arith.cmpi ne, %sign3A_301, %ne3A : vector<300x1xi32>
    %rem3A = vector.broadcast %jit3A_292 : i32 to vector<300x1xi32>
    %rem3A_310 = arith.remsi %convert_element_type3A_291, %rem3A : vector<300x1xi32>
    %ne3A_311 = arith.constant 0 : i32
    %ne3A_312 = vector.broadcast %ne3A_311 : i32 to vector<300x1xi32>
    %ne3A_313 = arith.cmpi ne, %rem3A_310, %ne3A_312 : vector<300x1xi32>
    %and3A_314 = arith.andi %ne3A_309, %ne3A_313 : vector<300x1xi1>
    %sub3A_315 = arith.constant 1 : i32
    %sub3A_316 = vector.broadcast %sub3A_315 : i32 to vector<300x1xi32>
    %sub3A_317 = arith.subi %div3A_293, %sub3A_316 : vector<300x1xi32>
    %select_n3A_318 = arith.select %and3A_314, %sub3A_317, %div3A_293 : vector<300x1xi1>, vector<300x1xi32>
    %jit3A_319 = arith.constant -1 : i32
    %broadcast_in_dim3A_320 = vector.broadcast %jit3A_319 : i32 to vector<300x1xi32>
    %select_n3A_321 = arith.select %gt3A_278, %select_n3A_318, %broadcast_in_dim3A_320 : vector<300x1xi1>, vector<300x1xi32>
    %reshape3A_322 = vector.shape_cast %select_n3A_321 : vector<300x1xi32> to vector<1x300xi32>
    %swap3A_323 = arith.constant 0 : index
    %swap3A_324 = arith.constant 0 : index
    %swap3A_325 = arith.constant 0 : index
    %swap3A_326 = vector.load %arg10[%swap3A_323, %swap3A_324, %swap3A_325] : memref<1x1x300xi32, #tpu.memory_space<vmem>>, vector<1x1x300xi32>
    %swap3A_327 = vector.shape_cast %swap3A_326 : vector<1x1x300xi32> to vector<1x300xi32>
    %swap3A_328 = vector.shape_cast %reshape3A_322 : vector<1x300xi32> to vector<1x1x300xi32>
    tpu.vector_store %arg10[%swap3A_323, %swap3A_324, %swap3A_325], %swap3A_328 {strides = array<i32>} : memref<1x1x300xi32, #tpu.memory_space<vmem>>, vector<1x1x300xi32>,
    %slice3A_329 = vector.extract_strided_slice %add3A_272 {offsets = [0, 1], sizes = [300, 1], strides = [1, 1]} : vector<300x7xf32> to vector<300x1xf32>
    %jit3A_330 = arith.constant -1.000000e+00 : f32
    %broadcast_in_dim3A_331 = vector.broadcast %jit3A_330 : f32 to vector<300x1xf32>
    %select_n3A_332 = arith.select %gt3A_278, %slice3A_329, %broadcast_in_dim3A_331 : vector<300x1xi1>, vector<300x1xf32>
    %swap3A_333 = arith.constant 0 : index
    %swap3A_334 = arith.constant 0 : index
    %swap3A_335 = arith.constant 0 : index
    %swap3A_336 = vector.load %arg8[%swap3A_333, %swap3A_334, %swap3A_335] : memref<1x300x4xf32, #tpu.memory_space<vmem>>, vector<1x300x1xf32>
    %swap3A_337 = vector.shape_cast %swap3A_336 : vector<1x300x1xf32> to vector<300x1xf32>
    %swap3A_338 = vector.shape_cast %select_n3A_332 : vector<300x1xf32> to vector<1x300x1xf32>
    tpu.vector_store %arg8[%swap3A_333, %swap3A_334, %swap3A_335], %swap3A_338 {strides = array<i32>} : memref<1x300x4xf32, #tpu.memory_space<vmem>>, vector<1x300x1xf32>,
    %slice3A_339 = vector.extract_strided_slice %add3A_272 {offsets = [0, 2], sizes = [300, 1], strides = [1, 1]} : vector<300x7xf32> to vector<300x1xf32>
    %jit3A_340 = arith.constant -1.000000e+00 : f32
    %broadcast_in_dim3A_341 = vector.broadcast %jit3A_340 : f32 to vector<300x1xf32>
    %select_n3A_342 = arith.select %gt3A_278, %slice3A_339, %broadcast_in_dim3A_341 : vector<300x1xi1>, vector<300x1xf32>
    %swap3A_343 = arith.constant 0 : index
    %swap3A_344 = arith.constant 0 : index
    %swap3A_345 = arith.constant 1 : index
    %swap3A_346 = vector.load %arg8[%swap3A_343, %swap3A_344, %swap3A_345] : memref<1x300x4xf32, #tpu.memory_space<vmem>>, vector<1x300x1xf32>
    %swap3A_347 = vector.shape_cast %swap3A_346 : vector<1x300x1xf32> to vector<300x1xf32>
    %swap3A_348 = vector.shape_cast %select_n3A_342 : vector<300x1xf32> to vector<1x300x1xf32>
    tpu.vector_store %arg8[%swap3A_343, %swap3A_344, %swap3A_345], %swap3A_348 {strides = array<i32>} : memref<1x300x4xf32, #tpu.memory_space<vmem>>, vector<1x300x1xf32>,
    %slice3A_349 = vector.extract_strided_slice %add3A_272 {offsets = [0, 3], sizes = [300, 1], strides = [1, 1]} : vector<300x7xf32> to vector<300x1xf32>
    %jit3A_350 = arith.constant -1.000000e+00 : f32
    %broadcast_in_dim3A_351 = vector.broadcast %jit3A_350 : f32 to vector<300x1xf32>
    %select_n3A_352 = arith.select %gt3A_278, %slice3A_349, %broadcast_in_dim3A_351 : vector<300x1xi1>, vector<300x1xf32>
    %swap3A_353 = arith.constant 0 : index
    %swap3A_354 = arith.constant 0 : index
    %swap3A_355 = arith.constant 2 : index
    %swap3A_356 = vector.load %arg8[%swap3A_353, %swap3A_354, %swap3A_355] : memref<1x300x4xf32, #tpu.memory_space<vmem>>, vector<1x300x1xf32>
    %swap3A_357 = vector.shape_cast %swap3A_356 : vector<1x300x1xf32> to vector<300x1xf32>
    %swap3A_358 = vector.shape_cast %select_n3A_352 : vector<300x1xf32> to vector<1x300x1xf32>
    tpu.vector_store %arg8[%swap3A_353, %swap3A_354, %swap3A_355], %swap3A_358 {strides = array<i32>} : memref<1x300x4xf32, #tpu.memory_space<vmem>>, vector<1x300x1xf32>,
    %slice3A_359 = vector.extract_strided_slice %add3A_272 {offsets = [0, 4], sizes = [300, 1], strides = [1, 1]} : vector<300x7xf32> to vector<300x1xf32>
    %jit3A_360 = arith.constant -1.000000e+00 : f32
    %broadcast_in_dim3A_361 = vector.broadcast %jit3A_360 : f32 to vector<300x1xf32>
    %select_n3A_362 = arith.select %gt3A_278, %slice3A_359, %broadcast_in_dim3A_361 : vector<300x1xi1>, vector<300x1xf32>
    %swap3A_363 = arith.constant 0 : index
    %swap3A_364 = arith.constant 0 : index
    %swap3A_365 = arith.constant 3 : index
    %swap3A_366 = vector.load %arg8[%swap3A_363, %swap3A_364, %swap3A_365] : memref<1x300x4xf32, #tpu.memory_space<vmem>>, vector<1x300x1xf32>
    %swap3A_367 = vector.shape_cast %swap3A_366 : vector<1x300x1xf32> to vector<300x1xf32>
    %swap3A_368 = vector.shape_cast %select_n3A_362 : vector<300x1xf32> to vector<1x300x1xf32>
    tpu.vector_store %arg8[%swap3A_363, %swap3A_364, %swap3A_365], %swap3A_368 {strides = array<i32>} : memref<1x300x4xf32, #tpu.memory_space<vmem>>, vector<1x300x1xf32>,
    return
  }
  func.func @transform_0(%arg0: i32) -> (i32, i32, i32) {
    %c0_i32 = arith.constant 0 : i32
    %c0_i32_0 = arith.constant 0 : i32
    %c0_i32_1 = arith.constant 0 : i32
    return %arg0, %c0_i32, %c0_i32_0 : i32, i32, i32
  }
  func.func @transform_1(%arg0: i32) -> (i32, i32, i32) {
    %c0_i32 = arith.constant 0 : i32
    %c0_i32_0 = arith.constant 0 : i32
    %c0_i32_1 = arith.constant 0 : i32
    return %arg0, %c0_i32, %c0_i32_0 : i32, i32, i32
  }
  func.func @transform_2(%arg0: i32) -> (i32, i32, i32) {
    %c0_i32 = arith.constant 0 : i32
    %c0_i32_0 = arith.constant 0 : i32
    %c0_i32_1 = arith.constant 0 : i32
    return %arg0, %c0_i32, %c0_i32_0 : i32, i32, i32
  }
  func.func @transform_3(%arg0: i32) -> (i32, i32, i32) {
    %c0_i32 = arith.constant 0 : i32
    %c0_i32_0 = arith.constant 0 : i32
    %c0_i32_1 = arith.constant 0 : i32
    return %arg0, %c0_i32, %c0_i32_0 : i32, i32, i32
  }
  func.func @transform_4(%arg0: i32) -> (i32, i32, i32) {
    %c0_i32 = arith.constant 0 : i32
    %c0_i32_0 = arith.constant 0 : i32
    %c0_i32_1 = arith.constant 0 : i32
    return %arg0, %c0_i32, %c0_i32_0 : i32, i32, i32
  }
  func.func @transform_5(%arg0: i32) -> (i32, i32, i32) {
    %c0_i32 = arith.constant 0 : i32
    %c0_i32_0 = arith.constant 0 : i32
    %c0_i32_1 = arith.constant 0 : i32
    return %arg0, %c0_i32, %c0_i32_0 : i32, i32, i32
  }
  func.func @transform_6(%arg0: i32) -> (i32, i32, i32) {
    %c0_i32 = arith.constant 0 : i32
    %c0_i32_0 = arith.constant 0 : i32
    %c0_i32_1 = arith.constant 0 : i32
    return %arg0, %c0_i32, %c0_i32_0 : i32, i32, i32
  }
  func.func @transform_7(%arg0: i32) -> (i32, i32, i32) {
    %c0_i32 = arith.constant 0 : i32
    %c0_i32_0 = arith.constant 0 : i32
    %c0_i32_1 = arith.constant 0 : i32
    return %arg0, %c0_i32, %c0_i32_0 : i32, i32, i32
  }
  func.func @transform_8(%arg0: i32) -> (i32, i32, i32) {
    %c0_i32 = arith.constant 0 : i32
    %c0_i32_0 = arith.constant 0 : i32
    %c0_i32_1 = arith.constant 0 : i32
    return %arg0, %c0_i32, %c0_i32_0 : i32, i32, i32
  }
  func.func @transform_9(%arg0: i32) -> (i32, i32, i32) {
    %c0_i32 = arith.constant 0 : i32
    %c0_i32_0 = arith.constant 0 : i32
    %c0_i32_1 = arith.constant 0 : i32
    return %arg0, %c0_i32, %c0_i32_0 : i32, i32, i32
  }
}

</mosaic_0001>

<sc_bundles>
// kernel: body.14.cloned.1.call-start
scs
__scs_entry_jumppad:
0x0: {  	(pc) =	sbr.rel $0x88, $3  }
0x1: {  	(tag) =	ssettag $0x0;
	lr =	simm.s32 $0x1  }
0x2: {  	[smem:$0x3F9F] =	sst lr;
	_ =	strace $0xD0000000  }
0x3: {  	_ = 	snop  }
0x4: {  	_ = 	snop  }
0x5: {  	_ = 	snop  }
0x6: {  	_ = 	snop  }
0x7: {  	_ = 	snop  }
__scs_overlays_trampoline_lowered:
0x8: {  	[smem:$0x3FAE] =	sst s0  }
0x9: {  	[smem:$0x3FAF] =	sst s1  }
0xa: {  	[smem:$0x3FB0] =	sst s2  }
0xb: {  	[smem:$0x3FB1] =	sst s3  }
0xc: {  	[smem:$0x3FB2] =	sst s4  }
0xd: {  	[smem:$0x3FB3] =	sst s5  }
0xe: {  	[smem:$0x3FB4] =	sst s6  }
0xf: {  	[smem:$0x3FB5] =	sst s7  }
0x10: {  	[smem:$0x3FB6] =	sst s8  }
0x11: {  	[smem:$0x3FB7] =	sst s9;
	s0 =	simm.s32 @!p0 $0x0  }
0x12: {  	s1 =	sld [smem:$0x3F9D];
	s0 =	simm.s32 @p0 $0x1  }
0x13: {  	[smem:$0x3FB8] =	sst s0;
	s0 =	simm.s32 @!p1 $0x0  }
0x14: {  	s2 =	sld [smem:$0x3F9C];
	s0 =	simm.s32 @p1 $0x1  }
0x15: {  	[smem:$0x3FB9] =	sst s0;
	s0 =	simm.s32 @!p2 $0x0  }
0x16: {  	s3 =	sld [smem:$0x3FDB];
	s0 =	simm.s32 @p2 $0x1  }
0x17: {  	s4 =	simm.s32 $0x1BF5;
	[smem:$0x3FBB] =	sst s0  }
0x18: {  	s0 =	sld [smem:$0x3F9E];
	_ =	swait.ge [sflag:s4], $0x0  }
0x19: {  	s7 =	sld [smem:$0x3F9F]  }
0x1a: {  	s8 =	sadd.s32 $0xFFFFE003, lr  }
0x1b: {  	s9 =	sadd.s32 $0xFFFFFEF7, lr;
	s5 =	simm.s32 $0xFFFFFFFF;
	p2 =	slt.u32 s8, $0xFFFFF086  }
0x1c: {  	p1 =	slt.u32 s9, $0xF7A;
	s5 =	simm.s32 @!p2 $0x0  }
0x1d: {  	s5 =	simm.s32 @p1 $0x1;
	p0 =	seq.s32 s7, s2  }
0x1e: {  	s7 =	smul.u32 @!p0 $0xF7A, s2;
	p2 =	seq.s32 @!p0 s5, $0x0  }
0x1f: {  	s9 =	smul.u32 $0xF7A, s1;
	s8 =	simm.s32 @!p0 $0x1BF5;
	p2 =	por !p2, p0  }
0x20: {  	[sflag:s8] =	ssyncset.s32 @!p0 $0xFFFFF086;
	s6 =	sadd.s32 @!p0 s3, s7;
	s7 =	simm.s32 @!p0 $0x108  }
0x21: {  	s3 =	sadd.s32 s3, s9;
	s6 =	sadd.s32 @!p0 $0x88, s6;
	s7 =	simm.s32 @p2 $0x1082  }
0x22: {  	[simem:s7], [sflag:s8] =	dma.local @!p0 [hbm:s6], $0xF7A  }
0x23: {  	s9 =	sor.u32 $0xD0000000, s2;
	s6 =	simm.s32 $0x108;
	_ =	swait.ge @!p0 [sflag:s8], $0x0  }
0x24: {  	s3 =	sadd.s32 $0x88, s3;
	s6 =	simm.s32 @!p1 $0x1082;
	[sflag:s4] =	ssyncset.s32 $0xFFFFF086  }
0x25: {  	[simem:s6], [sflag:s4] =	dma.local [hbm:s3], $0xF7A  }
0x26: {  	[smem:$0x3F9F] =	sst s1;
	(tag) =	ssettag s2;
	_ =	strace s9  }
0x27: {  	s1 =	sld [smem:$0x3FAF]  }
0x28: {  	s2 =	sld [smem:$0x3FB0]  }
0x29: {  	s4 =	sld [smem:$0x3FB2]  }
0x2a: {  	p0 =	seq.s32 s5, $0x0;
	s5 =	sld [smem:$0x3FB3]  }
0x2b: {  	s6 =	sld [smem:$0x3FB4]  }
0x2c: {  	s7 =	sld [smem:$0x3FB5]  }
0x2d: {  	s3 =	simm.s32 $0x108;
	s8 =	sld [smem:$0x3FB6]  }
0x2e: {  	s3 =	simm.s32 @!p0 $0x1082;
	s9 =	sld [smem:$0x3FB7]  }
0x2f: {  	lr =	sadd.s32 s0, s3;
	s0 =	sld [smem:$0x3FAE]  }
0x30: {  	s3 =	sld [smem:$0x3FB1]  }
0x31: {  	[smem:$0x3FBA] =	sst s10  }
0x32: {  	s10 =	sld [smem:$0x3FB8];
	_ =	sdelay $0x3  }
0x33: {  	p0 =	seq.s32 s10, $0x1;
	s10 =	sld [smem:$0x3FBA];
	_ =	sdelay $0x3  }
0x34: {  	[smem:$0x3FBA] =	sst s10  }
0x35: {  	s10 =	sld [smem:$0x3FB9];
	_ =	sdelay $0x3  }
0x36: {  	p1 =	seq.s32 s10, $0x1;
	s10 =	sld [smem:$0x3FBA];
	_ =	sdelay $0x3  }
0x37: {  	[smem:$0x3FBA] =	sst s10  }
0x38: {  	s10 =	sld [smem:$0x3FBB]  }
0x39: {  	_ = 	snop;
	(pc) =	sbr.ind lr, $3  }
0x3a: {  	_ = 	snop  }
0x3b: {  	_ = 	snop  }
0x3c: {  	p2 =	seq.s32 s10, $0x1;
	s10 =	sld [smem:$0x3FBA]  }
0x3d: {  	_ =	shalt  }
0x3e: {  	_ =	shalt  }
0x3f: {  	_ =	shalt  }
0x40: {  	_ =	shalt  }
0x41: {  	_ =	shalt  }
0x42: {  	_ =	shalt  }
0x43: {  	_ =	shalt  }
0x44: {  	_ =	shalt  }
0x45: {  	_ =	shalt  }
0x46: {  	_ =	shalt  }
0x47: {  	_ =	shalt  }
0x48: {  	_ =	shalt  }
0x49: {  	_ =	shalt  }
0x4a: {  	_ =	shalt  }
0x4b: {  	_ =	shalt  }
0x4c: {  	_ =	shalt  }
0x4d: {  	_ =	shalt  }
0x4e: {  	_ =	shalt  }
0x4f: {  	_ =	shalt  }
0x50: {  	_ =	shalt  }
0x51: {  	_ =	shalt  }
0x52: {  	_ =	shalt  }
0x53: {  	_ =	shalt  }
0x54: {  	_ =	shalt  }
0x55: {  	_ =	shalt  }
0x56: {  	_ =	shalt  }
0x57: {  	_ =	shalt  }
0x58: {  	_ =	shalt  }
0x59: {  	_ =	shalt  }
0x5a: {  	_ =	shalt  }
0x5b: {  	_ =	shalt  }
0x5c: {  	_ =	shalt  }
0x5d: {  	_ =	shalt  }
0x5e: {  	_ =	shalt  }
0x5f: {  	_ =	shalt  }
0x60: {  	_ =	shalt  }
0x61: {  	_ =	shalt  }
0x62: {  	_ =	shalt  }
0x63: {  	_ =	shalt  }
0x64: {  	_ =	shalt  }
0x65: {  	_ =	shalt  }
0x66: {  	_ =	shalt  }
0x67: {  	_ =	shalt  }
0x68: {  	_ =	shalt  }
0x69: {  	_ =	shalt  }
0x6a: {  	_ =	shalt  }
0x6b: {  	_ =	shalt  }
0x6c: {  	_ =	shalt  }
0x6d: {  	_ =	shalt  }
0x6e: {  	_ =	shalt  }
0x6f: {  	_ =	shalt  }
0x70: {  	_ =	shalt  }
0x71: {  	_ =	shalt  }
0x72: {  	_ =	shalt  }
0x73: {  	_ =	shalt  }
0x74: {  	_ =	shalt  }
0x75: {  	_ =	shalt  }
0x76: {  	_ =	shalt  }
0x77: {  	_ =	shalt  }
0x78: {  	_ =	shalt  }
0x79: {  	_ =	shalt  }
0x7a: {  	_ =	shalt  }
0x7b: {  	_ =	shalt  }
0x7c: {  	_ =	shalt  }
0x7d: {  	_ =	shalt  }
0x7e: {  	_ =	shalt  }
0x7f: {  	_ =	shalt  }
0x80: {  	_ =	shalt  }
0x81: {  	_ =	shalt  }
0x82: {  	_ =	shalt  }
0x83: {  	_ =	shalt  }
0x84: {  	_ =	shalt  }
0x85: {  	_ =	shalt  }
0x86: {  	_ =	shalt  }
0x87: {  	_ =	shalt  }
.Lfunc_end0:
.L_simem_size_0:
called_computation.1_lowered:
.L_overlay_start_0:
0x88: {  	s2 =	sld [smem:$0x3FD9]  }
0x89: {  	s3 =	sld [smem:$0x3FFE];
	_ =	sdelay $0x1  }
0x8a: {  	s1 =	srdreg.scid  }
0x8b: {  	s0 =	sand.u32 $0x1, s1  }
0x8c: {  	s14 =	sshll.u32 s0, $0xA;
	s2 =	sadd.s32 s3, s2  }
0x8d: {  	s2 =	sadd.s32 s2, s14  }
0x8e: {  	[smem:$0x3FC6] =	sst s2  }
0x8f: {  	_ = 	snop  }
0x90: {  	s2 =	sld [smem:$0x3FD0];
	_ =	sdelay $0x2  }
0x91: {  	s15 =	simm.s32 $0xA;
	s4 =	simm.s32 $0x10  }
0x92: {  	[smem:s4], [sflag:s15] =	dma.local [hbm:s2], $0x1  }
0x93: {  	_ =	swait.eq [sflag:s15], $0x1  }
0x94: {  	[sflag:s15] =	ssyncset.done $0x0  }
0x95: {  	[sflag:s15] =	ssyncadd.s32 $0xFFFFFFFF  }
0x96: {  	s16 =	sld [smem:$0x10];
	(tm) =	ssettm $0x1  }
0x97: {  	s17 =	sld [smem:$0x3FFB];
	_ =	sdelay $0x3  }
0x98: {  	_ =	strace s17  }
0x99: {  	s3 =	sld [smem:$0x3FFC];
	_ =	sdelay $0x3  }
0x9a: {  	_ =	strace s3  }
0x9b: {  	s3 =	sld [smem:$0x3FFD];
	_ =	sdelay $0x3  }
0x9c: {  	_ =	strace s3  }
0x9d: {  	_ =	strace $0x8FFFFFFF  }
0x9e: {  	s18 =	sld [smem:$0x3FDB];
	_ =	sdelay $0x1  }
0x9f: {  	s19 =	simm.s32 $_scs_section_size  }
0xa0: {  	s5 =	simm.s32 $_size__tile_overlayer_lowered;
	s6 =	simm.s32 $_tile_overlayer_lowered  }
0xa1: {  	s22 =	simm.s32 $0x1BFF;
	s21 =	sshll.u32 s6, $0x1;
	s3 =	sadd.s32 s19, s18  }
0xa2: {  	s7 =	simm.s32 $0x0;
	s20 =	sshll.u32 s5, $0x1;
	s5 =	sadd.s32 s21, s3  }
0xa3: {  	[timem:s7], [sflag:s22] =	dma.local [hbm:s5], s20  }
0xa4: {  	_ =	swait.ge [sflag:s22], s20  }
0xa5: {  	s4 =	ssub.s32 $0x0, s20;
	[sflag:s22] =	ssyncset.done $0x0  }
0xa6: {  	[sflag:s22] =	ssyncadd.s32 s4;
	_ =	sdelay $0x1  }
0xa7: {  	s23 =	simm.s32 $0x1B8B  }
0xa8: {  	_ =	swait.ge [sflag:s23], $0x1  }
0xa9: {  	[sflag:s23] =	ssyncset.done $0x0  }
0xaa: {  	s25 =	simm.s32 $0x1B8E;
	s24 =	sld [smem:$0x3FFE];
	[sflag:s23] =	ssyncadd.s32 $0xFFFFFFFF  }
0xab: {  	s26 =	simm.s32 $execute0_lowered;
	[smem:$0x3FD2] =	sst s25  }
0xac: {  	s5 =	sshll.u32 s26, $0x1;
	_ =	strace $0x80000049;
	[dreg:$0x1] =	wrdreg $0xFFFFFFFF  }
0xad: {  	s28 =	simm.s32 $_size_execute0_lowered;
	s3 =	sadd.s32 s3, s5;
	[dreg:$0x0] =	wrdreg $0x0  }
0xae: {  	s5 =	sshll.u32 s28, $0x1;
	[dreg:$0x2] =	wrdreg s3  }
0xaf: {  	[dreg:$0x3] =	wrdreg s5  }
0xb0: {  	[dreg:$0x4] =	wrdreg $0xC0  }
0xb1: {  	_ =	task [dreg:s7], $0x5FFFF  }
0xb2: {  	[dreg:$0x1] =	wrdreg $0xFFFFFFFF  }
0xb3: {  	[dreg:$0x0] =	wrdreg $0x60  }
0xb4: {  	[dreg:$0x2] =	wrdreg s24  }
0xb5: {  	[dreg:$0x3] =	wrdreg s16  }
0xb6: {  	[dreg:$0x4] =	wrdreg $0x9  }
0xb7: {  	_ =	task.clear_ibuf [dreg:s7], $0x5FFFF;
	_ =	strace $0x90000049  }
0xb8: {  	s29 =	simm.s32 $0x9;
	_ =	strace $0x8000004B  }
0xb9: {  	_ =	swait.ge [sflag:s29], $0x1  }
0xba: {  	[sflag:s29] =	ssyncadd.s32 $0xFFFFFFFF  }
0xbb: {  	_ =	strace $0x9000004B  }
0xbc: {  	_ =	sfence  }
0xbd: {  	s30 =	sld [smem:$0x0];
	_ =	sdelay $0x2  }
0xbe: {  	s31 =	sshll.u32 s1, $0xD;
	s1 =	sshrl.u32 s1, $0x2  }
0xbf: {  	s3 =	sand.u32 $0x4000, s31;
	s1 =	sadd.s32 s1, s30  }
0xc0: {  	s0 =	sor.u32 s3, s0;
	s1 =	sshll.u32 s1, $0x11  }
0xc1: {  	s0 =	sor.u32 s1, s0  }
0xc2: {  	s0 =	sadd.s32 $0x8F2B, s0  }
0xc3: {  	[sflag:s0] =	ssyncadd.remote.s32 $0x1  }
0xc4: {  	_ =	sfence.sel $0xFFFF  }
0xc5: {  	[dreg:$0x0] =	wrdreg $0xFFFFFFFF;
	(pc) =	sbr.abs _section_cstart, $3  }
0xc6: {  	[dreg:$0x1] =	wrdreg $0xFFFFFFFF  }
0xc7: {  	_ =	task.clear_ibuf [dreg:s7], $0x2FFFF;
	_ =	strace $0x9FFFFFFF  }
0xc8: {  	(tm) =	ssettm $0x7FFFFFFF  }
0xc9: {  	_ =	shalt  }
tec
execute0_lowered:
.L_overlay_start_1:
0x0: {  	(tag) =	ssettag $0x1  }
0x1: {  	s3 =	rddreg [dreg:$0x0]  }
0x2: {  	s10 =	rddreg [dreg:$0x1]  }
0x3: {  	s0 =	rddreg [dreg:$0x2];
	s2 =	simm.s32 $0x0;
	s4 =	srdreg.scid  }
0x4: {  	s1 =	stileid.u32;
	s20 =	simm.s32 $0x5440;
	s21 =	simm.s32 $0x1  }
0x5: {  	s22 =	simm.s32 $0x5240;
	s23 =	simm.s32 $0x4E20;
	s24 =	simm.s32 $0x0  }
0x6: {  	[smem:$0x7FF] =	sst s2;
	s4 =	sand.u32 $0x1, s4;
	s5 =	sshll.u32 s1, $0x1  }
0x7: {  	s9 =	sadd.s32 $0xDDB000, s3;
	s11 =	sadd.s32 $0x18A00, s3;
	s12 =	sadd.s32 $0x19FA00, s3  }
0x8: {  	s13 =	sadd.s32 $0xE11000, s3;
	s14 =	sadd.s32 $0x19F800, s3;
	s8 =	sor.u32 s4, s5  }
0x9: {  	p0 =	sgt.u32 s1, $0x3;
	s4 =	ssub.s32 $0x2, s4;
	s5 =	smul.u32 $0x9C4, s8  }
0xa: {  	_ =	strace $0x8000004A;
	s6 =	sshrl.u32 s4, $0x1;
	s7 =	smul.u32 $0x9C40, s8  }
0xb: {  	s26 =	sshll.u32 s8, $0x3;
	s28 =	sshll.u32 s8, $0x6;
	s29 =	sshll.u32 s8, $0xA  }
0xc: {  	s16 =	sor.u32 $0x20, s8;
	s8 =	sshll.u32 s8, $0x1;
	s15 =	ssub.s32 s4, s6  }
0xd: {  	s4 =	sadd.s32 s10, s26;
	s6 =	sadd.s32 s12, s28;
	s17 =	smul.u32 $0x9C4, s16  }
0xe: {  	s18 =	sshll.u32 s16, $0x3;
	s19 =	smul.u32 $0x9C40, s16;
	s8 =	sadd.s32 s14, s8  }
0xf: {  	s30 =	sshll.u32 s16, $0x6;
	s31 =	sshll.u32 s16, $0xA;
	s16 =	sshll.u32 s16, $0x1  }
.Ltmp0:
0x10: {  	s3 =	sadd.s32 s9, s5;
	s5 =	sadd.s32 s11, s7;
	(pc) =	sbr.rel .LBB2_1-.Ltmp0, $4  }
0x11: {  	s7 =	sadd.s32 s13, s29;
	s10 =	sadd.s32 s10, s18;
	s12 =	sadd.s32 s12, s30  }
0x12: {  	s13 =	sadd.s32 s13, s31;
	s14 =	sadd.s32 s14, s16;
	s15 =	smax.u32 s15, $0x1  }
0x13: {  	s16 =	simm.s32 $0x2;
	s18 =	simm.s32 $0x200;
	s9 =	sadd.s32 s9, s17  }
0x14: {  	v0 =	vimm.s32 $0x0;
	v1 =	vlaneseq.u32;
	s11 =	sadd.s32 s11, s19;
	s17 =	simm.s32 $0x7440;
	s19 =	simm.s32 $0x5040  }
.LBB2_14:
0x15: {  	v3 =	vcvt.s32.f32 v2  }
0x16: {  	[tilespmem:s26+$0x5040] =	vst v2  }
0x17: {  	[tilespmem:s26+$0x5240] =	vst v3  }
0x18: {  	[tilespmem:s20], [sflag:$0x1] =	stream.indirect.gather [hbm4b:s11+s18], $0x10, s19, s18, $0xb8;
	[tilespmem:$0x7480] =	vst v63  }
0x19: {  	_ =	swait.ge [sflag:s21], $0x2000  }
0x1a: {  	[sflag:s21] =	ssyncset.done $0x0  }
0x1b: {  	[sflag:s21] =	ssyncadd.s32 $0xFFFFE000  }
0x1c: {  	[hbm4b:s12+s2] =	stream.linear.scatter [tilespmem:s22], [sflag:$0x2], $0x200, $0x38;
	[tilespmem:$0x7480] =	vst v63  }
0x1d: {  	_ =	swait.ge [sflag:s16], $0x200  }
0x1e: {  	[sflag:s16] =	ssyncset.done $0x0  }
0x1f: {  	[sflag:s16] =	ssyncadd.s32 $0xFFFFFE00  }
0x20: {  	[hbm4b:s13+s2] =	stream.linear.scatter [tilespmem:s20], [sflag:$0x2], $0x2000, $0x38;
	[tilespmem:$0x7480] =	vst v63  }
0x21: {  	_ =	swait.ge [sflag:s16], $0x2000  }
0x22: {  	[sflag:s16] =	ssyncset.done $0x0  }
0x23: {  	v2 =	vmov s25;
	[sflag:s16] =	ssyncadd.s32 $0xFFFFE000  }
0x24: {  	[tilespmem:$0x4E20] =	vst v2  }
0x25: {  	[hbm4b:s14+s2] =	stream.linear.scatter [tilespmem:s23], [sflag:$0x2], $0x10, $0x38;
	[tilespmem:$0x7480] =	vst v63  }
0x26: {  	_ =	swait.ge [sflag:s16], $0x10  }
0x27: {  	[sflag:s16] =	ssyncset.done $0x0  }
0x28: {  	[sflag:s16] =	ssyncadd.s32 $0xFFFFFFF0  }
.LBB2_15:
0x29: {  	s24 =	sadd.s32 $0x1, s24  }
0x2a: {  	p1 =	sne.s32 s24, s15  }
.Ltmp1:
0x2b: {  	_ = 	snop;
	(pc) =	sbr.rel @!p1 .LBB2_16-.Ltmp1, $1  }
0x2c: {  	_ =	sdelay $0x3  }
.LBB2_1:
0x2d: {  	[tilespmem:s2], [sflag:$0x2] =	stream.linear.gather [hbm4b:s3+s2], $0x4E20, $0x38;
	[tilespmem:$0x7480] =	vst v63  }
0x2e: {  	_ =	swait.ge [sflag:s16], $0x4E20  }
0x2f: {  	[sflag:s16] =	ssyncset.done $0x0  }
0x30: {  	[sflag:s16] =	ssyncadd.s32 $0xFFFFB1E0  }
0x31: {  	[tilespmem:s17], [sflag:$0x2] =	stream.linear.gather [hbm4b:s4+s2], $0x40, $0x38;
	[tilespmem:$0x7480] =	vst v63  }
0x32: {  	_ =	swait.ge [sflag:s16], $0x40  }
0x33: {  	[sflag:s16] =	ssyncset.done $0x0  }
0x34: {  	[sflag:s16] =	ssyncadd.s32 $0xFFFFFFC0  }
0x35: {  	[tilespmem:$0x4E20] =	vst v0  }
0x36: {  	[tilespmem:$0x4E30] =	vst v0  }
0x37: {  	[tilespmem:$0x4E40] =	vst v0  }
0x38: {  	[tilespmem:$0x4E50] =	vst v0  }
0x39: {  	[tilespmem:$0x4E60] =	vst v0  }
0x3a: {  	[tilespmem:$0x4E70] =	vst v0  }
0x3b: {  	[tilespmem:$0x4E80] =	vst v0  }
0x3c: {  	[tilespmem:$0x4E90] =	vst v0  }
0x3d: {  	[tilespmem:$0x4EA0] =	vst v0  }
0x3e: {  	[tilespmem:$0x4EB0] =	vst v0  }
0x3f: {  	[tilespmem:$0x4EC0] =	vst v0  }
0x40: {  	[tilespmem:$0x4ED0] =	vst v0  }
0x41: {  	[tilespmem:$0x4EE0] =	vst v0  }
0x42: {  	[tilespmem:$0x4EF0] =	vst v0  }
0x43: {  	[tilespmem:$0x4F00] =	vst v0  }
0x44: {  	[tilespmem:$0x4F10] =	vst v0  }
0x45: {  	[tilespmem:$0x4F20] =	vst v0  }
0x46: {  	[tilespmem:$0x4F30] =	vst v0  }
0x47: {  	[tilespmem:$0x4F40] =	vst v0  }
0x48: {  	[tilespmem:$0x4F50] =	vst v0  }
0x49: {  	[tilespmem:$0x4F60] =	vst v0  }
0x4a: {  	[tilespmem:$0x4F70] =	vst v0  }
0x4b: {  	[tilespmem:$0x4F80] =	vst v0  }
0x4c: {  	[tilespmem:$0x4F90] =	vst v0  }
0x4d: {  	[tilespmem:$0x4FA0] =	vst v0  }
0x4e: {  	[tilespmem:$0x4FB0] =	vst v0  }
0x4f: {  	[tilespmem:$0x4FC0] =	vst v0  }
0x50: {  	[tilespmem:$0x4FD0] =	vst v0  }
0x51: {  	[tilespmem:$0x4FE0] =	vst v0  }
0x52: {  	[tilespmem:$0x4FF0] =	vst v0  }
0x53: {  	[tilespmem:$0x5000] =	vst v0  }
0x54: {  	[tilespmem:$0x5010] =	vst v0  }
0x55: {  	v2 =	vld [tilespmem:$0x7450];
	[tilespmem:$0x5020] =	vst v0  }
0x56: {  	v3 =	vld [tilespmem:$0x7460];
	[tilespmem:$0x5030] =	vst v0  }
0x57: {  	v4 =	vld [tilespmem:s2+$0x0];
	_ =	sdelay $0x1  }
0x58: {  	v5 =	vld [tilespmem:$0x7440];
	_ =	sdelay $0x1  }
0x59: {  	v6 =	vor.u32 s2, v1  }
0x5a: {  	vm1 =	vge.s32 v6, v3;
	vm0 =	veq.s32 v4, v2  }
0x5b: {  	vm2 =	vlt.s32 v4, v2;
	vm0 =	vmand vm1, vm0  }
0x5c: {  	vm15 =	vgt.s32 v4, v5;
	vm0 =	vmor vm2, vm0  }
0x5d: {  	vm0 =	vmand vm15, vm0  }
0x5e: {  	v4 =	vsel vm0, $0x1, v0  }
0x5f: {  	(xrf0) =	vadd.scan.msk.s32 $0xffff, v4;
	_ =	sdelay $0x5  }
0x60: {  	v4 =	vld [tilespmem:$0x7470];
	[tilespmem:s2+$0x4E20] =	vst.msk vm0, v6;
	v6, _, _ =	vpop (xrf0)  }
0x61: {  	s26 =	simm.s32 $0x10;
	(v2sf) =	vpush v6, $0xF  }
0x62: {  	s28 =	simm.s32 $0x20;
	s25 =	simm.s32 $0x0;
	s29 =	simm.s32 $0x10;
	v6 =	vld [tilespmem:s26+$0x0]  }
.LBB2_2:
0x63: {  	p1 =	sne.s32 s28, $0x4E10;
	_ =	sdelay $0x2  }
0x64: {  	v7 =	vor.u32 s26, v1;
	s26 =	smov.u32 s28  }
0x65: {  	vm1 =	vge.s32 v7, v3;
	vm0 =	veq.s32 v6, v2  }
0x66: {  	vm2 =	vlt.s32 v6, v2;
	vm0 =	vmand vm1, vm0  }
0x67: {  	vm1 =	vgt.s32 v6, v5;
	vm0 =	vmor vm2, vm0  }
0x68: {  	vm0 =	vmand vm1, vm0  }
0x69: {  	v6 =	vsel vm0, $0x1, v0  }
0x6a: {  	(xrf0) =	vadd.scan.msk.s32 $0xffff, v6;
	_ =	sdelay $0x3  }
.Ltmp2:
0x6b: {  	s30 =	spop (v2sf);
	(pc) =	sbr.rel @p1 .LBB2_2-.Ltmp2, $4  }
0x6c: {  	s25 =	sadd.s32 s25, s30  }
0x6d: {  	[tilespmem:s25+$0x4E20] =	vst.msk vm0, v7;
	v6, _, _ =	vpop (xrf0)  }
0x6e: {  	s29 =	sadd.s32 $0x10, s29;
	(v2sf) =	vpush v6, $0xF  }
0x6f: {  	s28 =	sadd.s32 $0x10, s28;
	v6 =	vld [tilespmem:s29+$0x0]  }
0x70: {  	_ =	sdelay $0x2  }
0x71: {  	v7 =	vor.u32 s26, v1  }
0x72: {  	vm1 =	vge.s32 v7, v3;
	vm0 =	veq.s32 v6, v2  }
0x73: {  	vm2 =	vlt.s32 v6, v2;
	vm0 =	vmand vm1, vm0  }
0x74: {  	vm1 =	vgt.s32 v6, v5;
	vm0 =	vmor vm2, vm0  }
0x75: {  	vm0 =	vmand vm1, vm0  }
0x76: {  	v6 =	vsel vm0, $0x1, v0  }
0x77: {  	(xrf0) =	vadd.scan.msk.s32 $0xffff, v6;
	_ =	sdelay $0x4  }
0x78: {  	s31 =	spop (v2sf)  }
0x79: {  	s25 =	sadd.s32 s25, s31;
	v6, _, _ =	vpop (xrf0)  }
0x7a: {  	s31 =	simm.s32 $0x0;
	[tilespmem:s25+$0x4E20] =	vst.msk vm0, v7;
	(v2sf) =	vpush v6, $0xF  }
0x7b: {  	v6 =	vld [tilespmem:s31+$0x0];
	_ =	sdelay $0x3  }
0x7c: {  	v7 =	vor.u32 s31, v1  }
0x7d: {  	vm2 =	vge.s32 v7, v3;
	vm0 =	vgt.s32 v6, $0x3D4CCCCD;
	vm1 =	veq.s32 v6, v2  }
0x7e: {  	vm3 =	veq.s32 v6, v5;
	vm4 =	vlt.s32 v6, v2;
	vm1 =	vmand vm2, vm1  }
0x7f: {  	vm0 =	vmand vm0, vm3;
	vm1 =	vmor vm4, vm1  }
0x80: {  	vm0 =	vmand vm0, vm1  }
0x81: {  	v6 =	vsel vm0, $0x1, v0  }
0x82: {  	(xrf0) =	vadd.scan.msk.s32 $0xffff, v6;
	_ =	sdelay $0x3  }
0x83: {  	s31 =	spop (v2sf)  }
0x84: {  	s25 =	sadd.s32 s25, s31  }
0x85: {  	v6, _, _ =	vpop (xrf0);
	s26 =	ssub.s32 s25, s25  }
0x86: {  	v6 =	vadd.s32 s26, v6  }
0x87: {  	vm1 =	vle.s32 v6, v4  }
0x88: {  	vm0 =	vmand vm0, vm1  }
0x89: {  	v6 =	vsel vm0, $0x1, v0  }
0x8a: {  	(xrf0) =	vadd.scan.msk.s32 $0xffff, v6;
	_ =	sdelay $0x5  }
0x8b: {  	v6, _, _ =	vpop (xrf0)  }
0x8c: {  	s26 =	simm.s32 $0x10;
	[tilespmem:s25+$0x4E20] =	vst.msk vm0, v7;
	(v2sf) =	vpush v6, $0xF  }
0x8d: {  	v7 =	vld [tilespmem:s26+$0x0];
	_ =	sdelay $0x3  }
0x8e: {  	v6 =	vor.u32 s26, v1  }
0x8f: {  	s28 =	simm.s32 $0x20;
	s30 =	simm.s32 $0x30;
	s29 =	smov.u32 s25;
	vm0 =	vgt.s32 v7, $0x3D4CCCCD;
	vm1 =	veq.s32 v7, v2;
	vm2 =	vge.s32 v6, v3  }
.LBB2_4:
0x90: {  	p1 =	sne.s32 s30, $0x4E10;
	vm3 =	veq.s32 v7, v5;
	vm4 =	vlt.s32 v7, v2;
	vm1 =	vmand vm2, vm1  }
0x91: {  	vm0 =	vmand vm0, vm3;
	vm1 =	vmor vm4, vm1  }
0x92: {  	vm0 =	vmand vm0, vm1  }
0x93: {  	v7 =	vsel vm0, $0x1, v0  }
0x94: {  	(xrf0) =	vadd.scan.msk.s32 $0xffff, v7;
	_ =	sdelay $0x3  }
0x95: {  	s31 =	spop (v2sf)  }
0x96: {  	s29 =	sadd.s32 s29, s31  }
0x97: {  	s31 =	ssub.s32 s29, s25;
	v7, _, _ =	vpop (xrf0)  }
0x98: {  	v7 =	vadd.s32 s31, v7  }
0x99: {  	vm1 =	vle.s32 v7, v4  }
0x9a: {  	vm0 =	vmand vm0, vm1  }
0x9b: {  	[tilespmem:s29+$0x4E20] =	vst.msk vm0, v6;
	v6 =	vsel vm0, $0x1, v0  }
0x9c: {  	(xrf0) =	vadd.scan.msk.s32 $0xffff, v6;
	_ =	sdelay $0x5  }
0x9d: {  	v6, _, _ =	vpop (xrf0)  }
0x9e: {  	s26 =	sadd.s32 $0x10, s26;
	(v2sf) =	vpush v6, $0xF  }
0x9f: {  	v7 =	vld [tilespmem:s26+$0x0]  }
.Ltmp3:
0xa0: {  	(pc) =	sbr.rel @p1 .LBB2_4-.Ltmp3, $3  }
0xa1: {  	_ =	sdelay $0x1  }
0xa2: {  	v6 =	vor.u32 s28, v1;
	s28 =	smov.u32 s30  }
0xa3: {  	s30 =	sadd.s32 $0x10, s30;
	vm2 =	vge.s32 v6, v3;
	vm0 =	vgt.s32 v7, $0x3D4CCCCD;
	vm1 =	veq.s32 v7, v2  }
0xa4: {  	vm3 =	veq.s32 v7, v5;
	vm4 =	vlt.s32 v7, v2;
	vm1 =	vmand vm2, vm1  }
0xa5: {  	vm0 =	vmand vm0, vm3;
	vm1 =	vmor vm4, vm1  }
0xa6: {  	vm0 =	vmand vm0, vm1  }
0xa7: {  	v61 =	vsel vm0, $0x1, v0  }
0xa8: {  	(xrf0) =	vadd.scan.msk.s32 $0xffff, v61;
	_ =	sdelay $0x3  }
0xa9: {  	s30 =	spop (v2sf)  }
0xaa: {  	s29 =	sadd.s32 s29, s30  }
0xab: {  	s30 =	ssub.s32 s29, s25;
	v7, _, _ =	vpop (xrf0)  }
0xac: {  	v7 =	vadd.s32 s30, v7  }
0xad: {  	vm9 =	vle.s32 v7, v4  }
0xae: {  	vm0 =	vmand vm0, vm9  }
0xaf: {  	v62 =	vsel vm0, $0x1, v0  }
0xb0: {  	(xrf0) =	vadd.scan.msk.s32 $0xffff, v62;
	_ =	sdelay $0x5  }
0xb1: {  	v7, _, _ =	vpop (xrf0)  }
0xb2: {  	s26 =	sadd.s32 $0x10, s26;
	[tilespmem:s29+$0x4E20] =	vst.msk vm0, v6;
	(v2sf) =	vpush v7, $0xF  }
0xb3: {  	v6 =	vld [tilespmem:s26+$0x0];
	_ =	sdelay $0x3  }
0xb4: {  	v63 =	vor.u32 s28, v1  }
0xb5: {  	vm12 =	vge.s32 v63, v3;
	vm10 =	vgt.s32 v6, $0x3D4CCCCD;
	vm11 =	veq.s32 v6, v2  }
0xb6: {  	vm13 =	veq.s32 v6, v5;
	vm14 =	vlt.s32 v6, v2;
	vm1 =	vmand vm12, vm11  }
0xb7: {  	vm0 =	vmand vm10, vm13;
	vm1 =	vmor vm14, vm1  }
0xb8: {  	vm0 =	vmand vm0, vm1  }
0xb9: {  	v2 =	vsel vm0, $0x1, v0  }
0xba: {  	(xrf0) =	vadd.scan.msk.s32 $0xffff, v2;
	_ =	sdelay $0x3  }
0xbb: {  	s31 =	spop (v2sf)  }
0xbc: {  	s28 =	sadd.s32 s29, s31  }
0xbd: {  	v2, _, _ =	vpop (xrf0);
	s30 =	ssub.s32 s28, s25  }
0xbe: {  	v2 =	vadd.s32 s30, v2  }
0xbf: {  	vm15 =	vle.s32 v2, v4  }
0xc0: {  	vm0 =	vmand vm0, vm15  }
0xc1: {  	v2 =	vsel vm0, $0x1, v0  }
0xc2: {  	(xrf0) =	vadd.scan.msk.s32 $0xffff, v2;
	_ =	sdelay $0x5  }
0xc3: {  	v2, _, _ =	vpop (xrf0)  }
0xc4: {  	(v2sf) =	vpush v2, $0xF;
	_ =	sdelay $0xd  }
0xc5: {  	s26 =	simm.s32 $0x0;
	[tilespmem:s28+$0x4E20] =	vst.msk vm0, v63  }
0xc6: {  	v2 =	vld [tilespmem:s26+$0x4E20];
	s31 =	spop (v2sf)  }
0xc7: {  	s25 =	sadd.s32 s28, s31;
	s28 =	simm.s32 $0x40  }
.LBB2_6:
0xc8: {  	p1 =	sne.s32 s28, $0x7C0  }
.Ltmp4:
0xc9: {  	_ = 	snop;
	(pc) =	sbr.rel @p1 .LBB2_6-.Ltmp4, $4  }
0xca: {  	_ = 	snop  }
0xcb: {  	s29 =	sshra.s32 s28, $0x2;
	s28 =	sadd.s32 $0x40, s28;
	v3 =	vcvt.s32.f32 v2;
	[tilespmem:s26+$0x5040] =	vst v2  }
0xcc: {  	v2 =	vld [tilespmem:s29+$0x4E20]  }
0xcd: {  	[tilespmem:s26+$0x5240] =	vst v3;
	s26 =	smov.u32 s29  }
0xce: {  	_ =	sdelay $0x2  }
0xcf: {  	v3 =	vcvt.s32.f32 v2  }
0xd0: {  	[tilespmem:s26+$0x5040] =	vst v2  }
0xd1: {  	[tilespmem:s26+$0x5240] =	vst v3  }
0xd2: {  	[tilespmem:s20], [sflag:$0x1] =	stream.indirect.gather [hbm4b:s5+s18], $0x10, s19, s18, $0xb8;
	[tilespmem:$0x7480] =	vst v63  }
0xd3: {  	_ =	swait.ge [sflag:s21], $0x2000  }
0xd4: {  	[sflag:s21] =	ssyncset.done $0x0  }
0xd5: {  	[sflag:s21] =	ssyncadd.s32 $0xFFFFE000  }
0xd6: {  	[hbm4b:s6+s2] =	stream.linear.scatter [tilespmem:s22], [sflag:$0x2], $0x200, $0x38;
	[tilespmem:$0x7480] =	vst v63  }
0xd7: {  	_ =	swait.ge [sflag:s16], $0x200  }
0xd8: {  	[sflag:s16] =	ssyncset.done $0x0  }
0xd9: {  	[sflag:s16] =	ssyncadd.s32 $0xFFFFFE00  }
0xda: {  	[hbm4b:s7+s2] =	stream.linear.scatter [tilespmem:s20], [sflag:$0x2], $0x2000, $0x38;
	[tilespmem:$0x7480] =	vst v63  }
0xdb: {  	_ =	swait.ge [sflag:s16], $0x2000  }
0xdc: {  	[sflag:s16] =	ssyncset.done $0x0  }
0xdd: {  	v2 =	vmov s25;
	[sflag:s16] =	ssyncadd.s32 $0xFFFFE000  }
.Ltmp5:
0xde: {  	[tilespmem:$0x4E20] =	vst v2;
	(pc) =	sbr.rel @p0 .LBB2_15-.Ltmp5, $4  }
0xdf: {  	[hbm4b:s8+s2] =	stream.linear.scatter [tilespmem:s23], [sflag:$0x2], $0x10, $0x38;
	[tilespmem:$0x7480] =	vst v63  }
0xe0: {  	_ =	swait.ge [sflag:s16], $0x10  }
0xe1: {  	[sflag:s16] =	ssyncset.done $0x0  }
0xe2: {  	[sflag:s16] =	ssyncadd.s32 $0xFFFFFFF0  }
0xe3: {  	s25 =	simm.s32 $0x0  }
0xe4: {  	[tilespmem:s25], [sflag:$0x2] =	stream.linear.gather [hbm4b:s9+s25], $0x4E20, $0x38;
	[tilespmem:$0x7480] =	vst v63  }
0xe5: {  	_ =	swait.ge [sflag:s16], $0x4E20  }
0xe6: {  	[sflag:s16] =	ssyncset.done $0x0  }
0xe7: {  	[sflag:s16] =	ssyncadd.s32 $0xFFFFB1E0  }
0xe8: {  	[tilespmem:s17], [sflag:$0x2] =	stream.linear.gather [hbm4b:s10+s25], $0x40, $0x38;
	[tilespmem:$0x7480] =	vst v63  }
0xe9: {  	_ =	swait.ge [sflag:s16], $0x40  }
0xea: {  	[sflag:s16] =	ssyncset.done $0x0  }
0xeb: {  	[sflag:s16] =	ssyncadd.s32 $0xFFFFFFC0  }
0xec: {  	[tilespmem:$0x4E20] =	vst v0  }
0xed: {  	[tilespmem:$0x4E30] =	vst v0  }
0xee: {  	[tilespmem:$0x4E40] =	vst v0  }
0xef: {  	[tilespmem:$0x4E50] =	vst v0  }
0xf0: {  	[tilespmem:$0x4E60] =	vst v0  }
0xf1: {  	[tilespmem:$0x4E70] =	vst v0  }
0xf2: {  	[tilespmem:$0x4E80] =	vst v0  }
0xf3: {  	[tilespmem:$0x4E90] =	vst v0  }
0xf4: {  	[tilespmem:$0x4EA0] =	vst v0  }
0xf5: {  	[tilespmem:$0x4EB0] =	vst v0  }
0xf6: {  	[tilespmem:$0x4EC0] =	vst v0  }
0xf7: {  	[tilespmem:$0x4ED0] =	vst v0  }
0xf8: {  	[tilespmem:$0x4EE0] =	vst v0  }
0xf9: {  	[tilespmem:$0x4EF0] =	vst v0  }
0xfa: {  	[tilespmem:$0x4F00] =	vst v0  }
0xfb: {  	[tilespmem:$0x4F10] =	vst v0  }
0xfc: {  	[tilespmem:$0x4F20] =	vst v0  }
0xfd: {  	[tilespmem:$0x4F30] =	vst v0  }
0xfe: {  	[tilespmem:$0x4F40] =	vst v0  }
0xff: {  	[tilespmem:$0x4F50] =	vst v0  }
0x100: {  	[tilespmem:$0x4F60] =	vst v0  }
0x101: {  	[tilespmem:$0x4F70] =	vst v0  }
0x102: {  	[tilespmem:$0x4F80] =	vst v0  }
0x103: {  	[tilespmem:$0x4F90] =	vst v0  }
0x104: {  	[tilespmem:$0x4FA0] =	vst v0  }
0x105: {  	[tilespmem:$0x4FB0] =	vst v0  }
0x106: {  	[tilespmem:$0x4FC0] =	vst v0  }
0x107: {  	[tilespmem:$0x4FD0] =	vst v0  }
0x108: {  	[tilespmem:$0x4FE0] =	vst v0  }
0x109: {  	[tilespmem:$0x4FF0] =	vst v0  }
0x10a: {  	[tilespmem:$0x5000] =	vst v0  }
0x10b: {  	[tilespmem:$0x5010] =	vst v0  }
0x10c: {  	v2 =	vld [tilespmem:$0x7450];
	[tilespmem:$0x5020] =	vst v0  }
0x10d: {  	v3 =	vld [tilespmem:$0x7460];
	[tilespmem:$0x5030] =	vst v0  }
0x10e: {  	v4 =	vld [tilespmem:s25+$0x0];
	_ =	sdelay $0x1  }
0x10f: {  	v5 =	vld [tilespmem:$0x7440];
	_ =	sdelay $0x1  }
0x110: {  	v6 =	vor.u32 s25, v1  }
0x111: {  	vm0 =	vge.s32 v6, v3;
	vm1 =	veq.s32 v4, v2  }
0x112: {  	vm2 =	vlt.s32 v4, v2;
	vm1 =	vmand vm0, vm1  }
0x113: {  	vm3 =	vgt.s32 v4, v5;
	vm1 =	vmor vm2, vm1  }
0x114: {  	vm1 =	vmand vm3, vm1  }
0x115: {  	v4 =	vsel vm1, $0x1, v0  }
0x116: {  	(xrf0) =	vadd.scan.msk.s32 $0xffff, v4;
	_ =	sdelay $0x5  }
0x117: {  	v7, _, _ =	vpop (xrf0)  }
0x118: {  	s28 =	simm.s32 $0x10;
	v4 =	vld [tilespmem:$0x7470];
	[tilespmem:s25+$0x4E20] =	vst.msk vm1, v6;
	(v2sf) =	vpush v7, $0xF  }
0x119: {  	s29 =	simm.s32 $0x20;
	s26 =	simm.s32 $0x0;
	s30 =	simm.s32 $0x10;
	v7 =	vld [tilespmem:s28+$0x0]  }
.LBB2_9:
0x11a: {  	p1 =	sne.s32 s29, $0x4E10;
	_ =	sdelay $0x2  }
0x11b: {  	v8 =	vor.u32 s28, v1;
	s28 =	smov.u32 s29  }
0x11c: {  	vm2 =	vge.s32 v8, v3;
	vm1 =	veq.s32 v7, v2  }
0x11d: {  	vm3 =	vlt.s32 v7, v2;
	vm1 =	vmand vm2, vm1  }
0x11e: {  	vm2 =	vgt.s32 v7, v5;
	vm1 =	vmor vm3, vm1  }
0x11f: {  	vm1 =	vmand vm2, vm1  }
0x120: {  	v7 =	vsel vm1, $0x1, v0  }
0x121: {  	(xrf0) =	vadd.scan.msk.s32 $0xffff, v7;
	_ =	sdelay $0x3  }
.Ltmp6:
0x122: {  	s31 =	spop (v2sf);
	(pc) =	sbr.rel @p1 .LBB2_9-.Ltmp6, $4  }
0x123: {  	s26 =	sadd.s32 s26, s31  }
0x124: {  	[tilespmem:s26+$0x4E20] =	vst.msk vm1, v8;
	v7, _, _ =	vpop (xrf0)  }
0x125: {  	s30 =	sadd.s32 $0x10, s30;
	(v2sf) =	vpush v7, $0xF  }
0x126: {  	s29 =	sadd.s32 $0x10, s29;
	v7 =	vld [tilespmem:s30+$0x0]  }
0x127: {  	_ =	sdelay $0x2  }
0x128: {  	v8 =	vor.u32 s28, v1  }
0x129: {  	vm2 =	vge.s32 v8, v3;
	vm1 =	veq.s32 v7, v2  }
0x12a: {  	vm3 =	vlt.s32 v7, v2;
	vm1 =	vmand vm2, vm1  }
0x12b: {  	vm2 =	vgt.s32 v7, v5;
	vm1 =	vmor vm3, vm1  }
0x12c: {  	vm1 =	vmand vm2, vm1  }
0x12d: {  	v7 =	vsel vm1, $0x1, v0  }
0x12e: {  	(xrf0) =	vadd.scan.msk.s32 $0xffff, v7;
	_ =	sdelay $0x4  }
0x12f: {  	s28 =	spop (v2sf)  }
0x130: {  	s26 =	sadd.s32 s26, s28;
	v7, _, _ =	vpop (xrf0)  }
0x131: {  	[tilespmem:s26+$0x4E20] =	vst.msk vm1, v8;
	(v2sf) =	vpush v7, $0xF  }
0x132: {  	v7 =	vld [tilespmem:s25+$0x0];
	_ =	sdelay $0x4  }
0x133: {  	vm1 =	vgt.s32 v7, $0x3D4CCCCD;
	vm2 =	veq.s32 v7, v2  }
0x134: {  	vm3 =	veq.s32 v7, v5;
	vm4 =	vlt.s32 v7, v2;
	vm0 =	vmand vm0, vm2  }
0x135: {  	vm1 =	vmand vm1, vm3;
	vm0 =	vmor vm4, vm0  }
0x136: {  	vm0 =	vmand vm1, vm0  }
0x137: {  	v7 =	vsel vm0, $0x1, v0  }
0x138: {  	(xrf0) =	vadd.scan.msk.s32 $0xffff, v7;
	_ =	sdelay $0x3  }
0x139: {  	s31 =	spop (v2sf)  }
0x13a: {  	s25 =	sadd.s32 s26, s31  }
0x13b: {  	v7, _, _ =	vpop (xrf0);
	s26 =	ssub.s32 s25, s25  }
0x13c: {  	v7 =	vadd.s32 s26, v7  }
0x13d: {  	vm1 =	vle.s32 v7, v4  }
0x13e: {  	vm0 =	vmand vm0, vm1  }
0x13f: {  	v7 =	vsel vm0, $0x1, v0  }
0x140: {  	(xrf0) =	vadd.scan.msk.s32 $0xffff, v7;
	_ =	sdelay $0x5  }
0x141: {  	[tilespmem:s25+$0x4E20] =	vst.msk vm0, v6;
	v6, _, _ =	vpop (xrf0)  }
0x142: {  	s26 =	simm.s32 $0x10;
	(v2sf) =	vpush v6, $0xF  }
0x143: {  	v7 =	vld [tilespmem:s26+$0x0];
	_ =	sdelay $0x3  }
0x144: {  	v6 =	vor.u32 s26, v1  }
0x145: {  	s30 =	simm.s32 $0x30;
	s28 =	simm.s32 $0x20;
	s29 =	smov.u32 s25;
	vm0 =	vgt.s32 v7, $0x3D4CCCCD;
	vm1 =	veq.s32 v7, v2;
	vm2 =	vge.s32 v6, v3  }
.LBB2_11:
0x146: {  	p1 =	sne.s32 s30, $0x4E10;
	vm3 =	veq.s32 v7, v5;
	vm4 =	vlt.s32 v7, v2;
	vm1 =	vmand vm2, vm1  }
0x147: {  	vm0 =	vmand vm0, vm3;
	vm1 =	vmor vm4, vm1  }
0x148: {  	vm0 =	vmand vm0, vm1  }
0x149: {  	v7 =	vsel vm0, $0x1, v0  }
0x14a: {  	(xrf0) =	vadd.scan.msk.s32 $0xffff, v7;
	_ =	sdelay $0x3  }
0x14b: {  	s31 =	spop (v2sf)  }
0x14c: {  	s29 =	sadd.s32 s29, s31  }
0x14d: {  	s31 =	ssub.s32 s29, s25;
	v7, _, _ =	vpop (xrf0)  }
0x14e: {  	v7 =	vadd.s32 s31, v7  }
0x14f: {  	vm1 =	vle.s32 v7, v4  }
0x150: {  	vm0 =	vmand vm0, vm1  }
0x151: {  	[tilespmem:s29+$0x4E20] =	vst.msk vm0, v6;
	v6 =	vsel vm0, $0x1, v0  }
0x152: {  	(xrf0) =	vadd.scan.msk.s32 $0xffff, v6;
	_ =	sdelay $0x5  }
0x153: {  	v6, _, _ =	vpop (xrf0)  }
0x154: {  	s26 =	sadd.s32 $0x10, s26;
	(v2sf) =	vpush v6, $0xF  }
0x155: {  	v7 =	vld [tilespmem:s26+$0x0]  }
.Ltmp7:
0x156: {  	(pc) =	sbr.rel @p1 .LBB2_11-.Ltmp7, $3  }
0x157: {  	_ =	sdelay $0x1  }
0x158: {  	v6 =	vor.u32 s28, v1;
	s28 =	smov.u32 s30  }
0x159: {  	s30 =	sadd.s32 $0x10, s30;
	vm2 =	vge.s32 v6, v3;
	vm0 =	vgt.s32 v7, $0x3D4CCCCD;
	vm1 =	veq.s32 v7, v2  }
0x15a: {  	vm3 =	veq.s32 v7, v5;
	vm4 =	vlt.s32 v7, v2;
	vm1 =	vmand vm2, vm1  }
0x15b: {  	vm0 =	vmand vm0, vm3;
	vm1 =	vmor vm4, vm1  }
0x15c: {  	vm0 =	vmand vm0, vm1  }
0x15d: {  	v61 =	vsel vm0, $0x1, v0  }
0x15e: {  	(xrf0) =	vadd.scan.msk.s32 $0xffff, v61;
	_ =	sdelay $0x3  }
0x15f: {  	s30 =	spop (v2sf)  }
0x160: {  	s29 =	sadd.s32 s29, s30  }
0x161: {  	s30 =	ssub.s32 s29, s25;
	v7, _, _ =	vpop (xrf0)  }
0x162: {  	v7 =	vadd.s32 s30, v7  }
0x163: {  	vm9 =	vle.s32 v7, v4  }
0x164: {  	vm0 =	vmand vm0, vm9  }
0x165: {  	v62 =	vsel vm0, $0x1, v0  }
0x166: {  	(xrf0) =	vadd.scan.msk.s32 $0xffff, v62;
	_ =	sdelay $0x5  }
0x167: {  	v7, _, _ =	vpop (xrf0)  }
0x168: {  	s26 =	sadd.s32 $0x10, s26;
	[tilespmem:s29+$0x4E20] =	vst.msk vm0, v6;
	(v2sf) =	vpush v7, $0xF  }
0x169: {  	v6 =	vld [tilespmem:s26+$0x0];
	_ =	sdelay $0x3  }
0x16a: {  	v63 =	vor.u32 s28, v1  }
0x16b: {  	vm12 =	vge.s32 v63, v3;
	vm10 =	vgt.s32 v6, $0x3D4CCCCD;
	vm11 =	veq.s32 v6, v2  }
0x16c: {  	vm13 =	veq.s32 v6, v5;
	vm14 =	vlt.s32 v6, v2;
	vm1 =	vmand vm12, vm11  }
0x16d: {  	vm0 =	vmand vm10, vm13;
	vm1 =	vmor vm14, vm1  }
0x16e: {  	vm0 =	vmand vm0, vm1  }
0x16f: {  	v2 =	vsel vm0, $0x1, v0  }
0x170: {  	(xrf0) =	vadd.scan.msk.s32 $0xffff, v2;
	_ =	sdelay $0x3  }
0x171: {  	s31 =	spop (v2sf)  }
0x172: {  	s28 =	sadd.s32 s29, s31  }
0x173: {  	v2, _, _ =	vpop (xrf0);
	s30 =	ssub.s32 s28, s25  }
0x174: {  	v2 =	vadd.s32 s30, v2  }
0x175: {  	vm15 =	vle.s32 v2, v4  }
0x176: {  	vm0 =	vmand vm0, vm15  }
0x177: {  	v2 =	vsel vm0, $0x1, v0  }
0x178: {  	(xrf0) =	vadd.scan.msk.s32 $0xffff, v2;
	_ =	sdelay $0x5  }
0x179: {  	v2, _, _ =	vpop (xrf0)  }
0x17a: {  	(v2sf) =	vpush v2, $0xF;
	_ =	sdelay $0xd  }
0x17b: {  	s26 =	simm.s32 $0x0;
	[tilespmem:s28+$0x4E20] =	vst.msk vm0, v63  }
0x17c: {  	v2 =	vld [tilespmem:s26+$0x4E20];
	s31 =	spop (v2sf)  }
0x17d: {  	s25 =	sadd.s32 s28, s31;
	s28 =	simm.s32 $0x40  }
.LBB2_13:
0x17e: {  	p1 =	sne.s32 s28, $0x7C0  }
.Ltmp8:
0x17f: {  	_ = 	snop;
	(pc) =	sbr.rel @p1 .LBB2_13-.Ltmp8, $4  }
0x180: {  	_ = 	snop  }
0x181: {  	s29 =	sshra.s32 s28, $0x2;
	s28 =	sadd.s32 $0x40, s28;
	v3 =	vcvt.s32.f32 v2;
	[tilespmem:s26+$0x5040] =	vst v2  }
0x182: {  	v2 =	vld [tilespmem:s29+$0x4E20]  }
0x183: {  	[tilespmem:s26+$0x5240] =	vst v3;
	s26 =	smov.u32 s29  }
.Ltmp9:
0x184: {  	_ = 	snop;
	(pc) =	sbr.rel .LBB2_14-.Ltmp9, $1  }
0x185: {  	_ =	sdelay $0x3  }
.LBB2_16:
0x186: {  	_ =	sfence.sel $0x180000  }
0x187: {  	[bflag:$0x0] =	sbarrier.arrive $0xFFFF  }
0x188: {  	p0 =	sne.s32 s1, $0x0;
	_ =	strace $0x9000004A  }
0x189: {  	s0 =	sadd.s32 @!p0 $0x100000, s0;
	[bflag:$0x2] =	sbarrier.arrive $0xFFFF  }
0x18a: {  	[sflag:s0] =	ssyncadd.tile.s32 @!p0 $0x1;
	_ =	shalt  }
.Lfunc_end2:
_tile_overlayer_lowered:
.L_overlay_start_2:
0x18b: {  	(tag) =	ssettag $0x2  }
0x18c: {  	s0 =	rddreg [dreg:$0x0];
	s2 =	stileid.u32  }
0x18d: {  	s1 =	rddreg [dreg:$0x1];
	p0 =	sne.s32 s2, $0x0  }
0x18e: {  	s3 =	rddreg [dreg:$0x2];
	[bflag:$0x3] =	sbarrier.arrive $0xFFFF;
	s2 =	simm.s32 @!p0 $0x1C02  }
0x18f: {  	[timem:s3], [sflag:s2] =	dma.local @!p0 [hbm:s0], s1  }
0x190: {  	s0 =	simm.s32 @!p0 $0x2  }
0x191: {  	_ =	swait.ge @!p0 [sflag:s0], s1  }
0x192: {  	s1 =	ssub.s32 @!p0 $0x0, s1;
	[sflag:s0] =	ssyncset.done @!p0 $0x0  }
0x193: {  	[sflag:s0] =	ssyncadd.s32 @!p0 s1  }
0x194: {  	[bflag:$0x3] =	sbarrier.arrive $0xFFFF  }
0x195: {  	_ =	shalt  }

// kernel: sparse-core-data-format-call.cloned.1.call-start
scs
called_computation_lowered:
.L_overlay_start_0:
0x0: {  	s1 =	sld [smem:$0x3FD9]  }
0x1: {  	s2 =	sld [smem:$0x3FFE];
	_ =	sdelay $0x1  }
0x2: {  	s3 =	srdreg.scid  }
0x3: {  	s0 =	sand.u32 $0x1, s3  }
0x4: {  	s17 =	sshll.u32 s0, $0xA;
	s1 =	sadd.s32 s2, s1  }
0x5: {  	s1 =	sadd.s32 s1, s17  }
0x6: {  	[smem:$0x3FC6] =	sst s1  }
0x7: {  	_ = 	snop  }
0x8: {  	(tm) =	ssettm $0x1  }
0x9: {  	s18 =	sld [smem:$0x3FFB];
	_ =	sdelay $0x3  }
0xa: {  	_ =	strace s18  }
0xb: {  	s1 =	sld [smem:$0x3FFC];
	_ =	sdelay $0x3  }
0xc: {  	_ =	strace s1  }
0xd: {  	s1 =	sld [smem:$0x3FFD];
	_ =	sdelay $0x3  }
0xe: {  	_ =	strace s1  }
0xf: {  	_ =	strace $0x8FFFFFFF  }
0x10: {  	s19 =	sld [smem:$0x3FDB];
	_ =	sdelay $0x1  }
0x11: {  	s20 =	simm.s32 $_scs_section_size  }
0x12: {  	s4 =	simm.s32 $_size__tile_overlayer_lowered;
	s5 =	simm.s32 $_tile_overlayer_lowered  }
0x13: {  	s23 =	simm.s32 $0x1BFF;
	s22 =	sshll.u32 s5, $0x1;
	s1 =	sadd.s32 s20, s19  }
0x14: {  	s6 =	simm.s32 $0x0;
	s21 =	sshll.u32 s4, $0x1;
	s4 =	sadd.s32 s22, s1  }
0x15: {  	[timem:s6], [sflag:s23] =	dma.local [hbm:s4], s21  }
0x16: {  	_ =	swait.ge [sflag:s23], s21  }
0x17: {  	s2 =	ssub.s32 $0x0, s21;
	[sflag:s23] =	ssyncset.done $0x0  }
0x18: {  	[sflag:s23] =	ssyncadd.s32 s2;
	_ =	sdelay $0x1  }
0x19: {  	s24 =	simm.s32 $0x1B8B  }
0x1a: {  	_ =	swait.ge [sflag:s24], $0x1  }
0x1b: {  	[sflag:s24] =	ssyncset.done $0x0  }
0x1c: {  	s26 =	simm.s32 $0x1B8E;
	s25 =	sld [smem:$0x3FFE];
	[sflag:s24] =	ssyncadd.s32 $0xFFFFFFFF  }
0x1d: {  	s27 =	simm.s32 $execute0_lowered;
	[smem:$0x3FD2] =	sst s26  }
0x1e: {  	s4 =	sshll.u32 s27, $0x1;
	_ =	strace $0x80000046;
	[dreg:$0x1] =	wrdreg $0xFFFFFFFF  }
0x1f: {  	s28 =	simm.s32 $_size_execute0_lowered;
	s1 =	sadd.s32 s1, s4;
	[dreg:$0x0] =	wrdreg $0x0  }
0x20: {  	s4 =	sshll.u32 s28, $0x1;
	[dreg:$0x2] =	wrdreg s1  }
0x21: {  	[dreg:$0x3] =	wrdreg s4  }
0x22: {  	[dreg:$0x4] =	wrdreg $0xC0  }
0x23: {  	_ =	task [dreg:s6], $0x5FFFF  }
0x24: {  	[dreg:$0x1] =	wrdreg $0xFFFFFFFF  }
0x25: {  	[dreg:$0x0] =	wrdreg $0x60  }
0x26: {  	[dreg:$0x2] =	wrdreg s25  }
0x27: {  	[dreg:$0x3] =	wrdreg $0x9  }
0x28: {  	_ =	task.clear_ibuf [dreg:s6], $0x4FFFF;
	_ =	strace $0x90000046  }
0x29: {  	s29 =	simm.s32 $0x9;
	_ =	strace $0x80000048  }
0x2a: {  	_ =	swait.ge [sflag:s29], $0x1  }
0x2b: {  	[sflag:s29] =	ssyncadd.s32 $0xFFFFFFFF  }
0x2c: {  	_ =	strace $0x90000048  }
0x2d: {  	_ =	sfence  }
0x2e: {  	s30 =	sld [smem:$0x0];
	_ =	sdelay $0x2  }
0x2f: {  	s31 =	sshll.u32 s3, $0xD;
	s3 =	sshrl.u32 s3, $0x2  }
0x30: {  	s2 =	sand.u32 $0x4000, s31;
	s1 =	sadd.s32 s3, s30  }
0x31: {  	s0 =	sor.u32 s2, s0;
	s1 =	sshll.u32 s1, $0x11  }
0x32: {  	s0 =	sor.u32 s1, s0  }
0x33: {  	s0 =	sadd.s32 $0x8F2B, s0  }
0x34: {  	[sflag:s0] =	ssyncadd.remote.s32 $0x1  }
0x35: {  	_ =	sfence.sel $0xFFFF  }
0x36: {  	[dreg:$0x0] =	wrdreg $0xFFFFFFFF;
	(pc) =	sbr.abs _section_cstart, $3  }
0x37: {  	[dreg:$0x1] =	wrdreg $0xFFFFFFFF  }
0x38: {  	_ =	task.clear_ibuf [dreg:s6], $0x2FFFF;
	_ =	strace $0x9FFFFFFF  }
0x39: {  	(tm) =	ssettm $0x7FFFFFFF  }
tec
execute0_lowered:
.L_overlay_start_1:
0x0: {  	(tag) =	ssettag $0x1  }
0x1: {  	s0 =	srdreg.scid;
	s5 =	rddreg [dreg:$0x0];
	s6 =	simm.s32 $0x2  }
0x2: {  	s16 =	simm.s32 $0x0;
	p0 =	por $0x0, $0x0;
	s8 =	simm.s32 $0x80  }
0x3: {  	s17 =	simm.s32 $0x0;
	s18 =	simm.s32 $0x0;
	s1 =	sshll.u32 s0, $0x4  }
0x4: {  	s9 =	simm.s32 $0x0;
	s0 =	stileid.u32;
	s1 =	sand.u32 $0x10, s1  }
0x5: {  	s10 =	simm.s32 $0x0;
	s11 =	simm.s32 $0x0;
	s1 =	sor.u32 s0, s1  }
0x6: {  	s13 =	simm.s32 $0x0;
	s14 =	simm.s32 $0x0;
	s2 =	sshll.u32 s1, $0x7  }
.Ltmp0:
0x7: {  	s15 =	simm.s32 $0x0;
	s3 =	ssub.s32 $0x4E00, s2;
	(pc) =	sbr.rel .LBB1_1-.Ltmp0, $4  }
0x8: {  	s1 =	rddreg [dreg:$0x1];
	_ =	strace $0x80000047;
	s4 =	sshrl.u32 s3, $0xC  }
0x9: {  	s12 =	smov.u32 s2;
	s3 =	simm.s32 $0x1;
	s7 =	smul.u32 $0x28, s4  }
0xa: {  	s4 =	sadd.s32 $0x1D800, s5;
	[sflag:s3] =	ssyncpa.u1 $0x0;
	s5 =	sadd.s32 $0x1A6000, s5  }
0xb: {  	[sflag:s6] =	ssyncpa.u1 $0x0;
	s6 =	sadd.s32 $0x28, s7;
	s7 =	sadd.s32 $0x29, s7  }
.LBB1_5:
0xc: {  	p1 =	slt.u32 s15, $0x2  }
0xd: {  	s19 =	smov.u32 s18;
	p2 =	sgt.s32 @!p1 s18, $0x27  }
0xe: {  	s20 =	sshra.s32 @!p1 s18, $0x1F;
	p3 =	sgt.s32 @!p1 s16, $0x4DA0;
	p4 =	sgt.s32 @!p1 s17, $0x70  }
0xf: {  	s21 =	sshra.s32 @!p1 s17, $0x1F;
	p2 =	por !p2, p1;
	s18 =	sand.u32 @!p1 s20, s18  }
0x10: {  	p4 =	por !p4, p1;
	s20 =	smov.u32 s17;
	s19 =	simm.s32 @p2 $0x27  }
0x11: {  	s17 =	sand.u32 @!p1 s21, s17;
	s20 =	simm.s32 @p4 $0x70;
	s18 =	ssub.s32 @!p1 s19, s18  }
0x12: {  	p3 =	por !p3, p1;
	s17 =	ssub.s32 @!p1 s20, s17;
	s19 =	sadd.s32 @!p1 $0xFFFFFFD9, s18  }
0x13: {  	s20 =	sshra.s32 @!p1 s16, $0x1F;
	s18 =	ssub.s32 @!p1 $0x28, s18;
	p2 =	sgt.s32 @!p1 s19, $0x0  }
0x14: {  	s19 =	smov.u32 s16;
	s16 =	sand.u32 @!p1 s20, s16;
	s20 =	sadd.s32 @!p1 $0xFFFFFF90, s17  }
0x15: {  	s17 =	ssub.s32 @!p1 $0x80, s17;
	s19 =	simm.s32 @p3 $0x4DA0;
	p2 =	por !p2, p1  }
0x16: {  	s18 =	simm.s32 @!p2 $0x0;
	s16 =	ssub.s32 @!p1 s19, s16;
	p2 =	sgt.s32 @!p1 s20, $0xF  }
0x17: {  	s20 =	smov.u32 s13;
	s19 =	sadd.s32 @!p1 $0xFFFFB260, s16;
	p2 =	por !p2, p1  }
0x18: {  	s16 =	ssub.s32 @!p1 $0x4E20, s16;
	s17 =	simm.s32 @!p2 $0x0;
	p2 =	sgt.s32 @!p1 s19, $0x7F  }
0x19: {  	s19 =	sadd.s32 $0x1000, s12;
	p2 =	por !p2, p1;
	s17 =	smul.u32 @!p1 s18, s17  }
0x1a: {  	s18 =	sadd.s32 $0x10, s13;
	s16 =	simm.s32 @!p2 $0x0;
	p2 =	sgt.s32 s19, $0x4E1F  }
0x1b: {  	s16 =	smul.u32 @!p1 s16, s17;
	s20 =	smov.u32 @p2 s18  }
0x1c: {  	s19 =	smov.u32 @p2 s2;
	s17 =	simm.s32 $0x1;
	p2 =	sgt.s32 s20, $0xF  }
0x1d: {  	s17 =	simm.s32 @!p2 $0x0  }
0x1e: {  	p0 =	por !p0, !p0;
	s23 =	sadd.s32 s17, s14  }
0x1f: {  	s21 =	simm.s32 @!p1 $0x2;
	s20 =	simm.s32 @p2 $0x0;
	p2 =	sgt.s32 s23, $0x27  }
0x20: {  	s18 =	smov.u32 s11;
	s23 =	simm.s32 @p2 $0x0;
	p2 =	sne.s32 s15, s7  }
.Ltmp1:
0x21: {  	s11 =	smov.u32 s14;
	s16 =	sand.u32 @!p1 $0x3FFFFFFF, s16;
	(pc) =	sbr.rel @!p2 .LBB1_6-.Ltmp1, $4  }
0x22: {  	_ =	swait.ge @!p1 [sflag:s21], s16;
	s22 =	ssub.s32 @!p1 $0x0, s16;
	s16 =	smov.u32 s9  }
0x23: {  	s17 =	smov.u32 s10;
	s9 =	smov.u32 s12;
	s10 =	smov.u32 s13  }
0x24: {  	s12 =	smov.u32 s19;
	s13 =	smov.u32 s20;
	[sflag:s21] =	ssyncset.done @!p1 $0x0  }
0x25: {  	s15 =	sadd.s32 $0x1, s15;
	[sflag:s21] =	ssyncadd.s32 @!p1 s22;
	s14 =	smov.u32 s23  }
.LBB1_1:
0x26: {  	p1 =	sge.u32 s15, s6  }
0x27: {  	s19 =	sshrl.u32 @!p1 s13, $0x3  }
0x28: {  	s20 =	sshll.u32 @!p1 s12, $0x3;
	s19 =	smul.u32 @!p1 $0x27400, s19  }
0x29: {  	s21 =	sshll.u32 @!p1 s13, $0x7;
	s20 =	sand.u32 @!p1 $0xFFFFFC00, s20  }
0x2a: {  	s19 =	sadd.s32 @!p1 s19, s20;
	s20 =	sand.u32 @!p1 $0x380, s21  }
0x2b: {  	s21 =	sand.u32 @!p1 $0x7F, s12;
	s19 =	sor.u32 @!p1 s20, s19  }
0x2c: {  	s20 =	sor.u32 @!p1 s21, s19  }
0x2d: {  	s21 =	smulhi.u32 @!p1 $0x342DA7F3, s20  }
0x2e: {  	s19 =	smulhi.u32 @!p1 $0x342DA7F3, s19  }
0x2f: {  	s21 =	sshrl.u32 @!p1 s21, $0xC  }
0x30: {  	s19 =	sshrl.u32 @!p1 s19, $0xC;
	s21 =	smul.u32 @!p1 $0x4E80, s21  }
0x31: {  	s22 =	sxor.u32 @!p1 $0xFFFFFFFF, s15;
	s23 =	smul.u32 @!p1 $0x9D00, s14;
	s19 =	sand.u32 @!p1 $0xF, s19  }
0x32: {  	s22 =	sshll.u32 @!p1 s22, $0xB;
	s19 =	smul.u32 @!p1 $0x9D0, s19;
	s20 =	ssub.s32 @!p1 s20, s21  }
0x33: {  	s21 =	sand.u32 @!p1 $0x800, s22;
	s22 =	sadd.s32 @!p1 s4, s23;
	s23 =	sand.u32 @!p1 $0x7, s20  }
0x34: {  	s20 =	sshrl.u32 @!p1 s20, $0x3;
	s19 =	sadd.s32 @!p1 s19, s22;
	s22 =	sshll.u32 @!p1 s23, $0x12  }
0x35: {  	s19 =	sadd.s32 @!p1 s20, s19;
	s20 =	sor.u32 @!p1 $0x400, s22;
	s22 =	simm.s32 @!p1 $0x27400  }
0x36: {  	[tilespmem:s21], [sflag:$0x1] =	stream.strided.gather @!p1 [hbm4b:s19+s20], $0x800, s22, s20, $0x38;
	[tilespmem:$0x2100] =	vst v63  }
0x37: {  	p1 =	seq.s32 s15, $0x0  }
0x38: {  	p2 =	sge.u32 @!p1 s15, s7  }
0x39: {  	p1 =	por p1, p2  }
.Ltmp2:
0x3a: {  	_ = 	snop;
	(pc) =	sbr.rel @p1 .LBB1_5-.Ltmp2, $1  }
0x3b: {  	_ =	sdelay $0x3  }
0x3c: {  	s19 =	simm.s32 $0x1  }
0x3d: {  	_ =	swait.ge [sflag:s3], $0x800;
	s19 =	simm.s32 @!p0 $0x0  }
0x3e: {  	[sflag:s3] =	ssyncset.done $0x0;
	s20 =	sshll.u32 s19, $0xB  }
0x3f: {  	[sflag:s3] =	ssyncadd.s32 $0xFFFFF800;
	s20 =	sor.u32 $0x40, s20  }
0x40: {  	s19 =	smul.u32 $0x2200, s19;
	v0 =	vld [tilespmem:s20+$0x30]  }
0x41: {  	v1 =	vld [tilespmem:s20+$0xFFFFFFD0]  }
0x42: {  	s19 =	sshrl.u32 s19, $0x2;
	v5 =	vld [tilespmem:s20+$0xFFFFFFE0]  }
0x43: {  	v6 =	vld [tilespmem:s20+$0xFFFFFFF0];
	s22 =	sor.u32 $0x1000, s19  }
0x44: {  	s31 =	sand.u32 $0x1, s15;
	v4 =	vld [tilespmem:s20+$0x0];
	s21 =	sadd.s32 $0x0, s22  }
0x45: {  	v3 =	vld [tilespmem:s20+$0x10];
	s19 =	smul.u32 $0x2200, s31;
	[tilespmem:s21+$0x770 ss:$0x11] =	vst.msk $0xffff, v0  }
0x46: {  	v2 =	vld [tilespmem:s20+$0x20];
	[tilespmem:s21+$0x110 ss:$0x11] =	vst.msk $0xffff, v1  }
0x47: {  	s19 =	sshrl.u32 s19, $0x2;
	v1 =	vld [tilespmem:s20+$0xFFFFFFC0];
	[tilespmem:s21+$0x220 ss:$0x11] =	vst.msk $0xffff, v5;
	s20 =	sadd.s32 $0x80, s20  }
0x48: {  	s23 =	simm.s32 $0x4;
	s24 =	simm.s32 $0x8;
	s19 =	sor.u32 $0x1000, s19;
	[tilespmem:s21+$0x330 ss:$0x11] =	vst.msk $0xffff, v6;
	v0 =	vld [tilespmem:s20+$0x30]  }
.LBB1_3:
0x49: {  	p1 =	sne.s32 s24, $0x3C;
	v5 =	vld [tilespmem:s20+$0xFFFFFFD0];
	[tilespmem:s21+$0x440 ss:$0x11] =	vst.msk $0xffff, v4  }
0x4a: {  	v6 =	vld [tilespmem:s20+$0xFFFFFFE0];
	[tilespmem:s21+$0x550 ss:$0x11] =	vst.msk $0xffff, v3  }
0x4b: {  	s25 =	sshra.s32 s23, $0x2;
	s23 =	smov.u32 s24;
	v7 =	vld [tilespmem:s20+$0xFFFFFFF0];
	[tilespmem:s21+$0x660 ss:$0x11] =	vst.msk $0xffff, v2  }
.Ltmp3:
0x4c: {  	v4 =	vld [tilespmem:s20+$0x0];
	[tilespmem:s21+$0x0 ss:$0x11] =	vst.msk $0xffff, v1;
	s21 =	sadd.s32 s25, s22;
	(pc) =	sbr.rel @p1 .LBB1_3-.Ltmp3, $4  }
0x4d: {  	v3 =	vld [tilespmem:s20+$0x10];
	[tilespmem:s21+$0x770 ss:$0x11] =	vst.msk $0xffff, v0  }
0x4e: {  	[tilespmem:s21+$0x110 ss:$0x11] =	vst.msk $0xffff, v5;
	v2 =	vld [tilespmem:s20+$0x20]  }
0x4f: {  	v1 =	vld [tilespmem:s20+$0xFFFFFFC0];
	[tilespmem:s21+$0x220 ss:$0x11] =	vst.msk $0xffff, v6;
	s20 =	sadd.s32 $0x80, s20  }
0x50: {  	s24 =	sadd.s32 $0x4, s24;
	v0 =	vld [tilespmem:s20+$0x30];
	[tilespmem:s21+$0x330 ss:$0x11] =	vst.msk $0xffff, v7  }
0x51: {  	s24 =	sshll.u32 s9, $0x7  }
0x52: {  	s25 =	sshll.u32 s10, $0x3;
	s23 =	sshra.s32 s23, $0x2;
	p1 =	sgt.s32 s11, $0x27  }
0x53: {  	s28 =	sshra.s32 s11, $0x1F;
	p2 =	sgt.s32 s10, $0x70;
	s27 =	smov.u32 s10  }
0x54: {  	s31 =	sshra.s32 s9, $0x1F;
	s26 =	sand.u32 $0xFFFFFC00, s24;
	s25 =	sand.u32 $0xFFFFFC00, s25  }
0x55: {  	s24 =	sand.u32 $0x380, s24;
	s22 =	sadd.s32 s23, s22;
	s27 =	simm.s32 @!p2 $0x70  }
0x56: {  	p2 =	sgt.s32 s9, $0x4DA0;
	s25 =	sadd.s32 s25, s26;
	s26 =	sand.u32 s28, s11  }
0x57: {  	[tilespmem:s21+$0x440 ss:$0x11] =	vst.msk $0xffff, v4;
	s28 =	sshra.s32 s10, $0x1F;
	s24 =	sor.u32 s24, s25;
	s25 =	smov.u32 s11  }
0x58: {  	[tilespmem:s21+$0x550 ss:$0x11] =	vst.msk $0xffff, v3;
	s30 =	sand.u32 s28, s10;
	s28 =	smov.u32 s9;
	s25 =	simm.s32 @!p1 $0x27  }
0x59: {  	v5 =	vld [tilespmem:s20+$0xFFFFFFD0];
	[tilespmem:s21+$0x660 ss:$0x11] =	vst.msk $0xffff, v2;
	s24 =	sshrl.u32 s24, $0x7;
	s28 =	simm.s32 @!p2 $0x4DA0;
	s25 =	ssub.s32 s25, s26  }
0x5a: {  	v58 =	vld [tilespmem:s20+$0xFFFFFFE0];
	[tilespmem:s21+$0x0 ss:$0x11] =	vst.msk $0xffff, v1;
	s29 =	smulhi.u32 $0x1A36E2F, s24;
	s26 =	sadd.s32 $0xFFFFFFD9, s25;
	s21 =	ssub.s32 $0x28, s25  }
0x5b: {  	v59 =	vld [tilespmem:s20+$0xFFFFFFF0];
	p1 =	sgt.s32 s26, $0x0;
	s26 =	ssub.s32 s27, s30;
	s27 =	sand.u32 s31, s9  }
0x5c: {  	v60 =	vld [tilespmem:s20+$0x0];
	s23 =	sshrl.u32 s29, $0x7;
	s29 =	ssub.s32 s28, s27;
	s30 =	sadd.s32 $0xFFFFFF90, s26  }
0x5d: {  	v61 =	vld [tilespmem:s20+$0x10];
	[tilespmem:s22+$0x770 ss:$0x11] =	vst.msk $0xffff, v0;
	s21 =	simm.s32 @p1 $0x0;
	s26 =	ssub.s32 $0x80, s26;
	p1 =	sgt.s32 s30, $0xF  }
0x5e: {  	v62 =	vld [tilespmem:s20+$0x20];
	[tilespmem:s22+$0x110 ss:$0x11] =	vst.msk $0xffff, v5;
	s23 =	smul.u32 $0x4E20, s23;
	s27 =	sshrl.u32 s10, $0x3;
	s26 =	simm.s32 @p1 $0x0  }
0x5f: {  	v63 =	vld [tilespmem:s20+$0xFFFFFFC0];
	[tilespmem:s22+$0x220 ss:$0x11] =	vst.msk $0xffff, v58;
	s31 =	sadd.s32 $0xFFFFB260, s29;
	s20 =	ssub.s32 $0x4E20, s29;
	s21 =	smul.u32 s21, s26  }
0x60: {  	[tilespmem:s22+$0x330 ss:$0x11] =	vst.msk $0xffff, v59;
	s29 =	sand.u32 $0x7, s10;
	p1 =	sgt.s32 s31, $0x7F;
	s26 =	smul.u32 $0x4E200, s11  }
.Ltmp4:
0x61: {  	[tilespmem:s22+$0x440 ss:$0x11] =	vst.msk $0xffff, v60;
	s23 =	ssub.s32 s24, s23;
	s20 =	simm.s32 @p1 $0x0;
	(pc) =	sbr.rel .LBB1_5-.Ltmp4, $4  }
0x62: {  	[tilespmem:s22+$0x550 ss:$0x11] =	vst.msk $0xffff, v61;
	s20 =	smul.u32 s20, s21;
	s21 =	sand.u32 $0xF, s27;
	s28 =	sadd.s32 s5, s26  }
0x63: {  	[tilespmem:s22+$0x660 ss:$0x11] =	vst.msk $0xffff, v62;
	s30 =	sshll.u32 s29, $0x12;
	s23 =	sshll.u32 s23, $0x4;
	s21 =	sadd.s32 s21, s28  }
0x64: {  	[tilespmem:s22+$0x0 ss:$0x11] =	vst.msk $0xffff, v63;
	s31 =	sor.u32 $0x10, s30;
	s20 =	sand.u32 $0x3FFFFFFF, s20;
	s21 =	sadd.s32 s23, s21  }
0x65: {  	[hbm4b:s21+s31] =	stream.strided.scatter [tilespmem:s19], [sflag:$0x2], s20, s8, s31, $0x8;
	[tilespmem:$0x2100] =	vst v63  }
.LBB1_6:
0x66: {  	_ =	sfence.sel $0x180000  }
0x67: {  	s2 =	simm.s32 $0x1;
	[bflag:$0x0] =	sbarrier.arrive $0xFFFF  }
0x68: {  	s31 =	simm.s32 $0x2;
	[sflag:s2] =	ssyncpa.u1 $0x1  }
0x69: {  	[sflag:s31] =	ssyncpa.u1 $0x1  }
0x6a: {  	p0 =	sne.s32 s0, $0x0;
	_ =	strace $0x90000047  }
0x6b: {  	s0 =	sadd.s32 @!p0 $0x100000, s1;
	[bflag:$0x2] =	sbarrier.arrive $0xFFFF  }
0x6c: {  	[sflag:s0] =	ssyncadd.tile.s32 @!p0 $0x1;
	_ =	shalt  }
.Lfunc_end1:
_tile_overlayer_lowered:
.L_overlay_start_2:
0x6d: {  	(tag) =	ssettag $0x2  }
0x6e: {  	s0 =	rddreg [dreg:$0x0];
	s2 =	stileid.u32  }
0x6f: {  	s1 =	rddreg [dreg:$0x1];
	p0 =	sne.s32 s2, $0x0  }
0x70: {  	s3 =	rddreg [dreg:$0x2];
	[bflag:$0x3] =	sbarrier.arrive $0xFFFF;
	s2 =	simm.s32 @!p0 $0x1C01  }
0x71: {  	[timem:s3], [sflag:s2] =	dma.local @!p0 [hbm:s0], s1  }
0x72: {  	s0 =	simm.s32 @!p0 $0x1  }
0x73: {  	_ =	swait.ge @!p0 [sflag:s0], s1  }
0x74: {  	s1 =	ssub.s32 @!p0 $0x0, s1;
	[sflag:s0] =	ssyncset.done @!p0 $0x0  }
0x75: {  	[sflag:s0] =	ssyncadd.s32 @!p0 s1  }
0x76: {  	[bflag:$0x3] =	sbarrier.arrive $0xFFFF  }
0x77: {  	_ =	shalt  }

</sc_bundles>
